<compile_context>
chip_gen: v7x
topology: tpu7x:2x2x1
jax: 0.10.2.dev20260603
libtpu: 0.0.44.dev20260713+nightly
codegen_flags: <defaults>
</compile_context>

<pallas_src>
import functools

import jax
import jax.numpy as jnp
from jax import lax
from jax.experimental import pallas as pl
from jax.experimental.pallas import tpu as pltpu
from jax.experimental.pallas import tpu_sc as plsc

CHUNK = 128
NG = 5
LAG = 4


@functools.lru_cache(maxsize=None)
def _build(n_i: int, n_j: int, d_embed: int, d_pad: int):
    info = plsc.get_sparse_core_info()
    nw = info.num_cores * info.num_subcores
    nc = info.num_cores
    i_per_w = n_i // nw
    m_per_j = i_per_w // CHUNK
    n_chunks = n_j * m_per_j

    mesh = plsc.VectorSubcoreMesh(core_axis_name="c", subcore_axis_name="s")

    @functools.partial(
        pl.kernel,
        mesh=mesh,
        out_type=jax.ShapeDtypeStruct((n_j, d_embed, n_i), jnp.float32),
        scratch_types=[
            pltpu.VMEM((n_j, i_per_w), jnp.int32),
            pltpu.VMEM((NG, CHUNK, d_pad), jnp.float32),
            pltpu.VMEM((2, d_embed, CHUNK), jnp.float32),
            pltpu.SemaphoreType.DMA,
            pltpu.SemaphoreType.DMA,
        ],
        compiler_params=pltpu.CompilerParams(
            use_tc_tiling_on_sc=True, needs_layout_passes=False
        ),
    )
    def k(xt_hbm, tpad_hbm, out_hbm, idx_v, g_v, t_v, gsem, osem):
        wid = lax.axis_index("s") * nc + lax.axis_index("c")
        i_base = wid * i_per_w
        pltpu.sync_copy(xt_hbm.at[:, pl.ds(i_base, i_per_w)], idx_v)

        def gather(c):
            j = c // m_per_j
            m = lax.rem(c, m_per_j)
            return pltpu.make_async_copy(
                tpad_hbm.at[idx_v.at[j, pl.ds(m * CHUNK, CHUNK)]],
                g_v.at[lax.rem(c, NG)],
                gsem,
            )

        def writeback(c, tb):
            j = c // m_per_j
            m = lax.rem(c, m_per_j)
            return pltpu.make_async_copy(
                t_v.at[tb],
                out_hbm.at[j, :, pl.ds(i_base + m * CHUNK, CHUNK)],
                osem,
            )

        lane = lax.iota(jnp.int32, 16)
        diag = [lax.rem(lane + c, 16) for c in range(16)]

        for c in range(LAG):
            gather(c).start()

        def body(c, carry):
            @pl.when(c < n_chunks - LAG)
            def _():
                gather(c + LAG).start()

            @pl.when(c >= 2)
            def _():
                writeback(c - 2, lax.rem(c, 2)).wait()

            gather(c).wait()
            gb = lax.rem(c, NG)
            tb = lax.rem(c, 2)
            t2d = t_v.at[tb]
            g2d = g_v.at[gb]

            def trans_blk(b, carry2):
                row_v = lane + b * 16
                for e0 in range(0, d_embed, 16):
                    for cc in range(16):
                        e_v = diag[cc] + e0
                        d = plsc.load_gather(g2d, [row_v, e_v])
                        plsc.store_scatter(t2d, [e_v, row_v], d)
                return carry2

            lax.fori_loop(0, CHUNK // 16, trans_blk, 0)
            writeback(c, tb).start()
            return carry

        lax.fori_loop(0, n_chunks, body, 0)
        writeback(n_chunks - 2, lax.rem(n_chunks - 2, 2)).wait()
        writeback(n_chunks - 1, lax.rem(n_chunks - 1, 2)).wait()

    return k


def kernel(x, table):
    n_i, n_j = x.shape
    d_embed = table.shape[1]
    d_pad = 128
    xt = x.T.astype(jnp.int32)
    tpad = jnp.pad(table, ((0, 0), (0, d_pad - d_embed)))
    out3 = _build(n_i, n_j, d_embed, d_pad)(xt, tpad)
    return jnp.transpose(out3, (2, 0, 1))

# --- scband reference (transcript-rebuilt; emitter-appended) ---
"""Pipeline reference for scband-embedding-22316650070542 (READ-ONLY COPY).

The authoritative reference and input builder live on the scoring server;
editing this copy changes nothing except your own understanding.
"""

import jax, jax.numpy as jnp
import numpy as np

D_VOCAB = 1000000
D_EMBED = 64

def setup_inputs(seed: int = 0) -> dict:
    key = jax.random.key(seed)
    k_idx, k_tab = jax.random.split(key)
    x = jax.random.randint(k_idx, (16384, 50), 0, D_VOCAB, dtype=jnp.int64 if jax.config.jax_enable_x64 else jnp.int32)
    table = jax.random.normal(k_tab, (D_VOCAB, D_EMBED), dtype=jnp.float32)
    return {"x": x, "table": table}

def reference(x, table):
    # Faithful translation of torch.nn.Embedding lookup
    return jnp.take(table, x, axis=0)

if __name__ == "__main__":
    import jax
    _d = setup_inputs()
    print(jax.jit(kernel)(*tuple(_d.values())))

</pallas_src>

<mosaic_0001>
#map = affine_map<(d0, d1) -> (0, 0)>
#map1 = affine_map<(d0, d1) -> (0, 0, 0)>
module attributes {stable_mosaic.version = 14 : i64} {
  func.func @k(%arg0: i32, %arg1: i32, %arg2: memref<50x16384xi32, #tpu.memory_space<hbm>>, %arg3: memref<1000000x128xf32, #tpu.memory_space<hbm>>, %arg4: memref<50x64x16384xf32, #tpu.memory_space<hbm>>, %arg5: memref<50x512xi32, #tpu.memory_space<vmem>>, %arg6: memref<5x128x128xf32, #tpu.memory_space<vmem>>, %arg7: memref<2x64x128xf32, #tpu.memory_space<vmem>>, %arg8: memref<!tpu.dma_semaphore, #tpu.memory_space<semaphore_mem>>, %arg9: memref<!tpu.dma_semaphore, #tpu.memory_space<semaphore_mem>>) attributes {dimension_semantics = [#tpu.dimension_semantics<core_parallel>, #tpu.dimension_semantics<subcore_parallel>], iteration_bounds = array<i64: 2, 16>, scalar_prefetch = 0 : i64, scratch_operands = 5 : i64, tpu.core_type = #tpu.core_type<sc_vector_subcore>, window_params = [{transform_indices = #map}, {transform_indices = #map}, {transform_indices = #map1}]} {
    %mul3A = arith.constant 2 : i32
    %mul3A_0 = arith.muli %arg1, %mul3A : i32
    %add3A = arith.addi %mul3A_0, %arg0 : i32
    %mul3A_1 = arith.constant 512 : i32
    %mul3A_2 = arith.muli %add3A, %mul3A_1 : i32
    "tpu.region"() ({
      %run_scoped3A = tpu.sem_alloc : memref<!tpu.dma_semaphore, #tpu.memory_space<semaphore_mem>>
      %dma_start3A_221 = arith.constant 0 : i32
      %dma_start3A_222 = tpu.memref_slice %arg2[%dma_start3A_221, %mul3A_2] : memref<50x16384xi32, #tpu.memory_space<hbm>> -> memref<50x512xi32, #tpu.memory_space<hbm>>
      %dma_start3A_223 = arith.constant 0 : i32
      %dma_start3A_224 = tpu.memref_slice %arg2[%dma_start3A_223, %mul3A_2] : memref<50x16384xi32, #tpu.memory_space<hbm>> -> memref<50x512xi32, #tpu.memory_space<hbm>>
      tpu.enqueue_dma source(%dma_start3A_224 : memref<50x512xi32, #tpu.memory_space<hbm>>) target(%arg5 : memref<50x512xi32, #tpu.memory_space<vmem>>) target_semaphore(%run_scoped3A : memref<!tpu.dma_semaphore, #tpu.memory_space<semaphore_mem>>)
      %dma_wait3A_225 = arith.constant 0 : i32
      %dma_wait3A_226 = tpu.memref_slice %arg2[%dma_wait3A_225, %mul3A_2] : memref<50x16384xi32, #tpu.memory_space<hbm>> -> memref<50x512xi32, #tpu.memory_space<hbm>>
      %dma_wait3A_227 = arith.constant 0 : i32
      %dma_wait3A_228 = tpu.memref_slice %arg2[%dma_wait3A_227, %mul3A_2] : memref<50x16384xi32, #tpu.memory_space<hbm>> -> memref<50x512xi32, #tpu.memory_space<hbm>>
      tpu.wait_dma2 semaphore(%run_scoped3A : memref<!tpu.dma_semaphore, #tpu.memory_space<semaphore_mem>>) src(%dma_wait3A_228 : memref<50x512xi32, #tpu.memory_space<hbm>>) dst(%arg5 : memref<50x512xi32, #tpu.memory_space<vmem>>)
      tpu.yield
    }) : () -> ()
    %iota3A = tpu.iota {dimensions = array<i32: 0>} : vector<16xi32>
    %add3A_3 = arith.constant 0 : i32
    %add3A_4 = vector.broadcast %add3A_3 : i32 to vector<16xi32>
    %add3A_5 = arith.addi %iota3A, %add3A_4 : vector<16xi32>
    %rem3A = arith.constant 16 : i32
    %rem3A_6 = vector.broadcast %rem3A : i32 to vector<16xi32>
    %rem3A_7 = arith.remsi %add3A_5, %rem3A_6 : vector<16xi32>
    %add3A_8 = arith.constant 1 : i32
    %add3A_9 = vector.broadcast %add3A_8 : i32 to vector<16xi32>
    %add3A_10 = arith.addi %iota3A, %add3A_9 : vector<16xi32>
    %rem3A_11 = arith.constant 16 : i32
    %rem3A_12 = vector.broadcast %rem3A_11 : i32 to vector<16xi32>
    %rem3A_13 = arith.remsi %add3A_10, %rem3A_12 : vector<16xi32>
    %add3A_14 = arith.constant 2 : i32
    %add3A_15 = vector.broadcast %add3A_14 : i32 to vector<16xi32>
    %add3A_16 = arith.addi %iota3A, %add3A_15 : vector<16xi32>
    %rem3A_17 = arith.constant 16 : i32
    %rem3A_18 = vector.broadcast %rem3A_17 : i32 to vector<16xi32>
    %rem3A_19 = arith.remsi %add3A_16, %rem3A_18 : vector<16xi32>
    %add3A_20 = arith.constant 3 : i32
    %add3A_21 = vector.broadcast %add3A_20 : i32 to vector<16xi32>
    %add3A_22 = arith.addi %iota3A, %add3A_21 : vector<16xi32>
    %rem3A_23 = arith.constant 16 : i32
    %rem3A_24 = vector.broadcast %rem3A_23 : i32 to vector<16xi32>
    %rem3A_25 = arith.remsi %add3A_22, %rem3A_24 : vector<16xi32>
    %add3A_26 = arith.constant 4 : i32
    %add3A_27 = vector.broadcast %add3A_26 : i32 to vector<16xi32>
    %add3A_28 = arith.addi %iota3A, %add3A_27 : vector<16xi32>
    %rem3A_29 = arith.constant 16 : i32
    %rem3A_30 = vector.broadcast %rem3A_29 : i32 to vector<16xi32>
    %rem3A_31 = arith.remsi %add3A_28, %rem3A_30 : vector<16xi32>
    %add3A_32 = arith.constant 5 : i32
    %add3A_33 = vector.broadcast %add3A_32 : i32 to vector<16xi32>
    %add3A_34 = arith.addi %iota3A, %add3A_33 : vector<16xi32>
    %rem3A_35 = arith.constant 16 : i32
    %rem3A_36 = vector.broadcast %rem3A_35 : i32 to vector<16xi32>
    %rem3A_37 = arith.remsi %add3A_34, %rem3A_36 : vector<16xi32>
    %add3A_38 = arith.constant 6 : i32
    %add3A_39 = vector.broadcast %add3A_38 : i32 to vector<16xi32>
    %add3A_40 = arith.addi %iota3A, %add3A_39 : vector<16xi32>
    %rem3A_41 = arith.constant 16 : i32
    %rem3A_42 = vector.broadcast %rem3A_41 : i32 to vector<16xi32>
    %rem3A_43 = arith.remsi %add3A_40, %rem3A_42 : vector<16xi32>
    %add3A_44 = arith.constant 7 : i32
    %add3A_45 = vector.broadcast %add3A_44 : i32 to vector<16xi32>
    %add3A_46 = arith.addi %iota3A, %add3A_45 : vector<16xi32>
    %rem3A_47 = arith.constant 16 : i32
    %rem3A_48 = vector.broadcast %rem3A_47 : i32 to vector<16xi32>
    %rem3A_49 = arith.remsi %add3A_46, %rem3A_48 : vector<16xi32>
    %add3A_50 = arith.constant 8 : i32
    %add3A_51 = vector.broadcast %add3A_50 : i32 to vector<16xi32>
    %add3A_52 = arith.addi %iota3A, %add3A_51 : vector<16xi32>
    %rem3A_53 = arith.constant 16 : i32
    %rem3A_54 = vector.broadcast %rem3A_53 : i32 to vector<16xi32>
    %rem3A_55 = arith.remsi %add3A_52, %rem3A_54 : vector<16xi32>
    %add3A_56 = arith.constant 9 : i32
    %add3A_57 = vector.broadcast %add3A_56 : i32 to vector<16xi32>
    %add3A_58 = arith.addi %iota3A, %add3A_57 : vector<16xi32>
    %rem3A_59 = arith.constant 16 : i32
    %rem3A_60 = vector.broadcast %rem3A_59 : i32 to vector<16xi32>
    %rem3A_61 = arith.remsi %add3A_58, %rem3A_60 : vector<16xi32>
    %add3A_62 = arith.constant 10 : i32
    %add3A_63 = vector.broadcast %add3A_62 : i32 to vector<16xi32>
    %add3A_64 = arith.addi %iota3A, %add3A_63 : vector<16xi32>
    %rem3A_65 = arith.constant 16 : i32
    %rem3A_66 = vector.broadcast %rem3A_65 : i32 to vector<16xi32>
    %rem3A_67 = arith.remsi %add3A_64, %rem3A_66 : vector<16xi32>
    %add3A_68 = arith.constant 11 : i32
    %add3A_69 = vector.broadcast %add3A_68 : i32 to vector<16xi32>
    %add3A_70 = arith.addi %iota3A, %add3A_69 : vector<16xi32>
    %rem3A_71 = arith.constant 16 : i32
    %rem3A_72 = vector.broadcast %rem3A_71 : i32 to vector<16xi32>
    %rem3A_73 = arith.remsi %add3A_70, %rem3A_72 : vector<16xi32>
    %add3A_74 = arith.constant 12 : i32
    %add3A_75 = vector.broadcast %add3A_74 : i32 to vector<16xi32>
    %add3A_76 = arith.addi %iota3A, %add3A_75 : vector<16xi32>
    %rem3A_77 = arith.constant 16 : i32
    %rem3A_78 = vector.broadcast %rem3A_77 : i32 to vector<16xi32>
    %rem3A_79 = arith.remsi %add3A_76, %rem3A_78 : vector<16xi32>
    %add3A_80 = arith.constant 13 : i32
    %add3A_81 = vector.broadcast %add3A_80 : i32 to vector<16xi32>
    %add3A_82 = arith.addi %iota3A, %add3A_81 : vector<16xi32>
    %rem3A_83 = arith.constant 16 : i32
    %rem3A_84 = vector.broadcast %rem3A_83 : i32 to vector<16xi32>
    %rem3A_85 = arith.remsi %add3A_82, %rem3A_84 : vector<16xi32>
    %add3A_86 = arith.constant 14 : i32
    %add3A_87 = vector.broadcast %add3A_86 : i32 to vector<16xi32>
    %add3A_88 = arith.addi %iota3A, %add3A_87 : vector<16xi32>
    %rem3A_89 = arith.constant 16 : i32
    %rem3A_90 = vector.broadcast %rem3A_89 : i32 to vector<16xi32>
    %rem3A_91 = arith.remsi %add3A_88, %rem3A_90 : vector<16xi32>
    %add3A_92 = arith.constant 15 : i32
    %add3A_93 = vector.broadcast %add3A_92 : i32 to vector<16xi32>
    %add3A_94 = arith.addi %iota3A, %add3A_93 : vector<16xi32>
    %rem3A_95 = arith.constant 16 : i32
    %rem3A_96 = vector.broadcast %rem3A_95 : i32 to vector<16xi32>
    %rem3A_97 = arith.remsi %add3A_94, %rem3A_96 : vector<16xi32>
    %rem3A_98 = arith.constant 0 : i32
    %rem3A_99 = arith.constant 4 : i32
    %rem3A_100 = arith.remsi %rem3A_98, %rem3A_99 : i32
    %mul3A_101 = arith.constant 128 : i32
    %mul3A_102 = arith.muli %rem3A_100, %mul3A_101 : i32
    %rem3A_103 = arith.constant 0 : i32
    %rem3A_104 = arith.constant 5 : i32
    %rem3A_105 = arith.remsi %rem3A_103, %rem3A_104 : i32
    %dma_start3A = arith.constant 0 : i32
    %dma_start3A_106 = arith.constant 0 : i32
    %dma_start3A_107 = arith.constant 0 : i32
    %dma_start3A_108 = tpu.memref_slice %arg6[%rem3A_105, %dma_start3A_106, %dma_start3A_107] : memref<5x128x128xf32, #tpu.memory_space<vmem>> -> memref<1x128x128xf32, #tpu.memory_space<vmem>>
    %dma_start3A_109 = tpu.memref_squeeze %dma_start3A_108 : memref<1x128x128xf32, #tpu.memory_space<vmem>> -> memref<128x128xf32, #tpu.memory_space<vmem>>
    %dma_start3A_110 = tpu.memref_slice %arg5[%dma_start3A, %mul3A_102] : memref<50x512xi32, #tpu.memory_space<vmem>> -> memref<1x128xi32, #tpu.memory_space<vmem>>
    %dma_start3A_111 = tpu.memref_squeeze %dma_start3A_110 : memref<1x128xi32, #tpu.memory_space<vmem>> -> memref<128xi32, #tpu.memory_space<vmem>>
    %dma_start3A_112 = arith.constant 0 : i32
    %dma_start3A_113 = arith.constant 0 : i32
    %dma_start3A_114 = tpu.memref_slice %arg3[%dma_start3A_112, %dma_start3A_113] : memref<1000000x128xf32, #tpu.memory_space<hbm>> -> memref<1000000x128xf32, #tpu.memory_space<hbm>>
    tpu.enqueue_indirect_dma source(%dma_start3A_114 : memref<1000000x128xf32, #tpu.memory_space<hbm>>) target(%dma_start3A_109 : memref<128x128xf32, #tpu.memory_space<vmem>>) offsets(%dma_start3A_111 : memref<128xi32, #tpu.memory_space<vmem>>) semaphore(%arg8 : memref<!tpu.dma_semaphore, #tpu.memory_space<semaphore_mem>>)
    %rem3A_115 = arith.constant 1 : i32
    %rem3A_116 = arith.constant 4 : i32
    %rem3A_117 = arith.remsi %rem3A_115, %rem3A_116 : i32
    %mul3A_118 = arith.constant 128 : i32
    %mul3A_119 = arith.muli %rem3A_117, %mul3A_118 : i32
    %rem3A_120 = arith.constant 1 : i32
    %rem3A_121 = arith.constant 5 : i32
    %rem3A_122 = arith.remsi %rem3A_120, %rem3A_121 : i32
    %dma_start3A_123 = arith.constant 0 : i32
    %dma_start3A_124 = arith.constant 0 : i32
    %dma_start3A_125 = arith.constant 0 : i32
    %dma_start3A_126 = tpu.memref_slice %arg6[%rem3A_122, %dma_start3A_124, %dma_start3A_125] : memref<5x128x128xf32, #tpu.memory_space<vmem>> -> memref<1x128x128xf32, #tpu.memory_space<vmem>>
    %dma_start3A_127 = tpu.memref_squeeze %dma_start3A_126 : memref<1x128x128xf32, #tpu.memory_space<vmem>> -> memref<128x128xf32, #tpu.memory_space<vmem>>
    %dma_start3A_128 = tpu.memref_slice %arg5[%dma_start3A_123, %mul3A_119] : memref<50x512xi32, #tpu.memory_space<vmem>> -> memref<1x128xi32, #tpu.memory_space<vmem>>
    %dma_start3A_129 = tpu.memref_squeeze %dma_start3A_128 : memref<1x128xi32, #tpu.memory_space<vmem>> -> memref<128xi32, #tpu.memory_space<vmem>>
    %dma_start3A_130 = arith.constant 0 : i32
    %dma_start3A_131 = arith.constant 0 : i32
    %dma_start3A_132 = tpu.memref_slice %arg3[%dma_start3A_130, %dma_start3A_131] : memref<1000000x128xf32, #tpu.memory_space<hbm>> -> memref<1000000x128xf32, #tpu.memory_space<hbm>>
    tpu.enqueue_indirect_dma source(%dma_start3A_132 : memref<1000000x128xf32, #tpu.memory_space<hbm>>) target(%dma_start3A_127 : memref<128x128xf32, #tpu.memory_space<vmem>>) offsets(%dma_start3A_129 : memref<128xi32, #tpu.memory_space<vmem>>) semaphore(%arg8 : memref<!tpu.dma_semaphore, #tpu.memory_space<semaphore_mem>>)
    %rem3A_133 = arith.constant 2 : i32
    %rem3A_134 = arith.constant 4 : i32
    %rem3A_135 = arith.remsi %rem3A_133, %rem3A_134 : i32
    %mul3A_136 = arith.constant 128 : i32
    %mul3A_137 = arith.muli %rem3A_135, %mul3A_136 : i32
    %rem3A_138 = arith.constant 2 : i32
    %rem3A_139 = arith.constant 5 : i32
    %rem3A_140 = arith.remsi %rem3A_138, %rem3A_139 : i32
    %dma_start3A_141 = arith.constant 0 : i32
    %dma_start3A_142 = arith.constant 0 : i32
    %dma_start3A_143 = arith.constant 0 : i32
    %dma_start3A_144 = tpu.memref_slice %arg6[%rem3A_140, %dma_start3A_142, %dma_start3A_143] : memref<5x128x128xf32, #tpu.memory_space<vmem>> -> memref<1x128x128xf32, #tpu.memory_space<vmem>>
    %dma_start3A_145 = tpu.memref_squeeze %dma_start3A_144 : memref<1x128x128xf32, #tpu.memory_space<vmem>> -> memref<128x128xf32, #tpu.memory_space<vmem>>
    %dma_start3A_146 = tpu.memref_slice %arg5[%dma_start3A_141, %mul3A_137] : memref<50x512xi32, #tpu.memory_space<vmem>> -> memref<1x128xi32, #tpu.memory_space<vmem>>
    %dma_start3A_147 = tpu.memref_squeeze %dma_start3A_146 : memref<1x128xi32, #tpu.memory_space<vmem>> -> memref<128xi32, #tpu.memory_space<vmem>>
    %dma_start3A_148 = arith.constant 0 : i32
    %dma_start3A_149 = arith.constant 0 : i32
    %dma_start3A_150 = tpu.memref_slice %arg3[%dma_start3A_148, %dma_start3A_149] : memref<1000000x128xf32, #tpu.memory_space<hbm>> -> memref<1000000x128xf32, #tpu.memory_space<hbm>>
    tpu.enqueue_indirect_dma source(%dma_start3A_150 : memref<1000000x128xf32, #tpu.memory_space<hbm>>) target(%dma_start3A_145 : memref<128x128xf32, #tpu.memory_space<vmem>>) offsets(%dma_start3A_147 : memref<128xi32, #tpu.memory_space<vmem>>) semaphore(%arg8 : memref<!tpu.dma_semaphore, #tpu.memory_space<semaphore_mem>>)
    %rem3A_151 = arith.constant 3 : i32
    %rem3A_152 = arith.constant 4 : i32
    %rem3A_153 = arith.remsi %rem3A_151, %rem3A_152 : i32
    %mul3A_154 = arith.constant 128 : i32
    %mul3A_155 = arith.muli %rem3A_153, %mul3A_154 : i32
    %rem3A_156 = arith.constant 3 : i32
    %rem3A_157 = arith.constant 5 : i32
    %rem3A_158 = arith.remsi %rem3A_156, %rem3A_157 : i32
    %dma_start3A_159 = arith.constant 0 : i32
    %dma_start3A_160 = arith.constant 0 : i32
    %dma_start3A_161 = arith.constant 0 : i32
    %dma_start3A_162 = tpu.memref_slice %arg6[%rem3A_158, %dma_start3A_160, %dma_start3A_161] : memref<5x128x128xf32, #tpu.memory_space<vmem>> -> memref<1x128x128xf32, #tpu.memory_space<vmem>>
    %dma_start3A_163 = tpu.memref_squeeze %dma_start3A_162 : memref<1x128x128xf32, #tpu.memory_space<vmem>> -> memref<128x128xf32, #tpu.memory_space<vmem>>
    %dma_start3A_164 = tpu.memref_slice %arg5[%dma_start3A_159, %mul3A_155] : memref<50x512xi32, #tpu.memory_space<vmem>> -> memref<1x128xi32, #tpu.memory_space<vmem>>
    %dma_start3A_165 = tpu.memref_squeeze %dma_start3A_164 : memref<1x128xi32, #tpu.memory_space<vmem>> -> memref<128xi32, #tpu.memory_space<vmem>>
    %dma_start3A_166 = arith.constant 0 : i32
    %dma_start3A_167 = arith.constant 0 : i32
    %dma_start3A_168 = tpu.memref_slice %arg3[%dma_start3A_166, %dma_start3A_167] : memref<1000000x128xf32, #tpu.memory_space<hbm>> -> memref<1000000x128xf32, #tpu.memory_space<hbm>>
    tpu.enqueue_indirect_dma source(%dma_start3A_168 : memref<1000000x128xf32, #tpu.memory_space<hbm>>) target(%dma_start3A_163 : memref<128x128xf32, #tpu.memory_space<vmem>>) offsets(%dma_start3A_165 : memref<128xi32, #tpu.memory_space<vmem>>) semaphore(%arg8 : memref<!tpu.dma_semaphore, #tpu.memory_space<semaphore_mem>>)
    %scan3A = arith.constant 0 : i32
    %scan3A_169 = arith.constant 0 : i32
    %scan3A_170 = arith.constant 200 : i32
    %scan3A_171 = arith.addi %scan3A_169, %scan3A_170 : i32
    %scan3A_172 = arith.constant 1 : i32
    scf.for %scan3A_221 = %scan3A_169 to %scan3A_171 step %scan3A_172  : i32 {
      %lt3A = arith.constant 196 : i32
      %lt3A_222 = arith.cmpi slt, %scan3A_221, %lt3A : i32
      %convert_element_type3A = arith.extui %lt3A_222 : i1 to i32
      %cond3A = arith.constant 0 : i32
      %cond3A_223 = arith.cmpi ne, %convert_element_type3A, %cond3A : i32
      scf.if %cond3A_223 {
        %add3A_313 = arith.constant 4 : i32
        %add3A_314 = arith.addi %scan3A_221, %add3A_313 : i32
        %jit3A_315 = arith.constant 4 : i32
        %div3A_316 = arith.divsi %add3A_314, %jit3A_315 : i32
        %sign3A_317 = arith.constant 0 : i32
        %sign3A_318 = arith.cmpi sgt, %add3A_314, %sign3A_317 : i32
        %sign3A_319 = arith.extui %sign3A_318 : i1 to i32
        %sign3A_320 = arith.constant 0 : i32
        %sign3A_321 = arith.cmpi slt, %add3A_314, %sign3A_320 : i32
        %sign3A_322 = arith.extui %sign3A_321 : i1 to i32
        %sign3A_323 = arith.subi %sign3A_319, %sign3A_322 : i32
        %sign3A_324 = arith.constant 0 : i32
        %sign3A_325 = arith.cmpi sgt, %jit3A_315, %sign3A_324 : i32
        %sign3A_326 = arith.extui %sign3A_325 : i1 to i32
        %sign3A_327 = arith.constant 0 : i32
        %sign3A_328 = arith.cmpi slt, %jit3A_315, %sign3A_327 : i32
        %sign3A_329 = arith.extui %sign3A_328 : i1 to i32
        %sign3A_330 = arith.subi %sign3A_326, %sign3A_329 : i32
        %ne3A_331 = arith.cmpi ne, %sign3A_323, %sign3A_330 : i32
        %rem3A_332 = arith.remsi %add3A_314, %jit3A_315 : i32
        %ne3A_333 = arith.constant 0 : i32
        %ne3A_334 = arith.cmpi ne, %rem3A_332, %ne3A_333 : i32
        %and3A_335 = arith.andi %ne3A_331, %ne3A_334 : i1
        %sub3A_336 = arith.constant 1 : i32
        %sub3A_337 = arith.subi %div3A_316, %sub3A_336 : i32
        %select_n3A_338 = arith.select %and3A_335, %sub3A_337, %div3A_316 : i32
        %rem3A_339 = arith.constant 4 : i32
        %rem3A_340 = arith.remsi %add3A_314, %rem3A_339 : i32
        %mul3A_341 = arith.constant 128 : i32
        %mul3A_342 = arith.muli %rem3A_340, %mul3A_341 : i32
        %rem3A_343 = arith.constant 5 : i32
        %rem3A_344 = arith.remsi %add3A_314, %rem3A_343 : i32
        %dma_start3A_345 = arith.constant 0 : i32
        %dma_start3A_346 = arith.constant 0 : i32
        %dma_start3A_347 = tpu.memref_slice %arg6[%rem3A_344, %dma_start3A_345, %dma_start3A_346] : memref<5x128x128xf32, #tpu.memory_space<vmem>> -> memref<1x128x128xf32, #tpu.memory_space<vmem>>
        %dma_start3A_348 = tpu.memref_squeeze %dma_start3A_347 : memref<1x128x128xf32, #tpu.memory_space<vmem>> -> memref<128x128xf32, #tpu.memory_space<vmem>>
        %dma_start3A_349 = tpu.memref_slice %arg5[%select_n3A_338, %mul3A_342] : memref<50x512xi32, #tpu.memory_space<vmem>> -> memref<1x128xi32, #tpu.memory_space<vmem>>
        %dma_start3A_350 = tpu.memref_squeeze %dma_start3A_349 : memref<1x128xi32, #tpu.memory_space<vmem>> -> memref<128xi32, #tpu.memory_space<vmem>>
        %dma_start3A_351 = arith.constant 0 : i32
        %dma_start3A_352 = arith.constant 0 : i32
        %dma_start3A_353 = tpu.memref_slice %arg3[%dma_start3A_351, %dma_start3A_352] : memref<1000000x128xf32, #tpu.memory_space<hbm>> -> memref<1000000x128xf32, #tpu.memory_space<hbm>>
        tpu.enqueue_indirect_dma source(%dma_start3A_353 : memref<1000000x128xf32, #tpu.memory_space<hbm>>) target(%dma_start3A_348 : memref<128x128xf32, #tpu.memory_space<vmem>>) offsets(%dma_start3A_350 : memref<128xi32, #tpu.memory_space<vmem>>) semaphore(%arg8 : memref<!tpu.dma_semaphore, #tpu.memory_space<semaphore_mem>>)
      } else {
      }
      %ge3A = arith.constant 2 : i32
      %ge3A_224 = arith.cmpi sge, %scan3A_221, %ge3A : i32
      %convert_element_type3A_225 = arith.extui %ge3A_224 : i1 to i32
      %cond3A_226 = arith.constant 0 : i32
      %cond3A_227 = arith.cmpi ne, %convert_element_type3A_225, %cond3A_226 : i32
      scf.if %cond3A_227 {
        %sub3A_313 = arith.constant 2 : i32
        %sub3A_314 = arith.subi %scan3A_221, %sub3A_313 : i32
        %rem3A_315 = arith.constant 2 : i32
        %rem3A_316 = arith.remsi %scan3A_221, %rem3A_315 : i32
        %jit3A_317 = arith.constant 4 : i32
        %div3A_318 = arith.divsi %sub3A_314, %jit3A_317 : i32
        %sign3A_319 = arith.constant 0 : i32
        %sign3A_320 = arith.cmpi sgt, %sub3A_314, %sign3A_319 : i32
        %sign3A_321 = arith.extui %sign3A_320 : i1 to i32
        %sign3A_322 = arith.constant 0 : i32
        %sign3A_323 = arith.cmpi slt, %sub3A_314, %sign3A_322 : i32
        %sign3A_324 = arith.extui %sign3A_323 : i1 to i32
        %sign3A_325 = arith.subi %sign3A_321, %sign3A_324 : i32
        %sign3A_326 = arith.constant 0 : i32
        %sign3A_327 = arith.cmpi sgt, %jit3A_317, %sign3A_326 : i32
        %sign3A_328 = arith.extui %sign3A_327 : i1 to i32
        %sign3A_329 = arith.constant 0 : i32
        %sign3A_330 = arith.cmpi slt, %jit3A_317, %sign3A_329 : i32
        %sign3A_331 = arith.extui %sign3A_330 : i1 to i32
        %sign3A_332 = arith.subi %sign3A_328, %sign3A_331 : i32
        %ne3A_333 = arith.cmpi ne, %sign3A_325, %sign3A_332 : i32
        %rem3A_334 = arith.remsi %sub3A_314, %jit3A_317 : i32
        %ne3A_335 = arith.constant 0 : i32
        %ne3A_336 = arith.cmpi ne, %rem3A_334, %ne3A_335 : i32
        %and3A_337 = arith.andi %ne3A_333, %ne3A_336 : i1
        %sub3A_338 = arith.constant 1 : i32
        %sub3A_339 = arith.subi %div3A_318, %sub3A_338 : i32
        %select_n3A_340 = arith.select %and3A_337, %sub3A_339, %div3A_318 : i32
        %rem3A_341 = arith.constant 4 : i32
        %rem3A_342 = arith.remsi %sub3A_314, %rem3A_341 : i32
        %mul3A_343 = arith.constant 128 : i32
        %mul3A_344 = arith.muli %rem3A_342, %mul3A_343 : i32
        %add3A_345 = arith.addi %mul3A_2, %mul3A_344 : i32
        %dma_wait3A_346 = arith.constant 0 : i32
        %dma_wait3A_347 = arith.constant 0 : i32
        %dma_wait3A_348 = tpu.memref_slice %arg7[%rem3A_316, %dma_wait3A_346, %dma_wait3A_347] : memref<2x64x128xf32, #tpu.memory_space<vmem>> -> memref<1x64x128xf32, #tpu.memory_space<vmem>>
        %dma_wait3A_349 = tpu.memref_squeeze %dma_wait3A_348 : memref<1x64x128xf32, #tpu.memory_space<vmem>> -> memref<64x128xf32, #tpu.memory_space<vmem>>
        %dma_wait3A_350 = arith.constant 0 : i32
        %dma_wait3A_351 = tpu.memref_slice %arg4[%select_n3A_340, %dma_wait3A_350, %add3A_345] : memref<50x64x16384xf32, #tpu.memory_space<hbm>> -> memref<1x64x128xf32, #tpu.memory_space<hbm>>
        %dma_wait3A_352 = tpu.memref_squeeze %dma_wait3A_351 : memref<1x64x128xf32, #tpu.memory_space<hbm>> -> memref<64x128xf32, #tpu.memory_space<hbm>>
        %dma_wait3A_353 = arith.constant 0 : i32
        %dma_wait3A_354 = tpu.memref_slice %arg4[%select_n3A_340, %dma_wait3A_353, %add3A_345] : memref<50x64x16384xf32, #tpu.memory_space<hbm>> -> memref<1x64x128xf32, #tpu.memory_space<hbm>>
        %dma_wait3A_355 = tpu.memref_squeeze %dma_wait3A_354 : memref<1x64x128xf32, #tpu.memory_space<hbm>> -> memref<64x128xf32, #tpu.memory_space<hbm>>
        %dma_wait3A_356 = arith.constant 0 : i32
        %dma_wait3A_357 = arith.constant 0 : i32
        %dma_wait3A_358 = tpu.memref_slice %arg7[%rem3A_316, %dma_wait3A_356, %dma_wait3A_357] : memref<2x64x128xf32, #tpu.memory_space<vmem>> -> memref<1x64x128xf32, #tpu.memory_space<vmem>>
        %dma_wait3A_359 = tpu.memref_squeeze %dma_wait3A_358 : memref<1x64x128xf32, #tpu.memory_space<vmem>> -> memref<64x128xf32, #tpu.memory_space<vmem>>
        tpu.wait_dma2 semaphore(%arg9 : memref<!tpu.dma_semaphore, #tpu.memory_space<semaphore_mem>>) src(%dma_wait3A_359 : memref<64x128xf32, #tpu.memory_space<vmem>>) dst(%dma_wait3A_355 : memref<64x128xf32, #tpu.memory_space<hbm>>)
      } else {
      }
      %jit3A = arith.constant 4 : i32
      %div3A = arith.divsi %scan3A_221, %jit3A : i32
      %sign3A = arith.constant 0 : i32
      %sign3A_228 = arith.cmpi sgt, %scan3A_221, %sign3A : i32
      %sign3A_229 = arith.extui %sign3A_228 : i1 to i32
      %sign3A_230 = arith.constant 0 : i32
      %sign3A_231 = arith.cmpi slt, %scan3A_221, %sign3A_230 : i32
      %sign3A_232 = arith.extui %sign3A_231 : i1 to i32
      %sign3A_233 = arith.subi %sign3A_229, %sign3A_232 : i32
      %sign3A_234 = arith.constant 0 : i32
      %sign3A_235 = arith.cmpi sgt, %jit3A, %sign3A_234 : i32
      %sign3A_236 = arith.extui %sign3A_235 : i1 to i32
      %sign3A_237 = arith.constant 0 : i32
      %sign3A_238 = arith.cmpi slt, %jit3A, %sign3A_237 : i32
      %sign3A_239 = arith.extui %sign3A_238 : i1 to i32
      %sign3A_240 = arith.subi %sign3A_236, %sign3A_239 : i32
      %ne3A = arith.cmpi ne, %sign3A_233, %sign3A_240 : i32
      %rem3A_241 = arith.remsi %scan3A_221, %jit3A : i32
      %ne3A_242 = arith.constant 0 : i32
      %ne3A_243 = arith.cmpi ne, %rem3A_241, %ne3A_242 : i32
      %and3A = arith.andi %ne3A, %ne3A_243 : i1
      %sub3A = arith.constant 1 : i32
      %sub3A_244 = arith.subi %div3A, %sub3A : i32
      %select_n3A = arith.select %and3A, %sub3A_244, %div3A : i32
      %rem3A_245 = arith.constant 4 : i32
      %rem3A_246 = arith.remsi %scan3A_221, %rem3A_245 : i32
      %mul3A_247 = arith.constant 128 : i32
      %mul3A_248 = arith.muli %rem3A_246, %mul3A_247 : i32
      %rem3A_249 = arith.constant 5 : i32
      %rem3A_250 = arith.remsi %scan3A_221, %rem3A_249 : i32
      %dma_wait3A_251 = arith.constant 0 : i32
      %dma_wait3A_252 = arith.constant 0 : i32
      %dma_wait3A_253 = tpu.memref_slice %arg6[%rem3A_250, %dma_wait3A_251, %dma_wait3A_252] : memref<5x128x128xf32, #tpu.memory_space<vmem>> -> memref<1x128x128xf32, #tpu.memory_space<vmem>>
      %dma_wait3A_254 = tpu.memref_squeeze %dma_wait3A_253 : memref<1x128x128xf32, #tpu.memory_space<vmem>> -> memref<128x128xf32, #tpu.memory_space<vmem>>
      %dma_wait3A_255 = tpu.memref_slice %arg5[%select_n3A, %mul3A_248] : memref<50x512xi32, #tpu.memory_space<vmem>> -> memref<1x128xi32, #tpu.memory_space<vmem>>
      %dma_wait3A_256 = tpu.memref_squeeze %dma_wait3A_255 : memref<1x128xi32, #tpu.memory_space<vmem>> -> memref<128xi32, #tpu.memory_space<vmem>>
      %dma_wait3A_257 = arith.constant 0 : i32
      %dma_wait3A_258 = arith.constant 0 : i32
      %dma_wait3A_259 = tpu.memref_slice %arg3[%dma_wait3A_257, %dma_wait3A_258] : memref<1000000x128xf32, #tpu.memory_space<hbm>> -> memref<1000000x128xf32, #tpu.memory_space<hbm>>
      tpu.wait_indirect_dma semaphore(%arg8 : memref<!tpu.dma_semaphore, #tpu.memory_space<semaphore_mem>>) src(%dma_wait3A_259 : memref<1000000x128xf32, #tpu.memory_space<hbm>>) dst(%dma_wait3A_254 : memref<128x128xf32, #tpu.memory_space<vmem>>)
      %rem3A_260 = arith.constant 5 : i32
      %rem3A_261 = arith.remsi %scan3A_221, %rem3A_260 : i32
      %rem3A_262 = arith.constant 2 : i32
      %rem3A_263 = arith.remsi %scan3A_221, %rem3A_262 : i32
      %scan3A_264 = arith.constant 0 : i32
      %scan3A_265 = arith.constant 0 : i32
      %scan3A_266 = arith.constant 8 : i32
      %scan3A_267 = arith.addi %scan3A_265, %scan3A_266 : i32
      %scan3A_268 = arith.constant 1 : i32
      scf.for %scan3A_313 = %scan3A_265 to %scan3A_267 step %scan3A_268  : i32 {
        %mul3A_314 = arith.constant 16 : i32
        %mul3A_315 = arith.muli %scan3A_313, %mul3A_314 : i32
        %add3A_316 = vector.broadcast %mul3A_315 : i32 to vector<16xi32>
        %add3A_317 = arith.addi %iota3A, %add3A_316 : vector<16xi32>
        %add3A_318 = arith.constant 0 : i32
        %add3A_319 = vector.broadcast %add3A_318 : i32 to vector<16xi32>
        %add3A_320 = arith.addi %rem3A_7, %add3A_319 : vector<16xi32>
        %gather3A = arith.constant 0 : i32
        %gather3A_321 = arith.constant 0 : i32
        %gather3A_322 = tpu.memref_slice %arg6[%rem3A_261, %gather3A, %gather3A_321] : memref<5x128x128xf32, #tpu.memory_space<vmem>> -> memref<1x128x128xf32, #tpu.memory_space<vmem>>
        %gather3A_323 = tpu.memref_squeeze %gather3A_322 : memref<1x128x128xf32, #tpu.memory_space<vmem>> -> memref<128x128xf32, #tpu.memory_space<vmem>>
        %gather3A_324 = tpu.vector_load_idx %gather3A_323[%add3A_317, %add3A_320] : memref<128x128xf32, #tpu.memory_space<vmem>>[vector<16xi32>, vector<16xi32>], vector<16xf32>,
        %scatter3A = arith.constant 0 : i32
        %scatter3A_325 = arith.constant 0 : i32
        %scatter3A_326 = tpu.memref_slice %arg7[%rem3A_263, %scatter3A, %scatter3A_325] : memref<2x64x128xf32, #tpu.memory_space<vmem>> -> memref<1x64x128xf32, #tpu.memory_space<vmem>>
        %scatter3A_327 = tpu.memref_squeeze %scatter3A_326 : memref<1x64x128xf32, #tpu.memory_space<vmem>> -> memref<64x128xf32, #tpu.memory_space<vmem>>
        tpu.vector_store_idx %scatter3A_327[%add3A_320, %add3A_317], %gather3A_324 : memref<64x128xf32, #tpu.memory_space<vmem>>[vector<16xi32>, vector<16xi32>], vector<16xf32>,
        %add3A_328 = arith.constant 0 : i32
        %add3A_329 = vector.broadcast %add3A_328 : i32 to vector<16xi32>
        %add3A_330 = arith.addi %rem3A_13, %add3A_329 : vector<16xi32>
        %gather3A_331 = arith.constant 0 : i32
        %gather3A_332 = arith.constant 0 : i32
        %gather3A_333 = tpu.memref_slice %arg6[%rem3A_261, %gather3A_331, %gather3A_332] : memref<5x128x128xf32, #tpu.memory_space<vmem>> -> memref<1x128x128xf32, #tpu.memory_space<vmem>>
        %gather3A_334 = tpu.memref_squeeze %gather3A_333 : memref<1x128x128xf32, #tpu.memory_space<vmem>> -> memref<128x128xf32, #tpu.memory_space<vmem>>
        %gather3A_335 = tpu.vector_load_idx %gather3A_334[%add3A_317, %add3A_330] : memref<128x128xf32, #tpu.memory_space<vmem>>[vector<16xi32>, vector<16xi32>], vector<16xf32>,
        %scatter3A_336 = arith.constant 0 : i32
        %scatter3A_337 = arith.constant 0 : i32
        %scatter3A_338 = tpu.memref_slice %arg7[%rem3A_263, %scatter3A_336, %scatter3A_337] : memref<2x64x128xf32, #tpu.memory_space<vmem>> -> memref<1x64x128xf32, #tpu.memory_space<vmem>>
        %scatter3A_339 = tpu.memref_squeeze %scatter3A_338 : memref<1x64x128xf32, #tpu.memory_space<vmem>> -> memref<64x128xf32, #tpu.memory_space<vmem>>
        tpu.vector_store_idx %scatter3A_339[%add3A_330, %add3A_317], %gather3A_335 : memref<64x128xf32, #tpu.memory_space<vmem>>[vector<16xi32>, vector<16xi32>], vector<16xf32>,
        %add3A_340 = arith.constant 0 : i32
        %add3A_341 = vector.broadcast %add3A_340 : i32 to vector<16xi32>
        %add3A_342 = arith.addi %rem3A_19, %add3A_341 : vector<16xi32>
        %gather3A_343 = arith.constant 0 : i32
        %gather3A_344 = arith.constant 0 : i32
        %gather3A_345 = tpu.memref_slice %arg6[%rem3A_261, %gather3A_343, %gather3A_344] : memref<5x128x128xf32, #tpu.memory_space<vmem>> -> memref<1x128x128xf32, #tpu.memory_space<vmem>>
        %gather3A_346 = tpu.memref_squeeze %gather3A_345 : memref<1x128x128xf32, #tpu.memory_space<vmem>> -> memref<128x128xf32, #tpu.memory_space<vmem>>
        %gather3A_347 = tpu.vector_load_idx %gather3A_346[%add3A_317, %add3A_342] : memref<128x128xf32, #tpu.memory_space<vmem>>[vector<16xi32>, vector<16xi32>], vector<16xf32>,
        %scatter3A_348 = arith.constant 0 : i32
        %scatter3A_349 = arith.constant 0 : i32
        %scatter3A_350 = tpu.memref_slice %arg7[%rem3A_263, %scatter3A_348, %scatter3A_349] : memref<2x64x128xf32, #tpu.memory_space<vmem>> -> memref<1x64x128xf32, #tpu.memory_space<vmem>>
        %scatter3A_351 = tpu.memref_squeeze %scatter3A_350 : memref<1x64x128xf32, #tpu.memory_space<vmem>> -> memref<64x128xf32, #tpu.memory_space<vmem>>
        tpu.vector_store_idx %scatter3A_351[%add3A_342, %add3A_317], %gather3A_347 : memref<64x128xf32, #tpu.memory_space<vmem>>[vector<16xi32>, vector<16xi32>], vector<16xf32>,
        %add3A_352 = arith.constant 0 : i32
        %add3A_353 = vector.broadcast %add3A_352 : i32 to vector<16xi32>
        %add3A_354 = arith.addi %rem3A_25, %add3A_353 : vector<16xi32>
        %gather3A_355 = arith.constant 0 : i32
        %gather3A_356 = arith.constant 0 : i32
        %gather3A_357 = tpu.memref_slice %arg6[%rem3A_261, %gather3A_355, %gather3A_356] : memref<5x128x128xf32, #tpu.memory_space<vmem>> -> memref<1x128x128xf32, #tpu.memory_space<vmem>>
        %gather3A_358 = tpu.memref_squeeze %gather3A_357 : memref<1x128x128xf32, #tpu.memory_space<vmem>> -> memref<128x128xf32, #tpu.memory_space<vmem>>
        %gather3A_359 = tpu.vector_load_idx %gather3A_358[%add3A_317, %add3A_354] : memref<128x128xf32, #tpu.memory_space<vmem>>[vector<16xi32>, vector<16xi32>], vector<16xf32>,
        %scatter3A_360 = arith.constant 0 : i32
        %scatter3A_361 = arith.constant 0 : i32
        %scatter3A_362 = tpu.memref_slice %arg7[%rem3A_263, %scatter3A_360, %scatter3A_361] : memref<2x64x128xf32, #tpu.memory_space<vmem>> -> memref<1x64x128xf32, #tpu.memory_space<vmem>>
        %scatter3A_363 = tpu.memref_squeeze %scatter3A_362 : memref<1x64x128xf32, #tpu.memory_space<vmem>> -> memref<64x128xf32, #tpu.memory_space<vmem>>
        tpu.vector_store_idx %scatter3A_363[%add3A_354, %add3A_317], %gather3A_359 : memref<64x128xf32, #tpu.memory_space<vmem>>[vector<16xi32>, vector<16xi32>], vector<16xf32>,
        %add3A_364 = arith.constant 0 : i32
        %add3A_365 = vector.broadcast %add3A_364 : i32 to vector<16xi32>
        %add3A_366 = arith.addi %rem3A_31, %add3A_365 : vector<16xi32>
        %gather3A_367 = arith.constant 0 : i32
        %gather3A_368 = arith.constant 0 : i32
        %gather3A_369 = tpu.memref_slice %arg6[%rem3A_261, %gather3A_367, %gather3A_368] : memref<5x128x128xf32, #tpu.memory_space<vmem>> -> memref<1x128x128xf32, #tpu.memory_space<vmem>>
        %gather3A_370 = tpu.memref_squeeze %gather3A_369 : memref<1x128x128xf32, #tpu.memory_space<vmem>> -> memref<128x128xf32, #tpu.memory_space<vmem>>
        %gather3A_371 = tpu.vector_load_idx %gather3A_370[%add3A_317, %add3A_366] : memref<128x128xf32, #tpu.memory_space<vmem>>[vector<16xi32>, vector<16xi32>], vector<16xf32>,
        %scatter3A_372 = arith.constant 0 : i32
        %scatter3A_373 = arith.constant 0 : i32
        %scatter3A_374 = tpu.memref_slice %arg7[%rem3A_263, %scatter3A_372, %scatter3A_373] : memref<2x64x128xf32, #tpu.memory_space<vmem>> -> memref<1x64x128xf32, #tpu.memory_space<vmem>>
        %scatter3A_375 = tpu.memref_squeeze %scatter3A_374 : memref<1x64x128xf32, #tpu.memory_space<vmem>> -> memref<64x128xf32, #tpu.memory_space<vmem>>
        tpu.vector_store_idx %scatter3A_375[%add3A_366, %add3A_317], %gather3A_371 : memref<64x128xf32, #tpu.memory_space<vmem>>[vector<16xi32>, vector<16xi32>], vector<16xf32>,
        %add3A_376 = arith.constant 0 : i32
        %add3A_377 = vector.broadcast %add3A_376 : i32 to vector<16xi32>
        %add3A_378 = arith.addi %rem3A_37, %add3A_377 : vector<16xi32>
        %gather3A_379 = arith.constant 0 : i32
        %gather3A_380 = arith.constant 0 : i32
        %gather3A_381 = tpu.memref_slice %arg6[%rem3A_261, %gather3A_379, %gather3A_380] : memref<5x128x128xf32, #tpu.memory_space<vmem>> -> memref<1x128x128xf32, #tpu.memory_space<vmem>>
        %gather3A_382 = tpu.memref_squeeze %gather3A_381 : memref<1x128x128xf32, #tpu.memory_space<vmem>> -> memref<128x128xf32, #tpu.memory_space<vmem>>
        %gather3A_383 = tpu.vector_load_idx %gather3A_382[%add3A_317, %add3A_378] : memref<128x128xf32, #tpu.memory_space<vmem>>[vector<16xi32>, vector<16xi32>], vector<16xf32>,
        %scatter3A_384 = arith.constant 0 : i32
        %scatter3A_385 = arith.constant 0 : i32
        %scatter3A_386 = tpu.memref_slice %arg7[%rem3A_263, %scatter3A_384, %scatter3A_385] : memref<2x64x128xf32, #tpu.memory_space<vmem>> -> memref<1x64x128xf32, #tpu.memory_space<vmem>>
        %scatter3A_387 = tpu.memref_squeeze %scatter3A_386 : memref<1x64x128xf32, #tpu.memory_space<vmem>> -> memref<64x128xf32, #tpu.memory_space<vmem>>
        tpu.vector_store_idx %scatter3A_387[%add3A_378, %add3A_317], %gather3A_383 : memref<64x128xf32, #tpu.memory_space<vmem>>[vector<16xi32>, vector<16xi32>], vector<16xf32>,
        %add3A_388 = arith.constant 0 : i32
        %add3A_389 = vector.broadcast %add3A_388 : i32 to vector<16xi32>
        %add3A_390 = arith.addi %rem3A_43, %add3A_389 : vector<16xi32>
        %gather3A_391 = arith.constant 0 : i32
        %gather3A_392 = arith.constant 0 : i32
        %gather3A_393 = tpu.memref_slice %arg6[%rem3A_261, %gather3A_391, %gather3A_392] : memref<5x128x128xf32, #tpu.memory_space<vmem>> -> memref<1x128x128xf32, #tpu.memory_space<vmem>>
        %gather3A_394 = tpu.memref_squeeze %gather3A_393 : memref<1x128x128xf32, #tpu.memory_space<vmem>> -> memref<128x128xf32, #tpu.memory_space<vmem>>
        %gather3A_395 = tpu.vector_load_idx %gather3A_394[%add3A_317, %add3A_390] : memref<128x128xf32, #tpu.memory_space<vmem>>[vector<16xi32>, vector<16xi32>], vector<16xf32>,
        %scatter3A_396 = arith.constant 0 : i32
        %scatter3A_397 = arith.constant 0 : i32
        %scatter3A_398 = tpu.memref_slice %arg7[%rem3A_263, %scatter3A_396, %scatter3A_397] : memref<2x64x128xf32, #tpu.memory_space<vmem>> -> memref<1x64x128xf32, #tpu.memory_space<vmem>>
        %scatter3A_399 = tpu.memref_squeeze %scatter3A_398 : memref<1x64x128xf32, #tpu.memory_space<vmem>> -> memref<64x128xf32, #tpu.memory_space<vmem>>
        tpu.vector_store_idx %scatter3A_399[%add3A_390, %add3A_317], %gather3A_395 : memref<64x128xf32, #tpu.memory_space<vmem>>[vector<16xi32>, vector<16xi32>], vector<16xf32>,
        %add3A_400 = arith.constant 0 : i32
        %add3A_401 = vector.broadcast %add3A_400 : i32 to vector<16xi32>
        %add3A_402 = arith.addi %rem3A_49, %add3A_401 : vector<16xi32>
        %gather3A_403 = arith.constant 0 : i32
        %gather3A_404 = arith.constant 0 : i32
        %gather3A_405 = tpu.memref_slice %arg6[%rem3A_261, %gather3A_403, %gather3A_404] : memref<5x128x128xf32, #tpu.memory_space<vmem>> -> memref<1x128x128xf32, #tpu.memory_space<vmem>>
        %gather3A_406 = tpu.memref_squeeze %gather3A_405 : memref<1x128x128xf32, #tpu.memory_space<vmem>> -> memref<128x128xf32, #tpu.memory_space<vmem>>
        %gather3A_407 = tpu.vector_load_idx %gather3A_406[%add3A_317, %add3A_402] : memref<128x128xf32, #tpu.memory_space<vmem>>[vector<16xi32>, vector<16xi32>], vector<16xf32>,
        %scatter3A_408 = arith.constant 0 : i32
        %scatter3A_409 = arith.constant 0 : i32
        %scatter3A_410 = tpu.memref_slice %arg7[%rem3A_263, %scatter3A_408, %scatter3A_409] : memref<2x64x128xf32, #tpu.memory_space<vmem>> -> memref<1x64x128xf32, #tpu.memory_space<vmem>>
        %scatter3A_411 = tpu.memref_squeeze %scatter3A_410 : memref<1x64x128xf32, #tpu.memory_space<vmem>> -> memref<64x128xf32, #tpu.memory_space<vmem>>
        tpu.vector_store_idx %scatter3A_411[%add3A_402, %add3A_317], %gather3A_407 : memref<64x128xf32, #tpu.memory_space<vmem>>[vector<16xi32>, vector<16xi32>], vector<16xf32>,
        %add3A_412 = arith.constant 0 : i32
        %add3A_413 = vector.broadcast %add3A_412 : i32 to vector<16xi32>
        %add3A_414 = arith.addi %rem3A_55, %add3A_413 : vector<16xi32>
        %gather3A_415 = arith.constant 0 : i32
        %gather3A_416 = arith.constant 0 : i32
        %gather3A_417 = tpu.memref_slice %arg6[%rem3A_261, %gather3A_415, %gather3A_416] : memref<5x128x128xf32, #tpu.memory_space<vmem>> -> memref<1x128x128xf32, #tpu.memory_space<vmem>>
        %gather3A_418 = tpu.memref_squeeze %gather3A_417 : memref<1x128x128xf32, #tpu.memory_space<vmem>> -> memref<128x128xf32, #tpu.memory_space<vmem>>
        %gather3A_419 = tpu.vector_load_idx %gather3A_418[%add3A_317, %add3A_414] : memref<128x128xf32, #tpu.memory_space<vmem>>[vector<16xi32>, vector<16xi32>], vector<16xf32>,
        %scatter3A_420 = arith.constant 0 : i32
        %scatter3A_421 = arith.constant 0 : i32
        %scatter3A_422 = tpu.memref_slice %arg7[%rem3A_263, %scatter3A_420, %scatter3A_421] : memref<2x64x128xf32, #tpu.memory_space<vmem>> -> memref<1x64x128xf32, #tpu.memory_space<vmem>>
        %scatter3A_423 = tpu.memref_squeeze %scatter3A_422 : memref<1x64x128xf32, #tpu.memory_space<vmem>> -> memref<64x128xf32, #tpu.memory_space<vmem>>
        tpu.vector_store_idx %scatter3A_423[%add3A_414, %add3A_317], %gather3A_419 : memref<64x128xf32, #tpu.memory_space<vmem>>[vector<16xi32>, vector<16xi32>], vector<16xf32>,
        %add3A_424 = arith.constant 0 : i32
        %add3A_425 = vector.broadcast %add3A_424 : i32 to vector<16xi32>
        %add3A_426 = arith.addi %rem3A_61, %add3A_425 : vector<16xi32>
        %gather3A_427 = arith.constant 0 : i32
        %gather3A_428 = arith.constant 0 : i32
        %gather3A_429 = tpu.memref_slice %arg6[%rem3A_261, %gather3A_427, %gather3A_428] : memref<5x128x128xf32, #tpu.memory_space<vmem>> -> memref<1x128x128xf32, #tpu.memory_space<vmem>>
        %gather3A_430 = tpu.memref_squeeze %gather3A_429 : memref<1x128x128xf32, #tpu.memory_space<vmem>> -> memref<128x128xf32, #tpu.memory_space<vmem>>
        %gather3A_431 = tpu.vector_load_idx %gather3A_430[%add3A_317, %add3A_426] : memref<128x128xf32, #tpu.memory_space<vmem>>[vector<16xi32>, vector<16xi32>], vector<16xf32>,
        %scatter3A_432 = arith.constant 0 : i32
        %scatter3A_433 = arith.constant 0 : i32
        %scatter3A_434 = tpu.memref_slice %arg7[%rem3A_263, %scatter3A_432, %scatter3A_433] : memref<2x64x128xf32, #tpu.memory_space<vmem>> -> memref<1x64x128xf32, #tpu.memory_space<vmem>>
        %scatter3A_435 = tpu.memref_squeeze %scatter3A_434 : memref<1x64x128xf32, #tpu.memory_space<vmem>> -> memref<64x128xf32, #tpu.memory_space<vmem>>
        tpu.vector_store_idx %scatter3A_435[%add3A_426, %add3A_317], %gather3A_431 : memref<64x128xf32, #tpu.memory_space<vmem>>[vector<16xi32>, vector<16xi32>], vector<16xf32>,
        %add3A_436 = arith.constant 0 : i32
        %add3A_437 = vector.broadcast %add3A_436 : i32 to vector<16xi32>
        %add3A_438 = arith.addi %rem3A_67, %add3A_437 : vector<16xi32>
        %gather3A_439 = arith.constant 0 : i32
        %gather3A_440 = arith.constant 0 : i32
        %gather3A_441 = tpu.memref_slice %arg6[%rem3A_261, %gather3A_439, %gather3A_440] : memref<5x128x128xf32, #tpu.memory_space<vmem>> -> memref<1x128x128xf32, #tpu.memory_space<vmem>>
        %gather3A_442 = tpu.memref_squeeze %gather3A_441 : memref<1x128x128xf32, #tpu.memory_space<vmem>> -> memref<128x128xf32, #tpu.memory_space<vmem>>
        %gather3A_443 = tpu.vector_load_idx %gather3A_442[%add3A_317, %add3A_438] : memref<128x128xf32, #tpu.memory_space<vmem>>[vector<16xi32>, vector<16xi32>], vector<16xf32>,
        %scatter3A_444 = arith.constant 0 : i32
        %scatter3A_445 = arith.constant 0 : i32
        %scatter3A_446 = tpu.memref_slice %arg7[%rem3A_263, %scatter3A_444, %scatter3A_445] : memref<2x64x128xf32, #tpu.memory_space<vmem>> -> memref<1x64x128xf32, #tpu.memory_space<vmem>>
        %scatter3A_447 = tpu.memref_squeeze %scatter3A_446 : memref<1x64x128xf32, #tpu.memory_space<vmem>> -> memref<64x128xf32, #tpu.memory_space<vmem>>
        tpu.vector_store_idx %scatter3A_447[%add3A_438, %add3A_317], %gather3A_443 : memref<64x128xf32, #tpu.memory_space<vmem>>[vector<16xi32>, vector<16xi32>], vector<16xf32>,
        %add3A_448 = arith.constant 0 : i32
        %add3A_449 = vector.broadcast %add3A_448 : i32 to vector<16xi32>
        %add3A_450 = arith.addi %rem3A_73, %add3A_449 : vector<16xi32>
        %gather3A_451 = arith.constant 0 : i32
        %gather3A_452 = arith.constant 0 : i32
        %gather3A_453 = tpu.memref_slice %arg6[%rem3A_261, %gather3A_451, %gather3A_452] : memref<5x128x128xf32, #tpu.memory_space<vmem>> -> memref<1x128x128xf32, #tpu.memory_space<vmem>>
        %gather3A_454 = tpu.memref_squeeze %gather3A_453 : memref<1x128x128xf32, #tpu.memory_space<vmem>> -> memref<128x128xf32, #tpu.memory_space<vmem>>
        %gather3A_455 = tpu.vector_load_idx %gather3A_454[%add3A_317, %add3A_450] : memref<128x128xf32, #tpu.memory_space<vmem>>[vector<16xi32>, vector<16xi32>], vector<16xf32>,
        %scatter3A_456 = arith.constant 0 : i32
        %scatter3A_457 = arith.constant 0 : i32
        %scatter3A_458 = tpu.memref_slice %arg7[%rem3A_263, %scatter3A_456, %scatter3A_457] : memref<2x64x128xf32, #tpu.memory_space<vmem>> -> memref<1x64x128xf32, #tpu.memory_space<vmem>>
        %scatter3A_459 = tpu.memref_squeeze %scatter3A_458 : memref<1x64x128xf32, #tpu.memory_space<vmem>> -> memref<64x128xf32, #tpu.memory_space<vmem>>
        tpu.vector_store_idx %scatter3A_459[%add3A_450, %add3A_317], %gather3A_455 : memref<64x128xf32, #tpu.memory_space<vmem>>[vector<16xi32>, vector<16xi32>], vector<16xf32>,
        %add3A_460 = arith.constant 0 : i32
        %add3A_461 = vector.broadcast %add3A_460 : i32 to vector<16xi32>
        %add3A_462 = arith.addi %rem3A_79, %add3A_461 : vector<16xi32>
        %gather3A_463 = arith.constant 0 : i32
        %gather3A_464 = arith.constant 0 : i32
        %gather3A_465 = tpu.memref_slice %arg6[%rem3A_261, %gather3A_463, %gather3A_464] : memref<5x128x128xf32, #tpu.memory_space<vmem>> -> memref<1x128x128xf32, #tpu.memory_space<vmem>>
        %gather3A_466 = tpu.memref_squeeze %gather3A_465 : memref<1x128x128xf32, #tpu.memory_space<vmem>> -> memref<128x128xf32, #tpu.memory_space<vmem>>
        %gather3A_467 = tpu.vector_load_idx %gather3A_466[%add3A_317, %add3A_462] : memref<128x128xf32, #tpu.memory_space<vmem>>[vector<16xi32>, vector<16xi32>], vector<16xf32>,
        %scatter3A_468 = arith.constant 0 : i32
        %scatter3A_469 = arith.constant 0 : i32
        %scatter3A_470 = tpu.memref_slice %arg7[%rem3A_263, %scatter3A_468, %scatter3A_469] : memref<2x64x128xf32, #tpu.memory_space<vmem>> -> memref<1x64x128xf32, #tpu.memory_space<vmem>>
        %scatter3A_471 = tpu.memref_squeeze %scatter3A_470 : memref<1x64x128xf32, #tpu.memory_space<vmem>> -> memref<64x128xf32, #tpu.memory_space<vmem>>
        tpu.vector_store_idx %scatter3A_471[%add3A_462, %add3A_317], %gather3A_467 : memref<64x128xf32, #tpu.memory_space<vmem>>[vector<16xi32>, vector<16xi32>], vector<16xf32>,
        %add3A_472 = arith.constant 0 : i32
        %add3A_473 = vector.broadcast %add3A_472 : i32 to vector<16xi32>
        %add3A_474 = arith.addi %rem3A_85, %add3A_473 : vector<16xi32>
        %gather3A_475 = arith.constant 0 : i32
        %gather3A_476 = arith.constant 0 : i32
        %gather3A_477 = tpu.memref_slice %arg6[%rem3A_261, %gather3A_475, %gather3A_476] : memref<5x128x128xf32, #tpu.memory_space<vmem>> -> memref<1x128x128xf32, #tpu.memory_space<vmem>>
        %gather3A_478 = tpu.memref_squeeze %gather3A_477 : memref<1x128x128xf32, #tpu.memory_space<vmem>> -> memref<128x128xf32, #tpu.memory_space<vmem>>
        %gather3A_479 = tpu.vector_load_idx %gather3A_478[%add3A_317, %add3A_474] : memref<128x128xf32, #tpu.memory_space<vmem>>[vector<16xi32>, vector<16xi32>], vector<16xf32>,
        %scatter3A_480 = arith.constant 0 : i32
        %scatter3A_481 = arith.constant 0 : i32
        %scatter3A_482 = tpu.memref_slice %arg7[%rem3A_263, %scatter3A_480, %scatter3A_481] : memref<2x64x128xf32, #tpu.memory_space<vmem>> -> memref<1x64x128xf32, #tpu.memory_space<vmem>>
        %scatter3A_483 = tpu.memref_squeeze %scatter3A_482 : memref<1x64x128xf32, #tpu.memory_space<vmem>> -> memref<64x128xf32, #tpu.memory_space<vmem>>
        tpu.vector_store_idx %scatter3A_483[%add3A_474, %add3A_317], %gather3A_479 : memref<64x128xf32, #tpu.memory_space<vmem>>[vector<16xi32>, vector<16xi32>], vector<16xf32>,
        %add3A_484 = arith.constant 0 : i32
        %add3A_485 = vector.broadcast %add3A_484 : i32 to vector<16xi32>
        %add3A_486 = arith.addi %rem3A_91, %add3A_485 : vector<16xi32>
        %gather3A_487 = arith.constant 0 : i32
        %gather3A_488 = arith.constant 0 : i32
        %gather3A_489 = tpu.memref_slice %arg6[%rem3A_261, %gather3A_487, %gather3A_488] : memref<5x128x128xf32, #tpu.memory_space<vmem>> -> memref<1x128x128xf32, #tpu.memory_space<vmem>>
        %gather3A_490 = tpu.memref_squeeze %gather3A_489 : memref<1x128x128xf32, #tpu.memory_space<vmem>> -> memref<128x128xf32, #tpu.memory_space<vmem>>
        %gather3A_491 = tpu.vector_load_idx %gather3A_490[%add3A_317, %add3A_486] : memref<128x128xf32, #tpu.memory_space<vmem>>[vector<16xi32>, vector<16xi32>], vector<16xf32>,
        %scatter3A_492 = arith.constant 0 : i32
        %scatter3A_493 = arith.constant 0 : i32
        %scatter3A_494 = tpu.memref_slice %arg7[%rem3A_263, %scatter3A_492, %scatter3A_493] : memref<2x64x128xf32, #tpu.memory_space<vmem>> -> memref<1x64x128xf32, #tpu.memory_space<vmem>>
        %scatter3A_495 = tpu.memref_squeeze %scatter3A_494 : memref<1x64x128xf32, #tpu.memory_space<vmem>> -> memref<64x128xf32, #tpu.memory_space<vmem>>
        tpu.vector_store_idx %scatter3A_495[%add3A_486, %add3A_317], %gather3A_491 : memref<64x128xf32, #tpu.memory_space<vmem>>[vector<16xi32>, vector<16xi32>], vector<16xf32>,
        %add3A_496 = arith.constant 0 : i32
        %add3A_497 = vector.broadcast %add3A_496 : i32 to vector<16xi32>
        %add3A_498 = arith.addi %rem3A_97, %add3A_497 : vector<16xi32>
        %gather3A_499 = arith.constant 0 : i32
        %gather3A_500 = arith.constant 0 : i32
        %gather3A_501 = tpu.memref_slice %arg6[%rem3A_261, %gather3A_499, %gather3A_500] : memref<5x128x128xf32, #tpu.memory_space<vmem>> -> memref<1x128x128xf32, #tpu.memory_space<vmem>>
        %gather3A_502 = tpu.memref_squeeze %gather3A_501 : memref<1x128x128xf32, #tpu.memory_space<vmem>> -> memref<128x128xf32, #tpu.memory_space<vmem>>
        %gather3A_503 = tpu.vector_load_idx %gather3A_502[%add3A_317, %add3A_498] : memref<128x128xf32, #tpu.memory_space<vmem>>[vector<16xi32>, vector<16xi32>], vector<16xf32>,
        %scatter3A_504 = arith.constant 0 : i32
        %scatter3A_505 = arith.constant 0 : i32
        %scatter3A_506 = tpu.memref_slice %arg7[%rem3A_263, %scatter3A_504, %scatter3A_505] : memref<2x64x128xf32, #tpu.memory_space<vmem>> -> memref<1x64x128xf32, #tpu.memory_space<vmem>>
        %scatter3A_507 = tpu.memref_squeeze %scatter3A_506 : memref<1x64x128xf32, #tpu.memory_space<vmem>> -> memref<64x128xf32, #tpu.memory_space<vmem>>
        tpu.vector_store_idx %scatter3A_507[%add3A_498, %add3A_317], %gather3A_503 : memref<64x128xf32, #tpu.memory_space<vmem>>[vector<16xi32>, vector<16xi32>], vector<16xf32>,
        %add3A_508 = arith.constant 16 : i32
        %add3A_509 = vector.broadcast %add3A_508 : i32 to vector<16xi32>
        %add3A_510 = arith.addi %rem3A_7, %add3A_509 : vector<16xi32>
        %gather3A_511 = arith.constant 0 : i32
        %gather3A_512 = arith.constant 0 : i32
        %gather3A_513 = tpu.memref_slice %arg6[%rem3A_261, %gather3A_511, %gather3A_512] : memref<5x128x128xf32, #tpu.memory_space<vmem>> -> memref<1x128x128xf32, #tpu.memory_space<vmem>>
        %gather3A_514 = tpu.memref_squeeze %gather3A_513 : memref<1x128x128xf32, #tpu.memory_space<vmem>> -> memref<128x128xf32, #tpu.memory_space<vmem>>
        %gather3A_515 = tpu.vector_load_idx %gather3A_514[%add3A_317, %add3A_510] : memref<128x128xf32, #tpu.memory_space<vmem>>[vector<16xi32>, vector<16xi32>], vector<16xf32>,
        %scatter3A_516 = arith.constant 0 : i32
        %scatter3A_517 = arith.constant 0 : i32
        %scatter3A_518 = tpu.memref_slice %arg7[%rem3A_263, %scatter3A_516, %scatter3A_517] : memref<2x64x128xf32, #tpu.memory_space<vmem>> -> memref<1x64x128xf32, #tpu.memory_space<vmem>>
        %scatter3A_519 = tpu.memref_squeeze %scatter3A_518 : memref<1x64x128xf32, #tpu.memory_space<vmem>> -> memref<64x128xf32, #tpu.memory_space<vmem>>
        tpu.vector_store_idx %scatter3A_519[%add3A_510, %add3A_317], %gather3A_515 : memref<64x128xf32, #tpu.memory_space<vmem>>[vector<16xi32>, vector<16xi32>], vector<16xf32>,
        %add3A_520 = arith.constant 16 : i32
        %add3A_521 = vector.broadcast %add3A_520 : i32 to vector<16xi32>
        %add3A_522 = arith.addi %rem3A_13, %add3A_521 : vector<16xi32>
        %gather3A_523 = arith.constant 0 : i32
        %gather3A_524 = arith.constant 0 : i32
        %gather3A_525 = tpu.memref_slice %arg6[%rem3A_261, %gather3A_523, %gather3A_524] : memref<5x128x128xf32, #tpu.memory_space<vmem>> -> memref<1x128x128xf32, #tpu.memory_space<vmem>>
        %gather3A_526 = tpu.memref_squeeze %gather3A_525 : memref<1x128x128xf32, #tpu.memory_space<vmem>> -> memref<128x128xf32, #tpu.memory_space<vmem>>
        %gather3A_527 = tpu.vector_load_idx %gather3A_526[%add3A_317, %add3A_522] : memref<128x128xf32, #tpu.memory_space<vmem>>[vector<16xi32>, vector<16xi32>], vector<16xf32>,
        %scatter3A_528 = arith.constant 0 : i32
        %scatter3A_529 = arith.constant 0 : i32
        %scatter3A_530 = tpu.memref_slice %arg7[%rem3A_263, %scatter3A_528, %scatter3A_529] : memref<2x64x128xf32, #tpu.memory_space<vmem>> -> memref<1x64x128xf32, #tpu.memory_space<vmem>>
        %scatter3A_531 = tpu.memref_squeeze %scatter3A_530 : memref<1x64x128xf32, #tpu.memory_space<vmem>> -> memref<64x128xf32, #tpu.memory_space<vmem>>
        tpu.vector_store_idx %scatter3A_531[%add3A_522, %add3A_317], %gather3A_527 : memref<64x128xf32, #tpu.memory_space<vmem>>[vector<16xi32>, vector<16xi32>], vector<16xf32>,
        %add3A_532 = arith.constant 16 : i32
        %add3A_533 = vector.broadcast %add3A_532 : i32 to vector<16xi32>
        %add3A_534 = arith.addi %rem3A_19, %add3A_533 : vector<16xi32>
        %gather3A_535 = arith.constant 0 : i32
        %gather3A_536 = arith.constant 0 : i32
        %gather3A_537 = tpu.memref_slice %arg6[%rem3A_261, %gather3A_535, %gather3A_536] : memref<5x128x128xf32, #tpu.memory_space<vmem>> -> memref<1x128x128xf32, #tpu.memory_space<vmem>>
        %gather3A_538 = tpu.memref_squeeze %gather3A_537 : memref<1x128x128xf32, #tpu.memory_space<vmem>> -> memref<128x128xf32, #tpu.memory_space<vmem>>
        %gather3A_539 = tpu.vector_load_idx %gather3A_538[%add3A_317, %add3A_534] : memref<128x128xf32, #tpu.memory_space<vmem>>[vector<16xi32>, vector<16xi32>], vector<16xf32>,
        %scatter3A_540 = arith.constant 0 : i32
        %scatter3A_541 = arith.constant 0 : i32
        %scatter3A_542 = tpu.memref_slice %arg7[%rem3A_263, %scatter3A_540, %scatter3A_541] : memref<2x64x128xf32, #tpu.memory_space<vmem>> -> memref<1x64x128xf32, #tpu.memory_space<vmem>>
        %scatter3A_543 = tpu.memref_squeeze %scatter3A_542 : memref<1x64x128xf32, #tpu.memory_space<vmem>> -> memref<64x128xf32, #tpu.memory_space<vmem>>
        tpu.vector_store_idx %scatter3A_543[%add3A_534, %add3A_317], %gather3A_539 : memref<64x128xf32, #tpu.memory_space<vmem>>[vector<16xi32>, vector<16xi32>], vector<16xf32>,
        %add3A_544 = arith.constant 16 : i32
        %add3A_545 = vector.broadcast %add3A_544 : i32 to vector<16xi32>
        %add3A_546 = arith.addi %rem3A_25, %add3A_545 : vector<16xi32>
        %gather3A_547 = arith.constant 0 : i32
        %gather3A_548 = arith.constant 0 : i32
        %gather3A_549 = tpu.memref_slice %arg6[%rem3A_261, %gather3A_547, %gather3A_548] : memref<5x128x128xf32, #tpu.memory_space<vmem>> -> memref<1x128x128xf32, #tpu.memory_space<vmem>>
        %gather3A_550 = tpu.memref_squeeze %gather3A_549 : memref<1x128x128xf32, #tpu.memory_space<vmem>> -> memref<128x128xf32, #tpu.memory_space<vmem>>
        %gather3A_551 = tpu.vector_load_idx %gather3A_550[%add3A_317, %add3A_546] : memref<128x128xf32, #tpu.memory_space<vmem>>[vector<16xi32>, vector<16xi32>], vector<16xf32>,
        %scatter3A_552 = arith.constant 0 : i32
        %scatter3A_553 = arith.constant 0 : i32
        %scatter3A_554 = tpu.memref_slice %arg7[%rem3A_263, %scatter3A_552, %scatter3A_553] : memref<2x64x128xf32, #tpu.memory_space<vmem>> -> memref<1x64x128xf32, #tpu.memory_space<vmem>>
        %scatter3A_555 = tpu.memref_squeeze %scatter3A_554 : memref<1x64x128xf32, #tpu.memory_space<vmem>> -> memref<64x128xf32, #tpu.memory_space<vmem>>
        tpu.vector_store_idx %scatter3A_555[%add3A_546, %add3A_317], %gather3A_551 : memref<64x128xf32, #tpu.memory_space<vmem>>[vector<16xi32>, vector<16xi32>], vector<16xf32>,
        %add3A_556 = arith.constant 16 : i32
        %add3A_557 = vector.broadcast %add3A_556 : i32 to vector<16xi32>
        %add3A_558 = arith.addi %rem3A_31, %add3A_557 : vector<16xi32>
        %gather3A_559 = arith.constant 0 : i32
        %gather3A_560 = arith.constant 0 : i32
        %gather3A_561 = tpu.memref_slice %arg6[%rem3A_261, %gather3A_559, %gather3A_560] : memref<5x128x128xf32, #tpu.memory_space<vmem>> -> memref<1x128x128xf32, #tpu.memory_space<vmem>>
        %gather3A_562 = tpu.memref_squeeze %gather3A_561 : memref<1x128x128xf32, #tpu.memory_space<vmem>> -> memref<128x128xf32, #tpu.memory_space<vmem>>
        %gather3A_563 = tpu.vector_load_idx %gather3A_562[%add3A_317, %add3A_558] : memref<128x128xf32, #tpu.memory_space<vmem>>[vector<16xi32>, vector<16xi32>], vector<16xf32>,
        %scatter3A_564 = arith.constant 0 : i32
        %scatter3A_565 = arith.constant 0 : i32
        %scatter3A_566 = tpu.memref_slice %arg7[%rem3A_263, %scatter3A_564, %scatter3A_565] : memref<2x64x128xf32, #tpu.memory_space<vmem>> -> memref<1x64x128xf32, #tpu.memory_space<vmem>>
        %scatter3A_567 = tpu.memref_squeeze %scatter3A_566 : memref<1x64x128xf32, #tpu.memory_space<vmem>> -> memref<64x128xf32, #tpu.memory_space<vmem>>
        tpu.vector_store_idx %scatter3A_567[%add3A_558, %add3A_317], %gather3A_563 : memref<64x128xf32, #tpu.memory_space<vmem>>[vector<16xi32>, vector<16xi32>], vector<16xf32>,
        %add3A_568 = arith.constant 16 : i32
        %add3A_569 = vector.broadcast %add3A_568 : i32 to vector<16xi32>
        %add3A_570 = arith.addi %rem3A_37, %add3A_569 : vector<16xi32>
        %gather3A_571 = arith.constant 0 : i32
        %gather3A_572 = arith.constant 0 : i32
        %gather3A_573 = tpu.memref_slice %arg6[%rem3A_261, %gather3A_571, %gather3A_572] : memref<5x128x128xf32, #tpu.memory_space<vmem>> -> memref<1x128x128xf32, #tpu.memory_space<vmem>>
        %gather3A_574 = tpu.memref_squeeze %gather3A_573 : memref<1x128x128xf32, #tpu.memory_space<vmem>> -> memref<128x128xf32, #tpu.memory_space<vmem>>
        %gather3A_575 = tpu.vector_load_idx %gather3A_574[%add3A_317, %add3A_570] : memref<128x128xf32, #tpu.memory_space<vmem>>[vector<16xi32>, vector<16xi32>], vector<16xf32>,
        %scatter3A_576 = arith.constant 0 : i32
        %scatter3A_577 = arith.constant 0 : i32
        %scatter3A_578 = tpu.memref_slice %arg7[%rem3A_263, %scatter3A_576, %scatter3A_577] : memref<2x64x128xf32, #tpu.memory_space<vmem>> -> memref<1x64x128xf32, #tpu.memory_space<vmem>>
        %scatter3A_579 = tpu.memref_squeeze %scatter3A_578 : memref<1x64x128xf32, #tpu.memory_space<vmem>> -> memref<64x128xf32, #tpu.memory_space<vmem>>
        tpu.vector_store_idx %scatter3A_579[%add3A_570, %add3A_317], %gather3A_575 : memref<64x128xf32, #tpu.memory_space<vmem>>[vector<16xi32>, vector<16xi32>], vector<16xf32>,
        %add3A_580 = arith.constant 16 : i32
        %add3A_581 = vector.broadcast %add3A_580 : i32 to vector<16xi32>
        %add3A_582 = arith.addi %rem3A_43, %add3A_581 : vector<16xi32>
        %gather3A_583 = arith.constant 0 : i32
        %gather3A_584 = arith.constant 0 : i32
        %gather3A_585 = tpu.memref_slice %arg6[%rem3A_261, %gather3A_583, %gather3A_584] : memref<5x128x128xf32, #tpu.memory_space<vmem>> -> memref<1x128x128xf32, #tpu.memory_space<vmem>>
        %gather3A_586 = tpu.memref_squeeze %gather3A_585 : memref<1x128x128xf32, #tpu.memory_space<vmem>> -> memref<128x128xf32, #tpu.memory_space<vmem>>
        %gather3A_587 = tpu.vector_load_idx %gather3A_586[%add3A_317, %add3A_582] : memref<128x128xf32, #tpu.memory_space<vmem>>[vector<16xi32>, vector<16xi32>], vector<16xf32>,
        %scatter3A_588 = arith.constant 0 : i32
        %scatter3A_589 = arith.constant 0 : i32
        %scatter3A_590 = tpu.memref_slice %arg7[%rem3A_263, %scatter3A_588, %scatter3A_589] : memref<2x64x128xf32, #tpu.memory_space<vmem>> -> memref<1x64x128xf32, #tpu.memory_space<vmem>>
        %scatter3A_591 = tpu.memref_squeeze %scatter3A_590 : memref<1x64x128xf32, #tpu.memory_space<vmem>> -> memref<64x128xf32, #tpu.memory_space<vmem>>
        tpu.vector_store_idx %scatter3A_591[%add3A_582, %add3A_317], %gather3A_587 : memref<64x128xf32, #tpu.memory_space<vmem>>[vector<16xi32>, vector<16xi32>], vector<16xf32>,
        %add3A_592 = arith.constant 16 : i32
        %add3A_593 = vector.broadcast %add3A_592 : i32 to vector<16xi32>
        %add3A_594 = arith.addi %rem3A_49, %add3A_593 : vector<16xi32>
        %gather3A_595 = arith.constant 0 : i32
        %gather3A_596 = arith.constant 0 : i32
        %gather3A_597 = tpu.memref_slice %arg6[%rem3A_261, %gather3A_595, %gather3A_596] : memref<5x128x128xf32, #tpu.memory_space<vmem>> -> memref<1x128x128xf32, #tpu.memory_space<vmem>>
        %gather3A_598 = tpu.memref_squeeze %gather3A_597 : memref<1x128x128xf32, #tpu.memory_space<vmem>> -> memref<128x128xf32, #tpu.memory_space<vmem>>
        %gather3A_599 = tpu.vector_load_idx %gather3A_598[%add3A_317, %add3A_594] : memref<128x128xf32, #tpu.memory_space<vmem>>[vector<16xi32>, vector<16xi32>], vector<16xf32>,
        %scatter3A_600 = arith.constant 0 : i32
        %scatter3A_601 = arith.constant 0 : i32
        %scatter3A_602 = tpu.memref_slice %arg7[%rem3A_263, %scatter3A_600, %scatter3A_601] : memref<2x64x128xf32, #tpu.memory_space<vmem>> -> memref<1x64x128xf32, #tpu.memory_space<vmem>>
        %scatter3A_603 = tpu.memref_squeeze %scatter3A_602 : memref<1x64x128xf32, #tpu.memory_space<vmem>> -> memref<64x128xf32, #tpu.memory_space<vmem>>
        tpu.vector_store_idx %scatter3A_603[%add3A_594, %add3A_317], %gather3A_599 : memref<64x128xf32, #tpu.memory_space<vmem>>[vector<16xi32>, vector<16xi32>], vector<16xf32>,
        %add3A_604 = arith.constant 16 : i32
        %add3A_605 = vector.broadcast %add3A_604 : i32 to vector<16xi32>
        %add3A_606 = arith.addi %rem3A_55, %add3A_605 : vector<16xi32>
        %gather3A_607 = arith.constant 0 : i32
        %gather3A_608 = arith.constant 0 : i32
        %gather3A_609 = tpu.memref_slice %arg6[%rem3A_261, %gather3A_607, %gather3A_608] : memref<5x128x128xf32, #tpu.memory_space<vmem>> -> memref<1x128x128xf32, #tpu.memory_space<vmem>>
        %gather3A_610 = tpu.memref_squeeze %gather3A_609 : memref<1x128x128xf32, #tpu.memory_space<vmem>> -> memref<128x128xf32, #tpu.memory_space<vmem>>
        %gather3A_611 = tpu.vector_load_idx %gather3A_610[%add3A_317, %add3A_606] : memref<128x128xf32, #tpu.memory_space<vmem>>[vector<16xi32>, vector<16xi32>], vector<16xf32>,
        %scatter3A_612 = arith.constant 0 : i32
        %scatter3A_613 = arith.constant 0 : i32
        %scatter3A_614 = tpu.memref_slice %arg7[%rem3A_263, %scatter3A_612, %scatter3A_613] : memref<2x64x128xf32, #tpu.memory_space<vmem>> -> memref<1x64x128xf32, #tpu.memory_space<vmem>>
        %scatter3A_615 = tpu.memref_squeeze %scatter3A_614 : memref<1x64x128xf32, #tpu.memory_space<vmem>> -> memref<64x128xf32, #tpu.memory_space<vmem>>
        tpu.vector_store_idx %scatter3A_615[%add3A_606, %add3A_317], %gather3A_611 : memref<64x128xf32, #tpu.memory_space<vmem>>[vector<16xi32>, vector<16xi32>], vector<16xf32>,
        %add3A_616 = arith.constant 16 : i32
        %add3A_617 = vector.broadcast %add3A_616 : i32 to vector<16xi32>
        %add3A_618 = arith.addi %rem3A_61, %add3A_617 : vector<16xi32>
        %gather3A_619 = arith.constant 0 : i32
        %gather3A_620 = arith.constant 0 : i32
        %gather3A_621 = tpu.memref_slice %arg6[%rem3A_261, %gather3A_619, %gather3A_620] : memref<5x128x128xf32, #tpu.memory_space<vmem>> -> memref<1x128x128xf32, #tpu.memory_space<vmem>>
        %gather3A_622 = tpu.memref_squeeze %gather3A_621 : memref<1x128x128xf32, #tpu.memory_space<vmem>> -> memref<128x128xf32, #tpu.memory_space<vmem>>
        %gather3A_623 = tpu.vector_load_idx %gather3A_622[%add3A_317, %add3A_618] : memref<128x128xf32, #tpu.memory_space<vmem>>[vector<16xi32>, vector<16xi32>], vector<16xf32>,
        %scatter3A_624 = arith.constant 0 : i32
        %scatter3A_625 = arith.constant 0 : i32
        %scatter3A_626 = tpu.memref_slice %arg7[%rem3A_263, %scatter3A_624, %scatter3A_625] : memref<2x64x128xf32, #tpu.memory_space<vmem>> -> memref<1x64x128xf32, #tpu.memory_space<vmem>>
        %scatter3A_627 = tpu.memref_squeeze %scatter3A_626 : memref<1x64x128xf32, #tpu.memory_space<vmem>> -> memref<64x128xf32, #tpu.memory_space<vmem>>
        tpu.vector_store_idx %scatter3A_627[%add3A_618, %add3A_317], %gather3A_623 : memref<64x128xf32, #tpu.memory_space<vmem>>[vector<16xi32>, vector<16xi32>], vector<16xf32>,
        %add3A_628 = arith.constant 16 : i32
        %add3A_629 = vector.broadcast %add3A_628 : i32 to vector<16xi32>
        %add3A_630 = arith.addi %rem3A_67, %add3A_629 : vector<16xi32>
        %gather3A_631 = arith.constant 0 : i32
        %gather3A_632 = arith.constant 0 : i32
        %gather3A_633 = tpu.memref_slice %arg6[%rem3A_261, %gather3A_631, %gather3A_632] : memref<5x128x128xf32, #tpu.memory_space<vmem>> -> memref<1x128x128xf32, #tpu.memory_space<vmem>>
        %gather3A_634 = tpu.memref_squeeze %gather3A_633 : memref<1x128x128xf32, #tpu.memory_space<vmem>> -> memref<128x128xf32, #tpu.memory_space<vmem>>
        %gather3A_635 = tpu.vector_load_idx %gather3A_634[%add3A_317, %add3A_630] : memref<128x128xf32, #tpu.memory_space<vmem>>[vector<16xi32>, vector<16xi32>], vector<16xf32>,
        %scatter3A_636 = arith.constant 0 : i32
        %scatter3A_637 = arith.constant 0 : i32
        %scatter3A_638 = tpu.memref_slice %arg7[%rem3A_263, %scatter3A_636, %scatter3A_637] : memref<2x64x128xf32, #tpu.memory_space<vmem>> -> memref<1x64x128xf32, #tpu.memory_space<vmem>>
        %scatter3A_639 = tpu.memref_squeeze %scatter3A_638 : memref<1x64x128xf32, #tpu.memory_space<vmem>> -> memref<64x128xf32, #tpu.memory_space<vmem>>
        tpu.vector_store_idx %scatter3A_639[%add3A_630, %add3A_317], %gather3A_635 : memref<64x128xf32, #tpu.memory_space<vmem>>[vector<16xi32>, vector<16xi32>], vector<16xf32>,
        %add3A_640 = arith.constant 16 : i32
        %add3A_641 = vector.broadcast %add3A_640 : i32 to vector<16xi32>
        %add3A_642 = arith.addi %rem3A_73, %add3A_641 : vector<16xi32>
        %gather3A_643 = arith.constant 0 : i32
        %gather3A_644 = arith.constant 0 : i32
        %gather3A_645 = tpu.memref_slice %arg6[%rem3A_261, %gather3A_643, %gather3A_644] : memref<5x128x128xf32, #tpu.memory_space<vmem>> -> memref<1x128x128xf32, #tpu.memory_space<vmem>>
        %gather3A_646 = tpu.memref_squeeze %gather3A_645 : memref<1x128x128xf32, #tpu.memory_space<vmem>> -> memref<128x128xf32, #tpu.memory_space<vmem>>
        %gather3A_647 = tpu.vector_load_idx %gather3A_646[%add3A_317, %add3A_642] : memref<128x128xf32, #tpu.memory_space<vmem>>[vector<16xi32>, vector<16xi32>], vector<16xf32>,
        %scatter3A_648 = arith.constant 0 : i32
        %scatter3A_649 = arith.constant 0 : i32
        %scatter3A_650 = tpu.memref_slice %arg7[%rem3A_263, %scatter3A_648, %scatter3A_649] : memref<2x64x128xf32, #tpu.memory_space<vmem>> -> memref<1x64x128xf32, #tpu.memory_space<vmem>>
        %scatter3A_651 = tpu.memref_squeeze %scatter3A_650 : memref<1x64x128xf32, #tpu.memory_space<vmem>> -> memref<64x128xf32, #tpu.memory_space<vmem>>
        tpu.vector_store_idx %scatter3A_651[%add3A_642, %add3A_317], %gather3A_647 : memref<64x128xf32, #tpu.memory_space<vmem>>[vector<16xi32>, vector<16xi32>], vector<16xf32>,
        %add3A_652 = arith.constant 16 : i32
        %add3A_653 = vector.broadcast %add3A_652 : i32 to vector<16xi32>
        %add3A_654 = arith.addi %rem3A_79, %add3A_653 : vector<16xi32>
        %gather3A_655 = arith.constant 0 : i32
        %gather3A_656 = arith.constant 0 : i32
        %gather3A_657 = tpu.memref_slice %arg6[%rem3A_261, %gather3A_655, %gather3A_656] : memref<5x128x128xf32, #tpu.memory_space<vmem>> -> memref<1x128x128xf32, #tpu.memory_space<vmem>>
        %gather3A_658 = tpu.memref_squeeze %gather3A_657 : memref<1x128x128xf32, #tpu.memory_space<vmem>> -> memref<128x128xf32, #tpu.memory_space<vmem>>
        %gather3A_659 = tpu.vector_load_idx %gather3A_658[%add3A_317, %add3A_654] : memref<128x128xf32, #tpu.memory_space<vmem>>[vector<16xi32>, vector<16xi32>], vector<16xf32>,
        %scatter3A_660 = arith.constant 0 : i32
        %scatter3A_661 = arith.constant 0 : i32
        %scatter3A_662 = tpu.memref_slice %arg7[%rem3A_263, %scatter3A_660, %scatter3A_661] : memref<2x64x128xf32, #tpu.memory_space<vmem>> -> memref<1x64x128xf32, #tpu.memory_space<vmem>>
        %scatter3A_663 = tpu.memref_squeeze %scatter3A_662 : memref<1x64x128xf32, #tpu.memory_space<vmem>> -> memref<64x128xf32, #tpu.memory_space<vmem>>
        tpu.vector_store_idx %scatter3A_663[%add3A_654, %add3A_317], %gather3A_659 : memref<64x128xf32, #tpu.memory_space<vmem>>[vector<16xi32>, vector<16xi32>], vector<16xf32>,
        %add3A_664 = arith.constant 16 : i32
        %add3A_665 = vector.broadcast %add3A_664 : i32 to vector<16xi32>
        %add3A_666 = arith.addi %rem3A_85, %add3A_665 : vector<16xi32>
        %gather3A_667 = arith.constant 0 : i32
        %gather3A_668 = arith.constant 0 : i32
        %gather3A_669 = tpu.memref_slice %arg6[%rem3A_261, %gather3A_667, %gather3A_668] : memref<5x128x128xf32, #tpu.memory_space<vmem>> -> memref<1x128x128xf32, #tpu.memory_space<vmem>>
        %gather3A_670 = tpu.memref_squeeze %gather3A_669 : memref<1x128x128xf32, #tpu.memory_space<vmem>> -> memref<128x128xf32, #tpu.memory_space<vmem>>
        %gather3A_671 = tpu.vector_load_idx %gather3A_670[%add3A_317, %add3A_666] : memref<128x128xf32, #tpu.memory_space<vmem>>[vector<16xi32>, vector<16xi32>], vector<16xf32>,
        %scatter3A_672 = arith.constant 0 : i32
        %scatter3A_673 = arith.constant 0 : i32
        %scatter3A_674 = tpu.memref_slice %arg7[%rem3A_263, %scatter3A_672, %scatter3A_673] : memref<2x64x128xf32, #tpu.memory_space<vmem>> -> memref<1x64x128xf32, #tpu.memory_space<vmem>>
        %scatter3A_675 = tpu.memref_squeeze %scatter3A_674 : memref<1x64x128xf32, #tpu.memory_space<vmem>> -> memref<64x128xf32, #tpu.memory_space<vmem>>
        tpu.vector_store_idx %scatter3A_675[%add3A_666, %add3A_317], %gather3A_671 : memref<64x128xf32, #tpu.memory_space<vmem>>[vector<16xi32>, vector<16xi32>], vector<16xf32>,
        %add3A_676 = arith.constant 16 : i32
        %add3A_677 = vector.broadcast %add3A_676 : i32 to vector<16xi32>
        %add3A_678 = arith.addi %rem3A_91, %add3A_677 : vector<16xi32>
        %gather3A_679 = arith.constant 0 : i32
        %gather3A_680 = arith.constant 0 : i32
        %gather3A_681 = tpu.memref_slice %arg6[%rem3A_261, %gather3A_679, %gather3A_680] : memref<5x128x128xf32, #tpu.memory_space<vmem>> -> memref<1x128x128xf32, #tpu.memory_space<vmem>>
        %gather3A_682 = tpu.memref_squeeze %gather3A_681 : memref<1x128x128xf32, #tpu.memory_space<vmem>> -> memref<128x128xf32, #tpu.memory_space<vmem>>
        %gather3A_683 = tpu.vector_load_idx %gather3A_682[%add3A_317, %add3A_678] : memref<128x128xf32, #tpu.memory_space<vmem>>[vector<16xi32>, vector<16xi32>], vector<16xf32>,
        %scatter3A_684 = arith.constant 0 : i32
        %scatter3A_685 = arith.constant 0 : i32
        %scatter3A_686 = tpu.memref_slice %arg7[%rem3A_263, %scatter3A_684, %scatter3A_685] : memref<2x64x128xf32, #tpu.memory_space<vmem>> -> memref<1x64x128xf32, #tpu.memory_space<vmem>>
        %scatter3A_687 = tpu.memref_squeeze %scatter3A_686 : memref<1x64x128xf32, #tpu.memory_space<vmem>> -> memref<64x128xf32, #tpu.memory_space<vmem>>
        tpu.vector_store_idx %scatter3A_687[%add3A_678, %add3A_317], %gather3A_683 : memref<64x128xf32, #tpu.memory_space<vmem>>[vector<16xi32>, vector<16xi32>], vector<16xf32>,
        %add3A_688 = arith.constant 16 : i32
        %add3A_689 = vector.broadcast %add3A_688 : i32 to vector<16xi32>
        %add3A_690 = arith.addi %rem3A_97, %add3A_689 : vector<16xi32>
        %gather3A_691 = arith.constant 0 : i32
        %gather3A_692 = arith.constant 0 : i32
        %gather3A_693 = tpu.memref_slice %arg6[%rem3A_261, %gather3A_691, %gather3A_692] : memref<5x128x128xf32, #tpu.memory_space<vmem>> -> memref<1x128x128xf32, #tpu.memory_space<vmem>>
        %gather3A_694 = tpu.memref_squeeze %gather3A_693 : memref<1x128x128xf32, #tpu.memory_space<vmem>> -> memref<128x128xf32, #tpu.memory_space<vmem>>
        %gather3A_695 = tpu.vector_load_idx %gather3A_694[%add3A_317, %add3A_690] : memref<128x128xf32, #tpu.memory_space<vmem>>[vector<16xi32>, vector<16xi32>], vector<16xf32>,
        %scatter3A_696 = arith.constant 0 : i32
        %scatter3A_697 = arith.constant 0 : i32
        %scatter3A_698 = tpu.memref_slice %arg7[%rem3A_263, %scatter3A_696, %scatter3A_697] : memref<2x64x128xf32, #tpu.memory_space<vmem>> -> memref<1x64x128xf32, #tpu.memory_space<vmem>>
        %scatter3A_699 = tpu.memref_squeeze %scatter3A_698 : memref<1x64x128xf32, #tpu.memory_space<vmem>> -> memref<64x128xf32, #tpu.memory_space<vmem>>
        tpu.vector_store_idx %scatter3A_699[%add3A_690, %add3A_317], %gather3A_695 : memref<64x128xf32, #tpu.memory_space<vmem>>[vector<16xi32>, vector<16xi32>], vector<16xf32>,
        %add3A_700 = arith.constant 32 : i32
        %add3A_701 = vector.broadcast %add3A_700 : i32 to vector<16xi32>
        %add3A_702 = arith.addi %rem3A_7, %add3A_701 : vector<16xi32>
        %gather3A_703 = arith.constant 0 : i32
        %gather3A_704 = arith.constant 0 : i32
        %gather3A_705 = tpu.memref_slice %arg6[%rem3A_261, %gather3A_703, %gather3A_704] : memref<5x128x128xf32, #tpu.memory_space<vmem>> -> memref<1x128x128xf32, #tpu.memory_space<vmem>>
        %gather3A_706 = tpu.memref_squeeze %gather3A_705 : memref<1x128x128xf32, #tpu.memory_space<vmem>> -> memref<128x128xf32, #tpu.memory_space<vmem>>
        %gather3A_707 = tpu.vector_load_idx %gather3A_706[%add3A_317, %add3A_702] : memref<128x128xf32, #tpu.memory_space<vmem>>[vector<16xi32>, vector<16xi32>], vector<16xf32>,
        %scatter3A_708 = arith.constant 0 : i32
        %scatter3A_709 = arith.constant 0 : i32
        %scatter3A_710 = tpu.memref_slice %arg7[%rem3A_263, %scatter3A_708, %scatter3A_709] : memref<2x64x128xf32, #tpu.memory_space<vmem>> -> memref<1x64x128xf32, #tpu.memory_space<vmem>>
        %scatter3A_711 = tpu.memref_squeeze %scatter3A_710 : memref<1x64x128xf32, #tpu.memory_space<vmem>> -> memref<64x128xf32, #tpu.memory_space<vmem>>
        tpu.vector_store_idx %scatter3A_711[%add3A_702, %add3A_317], %gather3A_707 : memref<64x128xf32, #tpu.memory_space<vmem>>[vector<16xi32>, vector<16xi32>], vector<16xf32>,
        %add3A_712 = arith.constant 32 : i32
        %add3A_713 = vector.broadcast %add3A_712 : i32 to vector<16xi32>
        %add3A_714 = arith.addi %rem3A_13, %add3A_713 : vector<16xi32>
        %gather3A_715 = arith.constant 0 : i32
        %gather3A_716 = arith.constant 0 : i32
        %gather3A_717 = tpu.memref_slice %arg6[%rem3A_261, %gather3A_715, %gather3A_716] : memref<5x128x128xf32, #tpu.memory_space<vmem>> -> memref<1x128x128xf32, #tpu.memory_space<vmem>>
        %gather3A_718 = tpu.memref_squeeze %gather3A_717 : memref<1x128x128xf32, #tpu.memory_space<vmem>> -> memref<128x128xf32, #tpu.memory_space<vmem>>
        %gather3A_719 = tpu.vector_load_idx %gather3A_718[%add3A_317, %add3A_714] : memref<128x128xf32, #tpu.memory_space<vmem>>[vector<16xi32>, vector<16xi32>], vector<16xf32>,
        %scatter3A_720 = arith.constant 0 : i32
        %scatter3A_721 = arith.constant 0 : i32
        %scatter3A_722 = tpu.memref_slice %arg7[%rem3A_263, %scatter3A_720, %scatter3A_721] : memref<2x64x128xf32, #tpu.memory_space<vmem>> -> memref<1x64x128xf32, #tpu.memory_space<vmem>>
        %scatter3A_723 = tpu.memref_squeeze %scatter3A_722 : memref<1x64x128xf32, #tpu.memory_space<vmem>> -> memref<64x128xf32, #tpu.memory_space<vmem>>
        tpu.vector_store_idx %scatter3A_723[%add3A_714, %add3A_317], %gather3A_719 : memref<64x128xf32, #tpu.memory_space<vmem>>[vector<16xi32>, vector<16xi32>], vector<16xf32>,
        %add3A_724 = arith.constant 32 : i32
        %add3A_725 = vector.broadcast %add3A_724 : i32 to vector<16xi32>
        %add3A_726 = arith.addi %rem3A_19, %add3A_725 : vector<16xi32>
        %gather3A_727 = arith.constant 0 : i32
        %gather3A_728 = arith.constant 0 : i32
        %gather3A_729 = tpu.memref_slice %arg6[%rem3A_261, %gather3A_727, %gather3A_728] : memref<5x128x128xf32, #tpu.memory_space<vmem>> -> memref<1x128x128xf32, #tpu.memory_space<vmem>>
        %gather3A_730 = tpu.memref_squeeze %gather3A_729 : memref<1x128x128xf32, #tpu.memory_space<vmem>> -> memref<128x128xf32, #tpu.memory_space<vmem>>
        %gather3A_731 = tpu.vector_load_idx %gather3A_730[%add3A_317, %add3A_726] : memref<128x128xf32, #tpu.memory_space<vmem>>[vector<16xi32>, vector<16xi32>], vector<16xf32>,
        %scatter3A_732 = arith.constant 0 : i32
        %scatter3A_733 = arith.constant 0 : i32
        %scatter3A_734 = tpu.memref_slice %arg7[%rem3A_263, %scatter3A_732, %scatter3A_733] : memref<2x64x128xf32, #tpu.memory_space<vmem>> -> memref<1x64x128xf32, #tpu.memory_space<vmem>>
        %scatter3A_735 = tpu.memref_squeeze %scatter3A_734 : memref<1x64x128xf32, #tpu.memory_space<vmem>> -> memref<64x128xf32, #tpu.memory_space<vmem>>
        tpu.vector_store_idx %scatter3A_735[%add3A_726, %add3A_317], %gather3A_731 : memref<64x128xf32, #tpu.memory_space<vmem>>[vector<16xi32>, vector<16xi32>], vector<16xf32>,
        %add3A_736 = arith.constant 32 : i32
        %add3A_737 = vector.broadcast %add3A_736 : i32 to vector<16xi32>
        %add3A_738 = arith.addi %rem3A_25, %add3A_737 : vector<16xi32>
        %gather3A_739 = arith.constant 0 : i32
        %gather3A_740 = arith.constant 0 : i32
        %gather3A_741 = tpu.memref_slice %arg6[%rem3A_261, %gather3A_739, %gather3A_740] : memref<5x128x128xf32, #tpu.memory_space<vmem>> -> memref<1x128x128xf32, #tpu.memory_space<vmem>>
        %gather3A_742 = tpu.memref_squeeze %gather3A_741 : memref<1x128x128xf32, #tpu.memory_space<vmem>> -> memref<128x128xf32, #tpu.memory_space<vmem>>
        %gather3A_743 = tpu.vector_load_idx %gather3A_742[%add3A_317, %add3A_738] : memref<128x128xf32, #tpu.memory_space<vmem>>[vector<16xi32>, vector<16xi32>], vector<16xf32>,
        %scatter3A_744 = arith.constant 0 : i32
        %scatter3A_745 = arith.constant 0 : i32
        %scatter3A_746 = tpu.memref_slice %arg7[%rem3A_263, %scatter3A_744, %scatter3A_745] : memref<2x64x128xf32, #tpu.memory_space<vmem>> -> memref<1x64x128xf32, #tpu.memory_space<vmem>>
        %scatter3A_747 = tpu.memref_squeeze %scatter3A_746 : memref<1x64x128xf32, #tpu.memory_space<vmem>> -> memref<64x128xf32, #tpu.memory_space<vmem>>
        tpu.vector_store_idx %scatter3A_747[%add3A_738, %add3A_317], %gather3A_743 : memref<64x128xf32, #tpu.memory_space<vmem>>[vector<16xi32>, vector<16xi32>], vector<16xf32>,
        %add3A_748 = arith.constant 32 : i32
        %add3A_749 = vector.broadcast %add3A_748 : i32 to vector<16xi32>
        %add3A_750 = arith.addi %rem3A_31, %add3A_749 : vector<16xi32>
        %gather3A_751 = arith.constant 0 : i32
        %gather3A_752 = arith.constant 0 : i32
        %gather3A_753 = tpu.memref_slice %arg6[%rem3A_261, %gather3A_751, %gather3A_752] : memref<5x128x128xf32, #tpu.memory_space<vmem>> -> memref<1x128x128xf32, #tpu.memory_space<vmem>>
        %gather3A_754 = tpu.memref_squeeze %gather3A_753 : memref<1x128x128xf32, #tpu.memory_space<vmem>> -> memref<128x128xf32, #tpu.memory_space<vmem>>
        %gather3A_755 = tpu.vector_load_idx %gather3A_754[%add3A_317, %add3A_750] : memref<128x128xf32, #tpu.memory_space<vmem>>[vector<16xi32>, vector<16xi32>], vector<16xf32>,
        %scatter3A_756 = arith.constant 0 : i32
        %scatter3A_757 = arith.constant 0 : i32
        %scatter3A_758 = tpu.memref_slice %arg7[%rem3A_263, %scatter3A_756, %scatter3A_757] : memref<2x64x128xf32, #tpu.memory_space<vmem>> -> memref<1x64x128xf32, #tpu.memory_space<vmem>>
        %scatter3A_759 = tpu.memref_squeeze %scatter3A_758 : memref<1x64x128xf32, #tpu.memory_space<vmem>> -> memref<64x128xf32, #tpu.memory_space<vmem>>
        tpu.vector_store_idx %scatter3A_759[%add3A_750, %add3A_317], %gather3A_755 : memref<64x128xf32, #tpu.memory_space<vmem>>[vector<16xi32>, vector<16xi32>], vector<16xf32>,
        %add3A_760 = arith.constant 32 : i32
        %add3A_761 = vector.broadcast %add3A_760 : i32 to vector<16xi32>
        %add3A_762 = arith.addi %rem3A_37, %add3A_761 : vector<16xi32>
        %gather3A_763 = arith.constant 0 : i32
        %gather3A_764 = arith.constant 0 : i32
        %gather3A_765 = tpu.memref_slice %arg6[%rem3A_261, %gather3A_763, %gather3A_764] : memref<5x128x128xf32, #tpu.memory_space<vmem>> -> memref<1x128x128xf32, #tpu.memory_space<vmem>>
        %gather3A_766 = tpu.memref_squeeze %gather3A_765 : memref<1x128x128xf32, #tpu.memory_space<vmem>> -> memref<128x128xf32, #tpu.memory_space<vmem>>
        %gather3A_767 = tpu.vector_load_idx %gather3A_766[%add3A_317, %add3A_762] : memref<128x128xf32, #tpu.memory_space<vmem>>[vector<16xi32>, vector<16xi32>], vector<16xf32>,
        %scatter3A_768 = arith.constant 0 : i32
        %scatter3A_769 = arith.constant 0 : i32
        %scatter3A_770 = tpu.memref_slice %arg7[%rem3A_263, %scatter3A_768, %scatter3A_769] : memref<2x64x128xf32, #tpu.memory_space<vmem>> -> memref<1x64x128xf32, #tpu.memory_space<vmem>>
        %scatter3A_771 = tpu.memref_squeeze %scatter3A_770 : memref<1x64x128xf32, #tpu.memory_space<vmem>> -> memref<64x128xf32, #tpu.memory_space<vmem>>
        tpu.vector_store_idx %scatter3A_771[%add3A_762, %add3A_317], %gather3A_767 : memref<64x128xf32, #tpu.memory_space<vmem>>[vector<16xi32>, vector<16xi32>], vector<16xf32>,
        %add3A_772 = arith.constant 32 : i32
        %add3A_773 = vector.broadcast %add3A_772 : i32 to vector<16xi32>
        %add3A_774 = arith.addi %rem3A_43, %add3A_773 : vector<16xi32>
        %gather3A_775 = arith.constant 0 : i32
        %gather3A_776 = arith.constant 0 : i32
        %gather3A_777 = tpu.memref_slice %arg6[%rem3A_261, %gather3A_775, %gather3A_776] : memref<5x128x128xf32, #tpu.memory_space<vmem>> -> memref<1x128x128xf32, #tpu.memory_space<vmem>>
        %gather3A_778 = tpu.memref_squeeze %gather3A_777 : memref<1x128x128xf32, #tpu.memory_space<vmem>> -> memref<128x128xf32, #tpu.memory_space<vmem>>
        %gather3A_779 = tpu.vector_load_idx %gather3A_778[%add3A_317, %add3A_774] : memref<128x128xf32, #tpu.memory_space<vmem>>[vector<16xi32>, vector<16xi32>], vector<16xf32>,
        %scatter3A_780 = arith.constant 0 : i32
        %scatter3A_781 = arith.constant 0 : i32
        %scatter3A_782 = tpu.memref_slice %arg7[%rem3A_263, %scatter3A_780, %scatter3A_781] : memref<2x64x128xf32, #tpu.memory_space<vmem>> -> memref<1x64x128xf32, #tpu.memory_space<vmem>>
        %scatter3A_783 = tpu.memref_squeeze %scatter3A_782 : memref<1x64x128xf32, #tpu.memory_space<vmem>> -> memref<64x128xf32, #tpu.memory_space<vmem>>
        tpu.vector_store_idx %scatter3A_783[%add3A_774, %add3A_317], %gather3A_779 : memref<64x128xf32, #tpu.memory_space<vmem>>[vector<16xi32>, vector<16xi32>], vector<16xf32>,
        %add3A_784 = arith.constant 32 : i32
        %add3A_785 = vector.broadcast %add3A_784 : i32 to vector<16xi32>
        %add3A_786 = arith.addi %rem3A_49, %add3A_785 : vector<16xi32>
        %gather3A_787 = arith.constant 0 : i32
        %gather3A_788 = arith.constant 0 : i32
        %gather3A_789 = tpu.memref_slice %arg6[%rem3A_261, %gather3A_787, %gather3A_788] : memref<5x128x128xf32, #tpu.memory_space<vmem>> -> memref<1x128x128xf32, #tpu.memory_space<vmem>>
        %gather3A_790 = tpu.memref_squeeze %gather3A_789 : memref<1x128x128xf32, #tpu.memory_space<vmem>> -> memref<128x128xf32, #tpu.memory_space<vmem>>
        %gather3A_791 = tpu.vector_load_idx %gather3A_790[%add3A_317, %add3A_786] : memref<128x128xf32, #tpu.memory_space<vmem>>[vector<16xi32>, vector<16xi32>], vector<16xf32>,
        %scatter3A_792 = arith.constant 0 : i32
        %scatter3A_793 = arith.constant 0 : i32
        %scatter3A_794 = tpu.memref_slice %arg7[%rem3A_263, %scatter3A_792, %scatter3A_793] : memref<2x64x128xf32, #tpu.memory_space<vmem>> -> memref<1x64x128xf32, #tpu.memory_space<vmem>>
        %scatter3A_795 = tpu.memref_squeeze %scatter3A_794 : memref<1x64x128xf32, #tpu.memory_space<vmem>> -> memref<64x128xf32, #tpu.memory_space<vmem>>
        tpu.vector_store_idx %scatter3A_795[%add3A_786, %add3A_317], %gather3A_791 : memref<64x128xf32, #tpu.memory_space<vmem>>[vector<16xi32>, vector<16xi32>], vector<16xf32>,
        %add3A_796 = arith.constant 32 : i32
        %add3A_797 = vector.broadcast %add3A_796 : i32 to vector<16xi32>
        %add3A_798 = arith.addi %rem3A_55, %add3A_797 : vector<16xi32>
        %gather3A_799 = arith.constant 0 : i32
        %gather3A_800 = arith.constant 0 : i32
        %gather3A_801 = tpu.memref_slice %arg6[%rem3A_261, %gather3A_799, %gather3A_800] : memref<5x128x128xf32, #tpu.memory_space<vmem>> -> memref<1x128x128xf32, #tpu.memory_space<vmem>>
        %gather3A_802 = tpu.memref_squeeze %gather3A_801 : memref<1x128x128xf32, #tpu.memory_space<vmem>> -> memref<128x128xf32, #tpu.memory_space<vmem>>
        %gather3A_803 = tpu.vector_load_idx %gather3A_802[%add3A_317, %add3A_798] : memref<128x128xf32, #tpu.memory_space<vmem>>[vector<16xi32>, vector<16xi32>], vector<16xf32>,
        %scatter3A_804 = arith.constant 0 : i32
        %scatter3A_805 = arith.constant 0 : i32
        %scatter3A_806 = tpu.memref_slice %arg7[%rem3A_263, %scatter3A_804, %scatter3A_805] : memref<2x64x128xf32, #tpu.memory_space<vmem>> -> memref<1x64x128xf32, #tpu.memory_space<vmem>>
        %scatter3A_807 = tpu.memref_squeeze %scatter3A_806 : memref<1x64x128xf32, #tpu.memory_space<vmem>> -> memref<64x128xf32, #tpu.memory_space<vmem>>
        tpu.vector_store_idx %scatter3A_807[%add3A_798, %add3A_317], %gather3A_803 : memref<64x128xf32, #tpu.memory_space<vmem>>[vector<16xi32>, vector<16xi32>], vector<16xf32>,
        %add3A_808 = arith.constant 32 : i32
        %add3A_809 = vector.broadcast %add3A_808 : i32 to vector<16xi32>
        %add3A_810 = arith.addi %rem3A_61, %add3A_809 : vector<16xi32>
        %gather3A_811 = arith.constant 0 : i32
        %gather3A_812 = arith.constant 0 : i32
        %gather3A_813 = tpu.memref_slice %arg6[%rem3A_261, %gather3A_811, %gather3A_812] : memref<5x128x128xf32, #tpu.memory_space<vmem>> -> memref<1x128x128xf32, #tpu.memory_space<vmem>>
        %gather3A_814 = tpu.memref_squeeze %gather3A_813 : memref<1x128x128xf32, #tpu.memory_space<vmem>> -> memref<128x128xf32, #tpu.memory_space<vmem>>
        %gather3A_815 = tpu.vector_load_idx %gather3A_814[%add3A_317, %add3A_810] : memref<128x128xf32, #tpu.memory_space<vmem>>[vector<16xi32>, vector<16xi32>], vector<16xf32>,
        %scatter3A_816 = arith.constant 0 : i32
        %scatter3A_817 = arith.constant 0 : i32
        %scatter3A_818 = tpu.memref_slice %arg7[%rem3A_263, %scatter3A_816, %scatter3A_817] : memref<2x64x128xf32, #tpu.memory_space<vmem>> -> memref<1x64x128xf32, #tpu.memory_space<vmem>>
        %scatter3A_819 = tpu.memref_squeeze %scatter3A_818 : memref<1x64x128xf32, #tpu.memory_space<vmem>> -> memref<64x128xf32, #tpu.memory_space<vmem>>
        tpu.vector_store_idx %scatter3A_819[%add3A_810, %add3A_317], %gather3A_815 : memref<64x128xf32, #tpu.memory_space<vmem>>[vector<16xi32>, vector<16xi32>], vector<16xf32>,
        %add3A_820 = arith.constant 32 : i32
        %add3A_821 = vector.broadcast %add3A_820 : i32 to vector<16xi32>
        %add3A_822 = arith.addi %rem3A_67, %add3A_821 : vector<16xi32>
        %gather3A_823 = arith.constant 0 : i32
        %gather3A_824 = arith.constant 0 : i32
        %gather3A_825 = tpu.memref_slice %arg6[%rem3A_261, %gather3A_823, %gather3A_824] : memref<5x128x128xf32, #tpu.memory_space<vmem>> -> memref<1x128x128xf32, #tpu.memory_space<vmem>>
        %gather3A_826 = tpu.memref_squeeze %gather3A_825 : memref<1x128x128xf32, #tpu.memory_space<vmem>> -> memref<128x128xf32, #tpu.memory_space<vmem>>
        %gather3A_827 = tpu.vector_load_idx %gather3A_826[%add3A_317, %add3A_822] : memref<128x128xf32, #tpu.memory_space<vmem>>[vector<16xi32>, vector<16xi32>], vector<16xf32>,
        %scatter3A_828 = arith.constant 0 : i32
        %scatter3A_829 = arith.constant 0 : i32
        %scatter3A_830 = tpu.memref_slice %arg7[%rem3A_263, %scatter3A_828, %scatter3A_829] : memref<2x64x128xf32, #tpu.memory_space<vmem>> -> memref<1x64x128xf32, #tpu.memory_space<vmem>>
        %scatter3A_831 = tpu.memref_squeeze %scatter3A_830 : memref<1x64x128xf32, #tpu.memory_space<vmem>> -> memref<64x128xf32, #tpu.memory_space<vmem>>
        tpu.vector_store_idx %scatter3A_831[%add3A_822, %add3A_317], %gather3A_827 : memref<64x128xf32, #tpu.memory_space<vmem>>[vector<16xi32>, vector<16xi32>], vector<16xf32>,
        %add3A_832 = arith.constant 32 : i32
        %add3A_833 = vector.broadcast %add3A_832 : i32 to vector<16xi32>
        %add3A_834 = arith.addi %rem3A_73, %add3A_833 : vector<16xi32>
        %gather3A_835 = arith.constant 0 : i32
        %gather3A_836 = arith.constant 0 : i32
        %gather3A_837 = tpu.memref_slice %arg6[%rem3A_261, %gather3A_835, %gather3A_836] : memref<5x128x128xf32, #tpu.memory_space<vmem>> -> memref<1x128x128xf32, #tpu.memory_space<vmem>>
        %gather3A_838 = tpu.memref_squeeze %gather3A_837 : memref<1x128x128xf32, #tpu.memory_space<vmem>> -> memref<128x128xf32, #tpu.memory_space<vmem>>
        %gather3A_839 = tpu.vector_load_idx %gather3A_838[%add3A_317, %add3A_834] : memref<128x128xf32, #tpu.memory_space<vmem>>[vector<16xi32>, vector<16xi32>], vector<16xf32>,
        %scatter3A_840 = arith.constant 0 : i32
        %scatter3A_841 = arith.constant 0 : i32
        %scatter3A_842 = tpu.memref_slice %arg7[%rem3A_263, %scatter3A_840, %scatter3A_841] : memref<2x64x128xf32, #tpu.memory_space<vmem>> -> memref<1x64x128xf32, #tpu.memory_space<vmem>>
        %scatter3A_843 = tpu.memref_squeeze %scatter3A_842 : memref<1x64x128xf32, #tpu.memory_space<vmem>> -> memref<64x128xf32, #tpu.memory_space<vmem>>
        tpu.vector_store_idx %scatter3A_843[%add3A_834, %add3A_317], %gather3A_839 : memref<64x128xf32, #tpu.memory_space<vmem>>[vector<16xi32>, vector<16xi32>], vector<16xf32>,
        %add3A_844 = arith.constant 32 : i32
        %add3A_845 = vector.broadcast %add3A_844 : i32 to vector<16xi32>
        %add3A_846 = arith.addi %rem3A_79, %add3A_845 : vector<16xi32>
        %gather3A_847 = arith.constant 0 : i32
        %gather3A_848 = arith.constant 0 : i32
        %gather3A_849 = tpu.memref_slice %arg6[%rem3A_261, %gather3A_847, %gather3A_848] : memref<5x128x128xf32, #tpu.memory_space<vmem>> -> memref<1x128x128xf32, #tpu.memory_space<vmem>>
        %gather3A_850 = tpu.memref_squeeze %gather3A_849 : memref<1x128x128xf32, #tpu.memory_space<vmem>> -> memref<128x128xf32, #tpu.memory_space<vmem>>
        %gather3A_851 = tpu.vector_load_idx %gather3A_850[%add3A_317, %add3A_846] : memref<128x128xf32, #tpu.memory_space<vmem>>[vector<16xi32>, vector<16xi32>], vector<16xf32>,
        %scatter3A_852 = arith.constant 0 : i32
        %scatter3A_853 = arith.constant 0 : i32
        %scatter3A_854 = tpu.memref_slice %arg7[%rem3A_263, %scatter3A_852, %scatter3A_853] : memref<2x64x128xf32, #tpu.memory_space<vmem>> -> memref<1x64x128xf32, #tpu.memory_space<vmem>>
        %scatter3A_855 = tpu.memref_squeeze %scatter3A_854 : memref<1x64x128xf32, #tpu.memory_space<vmem>> -> memref<64x128xf32, #tpu.memory_space<vmem>>
        tpu.vector_store_idx %scatter3A_855[%add3A_846, %add3A_317], %gather3A_851 : memref<64x128xf32, #tpu.memory_space<vmem>>[vector<16xi32>, vector<16xi32>], vector<16xf32>,
        %add3A_856 = arith.constant 32 : i32
        %add3A_857 = vector.broadcast %add3A_856 : i32 to vector<16xi32>
        %add3A_858 = arith.addi %rem3A_85, %add3A_857 : vector<16xi32>
        %gather3A_859 = arith.constant 0 : i32
        %gather3A_860 = arith.constant 0 : i32
        %gather3A_861 = tpu.memref_slice %arg6[%rem3A_261, %gather3A_859, %gather3A_860] : memref<5x128x128xf32, #tpu.memory_space<vmem>> -> memref<1x128x128xf32, #tpu.memory_space<vmem>>
        %gather3A_862 = tpu.memref_squeeze %gather3A_861 : memref<1x128x128xf32, #tpu.memory_space<vmem>> -> memref<128x128xf32, #tpu.memory_space<vmem>>
        %gather3A_863 = tpu.vector_load_idx %gather3A_862[%add3A_317, %add3A_858] : memref<128x128xf32, #tpu.memory_space<vmem>>[vector<16xi32>, vector<16xi32>], vector<16xf32>,
        %scatter3A_864 = arith.constant 0 : i32
        %scatter3A_865 = arith.constant 0 : i32
        %scatter3A_866 = tpu.memref_slice %arg7[%rem3A_263, %scatter3A_864, %scatter3A_865] : memref<2x64x128xf32, #tpu.memory_space<vmem>> -> memref<1x64x128xf32, #tpu.memory_space<vmem>>
        %scatter3A_867 = tpu.memref_squeeze %scatter3A_866 : memref<1x64x128xf32, #tpu.memory_space<vmem>> -> memref<64x128xf32, #tpu.memory_space<vmem>>
        tpu.vector_store_idx %scatter3A_867[%add3A_858, %add3A_317], %gather3A_863 : memref<64x128xf32, #tpu.memory_space<vmem>>[vector<16xi32>, vector<16xi32>], vector<16xf32>,
        %add3A_868 = arith.constant 32 : i32
        %add3A_869 = vector.broadcast %add3A_868 : i32 to vector<16xi32>
        %add3A_870 = arith.addi %rem3A_91, %add3A_869 : vector<16xi32>
        %gather3A_871 = arith.constant 0 : i32
        %gather3A_872 = arith.constant 0 : i32
        %gather3A_873 = tpu.memref_slice %arg6[%rem3A_261, %gather3A_871, %gather3A_872] : memref<5x128x128xf32, #tpu.memory_space<vmem>> -> memref<1x128x128xf32, #tpu.memory_space<vmem>>
        %gather3A_874 = tpu.memref_squeeze %gather3A_873 : memref<1x128x128xf32, #tpu.memory_space<vmem>> -> memref<128x128xf32, #tpu.memory_space<vmem>>
        %gather3A_875 = tpu.vector_load_idx %gather3A_874[%add3A_317, %add3A_870] : memref<128x128xf32, #tpu.memory_space<vmem>>[vector<16xi32>, vector<16xi32>], vector<16xf32>,
        %scatter3A_876 = arith.constant 0 : i32
        %scatter3A_877 = arith.constant 0 : i32
        %scatter3A_878 = tpu.memref_slice %arg7[%rem3A_263, %scatter3A_876, %scatter3A_877] : memref<2x64x128xf32, #tpu.memory_space<vmem>> -> memref<1x64x128xf32, #tpu.memory_space<vmem>>
        %scatter3A_879 = tpu.memref_squeeze %scatter3A_878 : memref<1x64x128xf32, #tpu.memory_space<vmem>> -> memref<64x128xf32, #tpu.memory_space<vmem>>
        tpu.vector_store_idx %scatter3A_879[%add3A_870, %add3A_317], %gather3A_875 : memref<64x128xf32, #tpu.memory_space<vmem>>[vector<16xi32>, vector<16xi32>], vector<16xf32>,
        %add3A_880 = arith.constant 32 : i32
        %add3A_881 = vector.broadcast %add3A_880 : i32 to vector<16xi32>
        %add3A_882 = arith.addi %rem3A_97, %add3A_881 : vector<16xi32>
        %gather3A_883 = arith.constant 0 : i32
        %gather3A_884 = arith.constant 0 : i32
        %gather3A_885 = tpu.memref_slice %arg6[%rem3A_261, %gather3A_883, %gather3A_884] : memref<5x128x128xf32, #tpu.memory_space<vmem>> -> memref<1x128x128xf32, #tpu.memory_space<vmem>>
        %gather3A_886 = tpu.memref_squeeze %gather3A_885 : memref<1x128x128xf32, #tpu.memory_space<vmem>> -> memref<128x128xf32, #tpu.memory_space<vmem>>
        %gather3A_887 = tpu.vector_load_idx %gather3A_886[%add3A_317, %add3A_882] : memref<128x128xf32, #tpu.memory_space<vmem>>[vector<16xi32>, vector<16xi32>], vector<16xf32>,
        %scatter3A_888 = arith.constant 0 : i32
        %scatter3A_889 = arith.constant 0 : i32
        %scatter3A_890 = tpu.memref_slice %arg7[%rem3A_263, %scatter3A_888, %scatter3A_889] : memref<2x64x128xf32, #tpu.memory_space<vmem>> -> memref<1x64x128xf32, #tpu.memory_space<vmem>>
        %scatter3A_891 = tpu.memref_squeeze %scatter3A_890 : memref<1x64x128xf32, #tpu.memory_space<vmem>> -> memref<64x128xf32, #tpu.memory_space<vmem>>
        tpu.vector_store_idx %scatter3A_891[%add3A_882, %add3A_317], %gather3A_887 : memref<64x128xf32, #tpu.memory_space<vmem>>[vector<16xi32>, vector<16xi32>], vector<16xf32>,
        %add3A_892 = arith.constant 48 : i32
        %add3A_893 = vector.broadcast %add3A_892 : i32 to vector<16xi32>
        %add3A_894 = arith.addi %rem3A_7, %add3A_893 : vector<16xi32>
        %gather3A_895 = arith.constant 0 : i32
        %gather3A_896 = arith.constant 0 : i32
        %gather3A_897 = tpu.memref_slice %arg6[%rem3A_261, %gather3A_895, %gather3A_896] : memref<5x128x128xf32, #tpu.memory_space<vmem>> -> memref<1x128x128xf32, #tpu.memory_space<vmem>>
        %gather3A_898 = tpu.memref_squeeze %gather3A_897 : memref<1x128x128xf32, #tpu.memory_space<vmem>> -> memref<128x128xf32, #tpu.memory_space<vmem>>
        %gather3A_899 = tpu.vector_load_idx %gather3A_898[%add3A_317, %add3A_894] : memref<128x128xf32, #tpu.memory_space<vmem>>[vector<16xi32>, vector<16xi32>], vector<16xf32>,
        %scatter3A_900 = arith.constant 0 : i32
        %scatter3A_901 = arith.constant 0 : i32
        %scatter3A_902 = tpu.memref_slice %arg7[%rem3A_263, %scatter3A_900, %scatter3A_901] : memref<2x64x128xf32, #tpu.memory_space<vmem>> -> memref<1x64x128xf32, #tpu.memory_space<vmem>>
        %scatter3A_903 = tpu.memref_squeeze %scatter3A_902 : memref<1x64x128xf32, #tpu.memory_space<vmem>> -> memref<64x128xf32, #tpu.memory_space<vmem>>
        tpu.vector_store_idx %scatter3A_903[%add3A_894, %add3A_317], %gather3A_899 : memref<64x128xf32, #tpu.memory_space<vmem>>[vector<16xi32>, vector<16xi32>], vector<16xf32>,
        %add3A_904 = arith.constant 48 : i32
        %add3A_905 = vector.broadcast %add3A_904 : i32 to vector<16xi32>
        %add3A_906 = arith.addi %rem3A_13, %add3A_905 : vector<16xi32>
        %gather3A_907 = arith.constant 0 : i32
        %gather3A_908 = arith.constant 0 : i32
        %gather3A_909 = tpu.memref_slice %arg6[%rem3A_261, %gather3A_907, %gather3A_908] : memref<5x128x128xf32, #tpu.memory_space<vmem>> -> memref<1x128x128xf32, #tpu.memory_space<vmem>>
        %gather3A_910 = tpu.memref_squeeze %gather3A_909 : memref<1x128x128xf32, #tpu.memory_space<vmem>> -> memref<128x128xf32, #tpu.memory_space<vmem>>
        %gather3A_911 = tpu.vector_load_idx %gather3A_910[%add3A_317, %add3A_906] : memref<128x128xf32, #tpu.memory_space<vmem>>[vector<16xi32>, vector<16xi32>], vector<16xf32>,
        %scatter3A_912 = arith.constant 0 : i32
        %scatter3A_913 = arith.constant 0 : i32
        %scatter3A_914 = tpu.memref_slice %arg7[%rem3A_263, %scatter3A_912, %scatter3A_913] : memref<2x64x128xf32, #tpu.memory_space<vmem>> -> memref<1x64x128xf32, #tpu.memory_space<vmem>>
        %scatter3A_915 = tpu.memref_squeeze %scatter3A_914 : memref<1x64x128xf32, #tpu.memory_space<vmem>> -> memref<64x128xf32, #tpu.memory_space<vmem>>
        tpu.vector_store_idx %scatter3A_915[%add3A_906, %add3A_317], %gather3A_911 : memref<64x128xf32, #tpu.memory_space<vmem>>[vector<16xi32>, vector<16xi32>], vector<16xf32>,
        %add3A_916 = arith.constant 48 : i32
        %add3A_917 = vector.broadcast %add3A_916 : i32 to vector<16xi32>
        %add3A_918 = arith.addi %rem3A_19, %add3A_917 : vector<16xi32>
        %gather3A_919 = arith.constant 0 : i32
        %gather3A_920 = arith.constant 0 : i32
        %gather3A_921 = tpu.memref_slice %arg6[%rem3A_261, %gather3A_919, %gather3A_920] : memref<5x128x128xf32, #tpu.memory_space<vmem>> -> memref<1x128x128xf32, #tpu.memory_space<vmem>>
        %gather3A_922 = tpu.memref_squeeze %gather3A_921 : memref<1x128x128xf32, #tpu.memory_space<vmem>> -> memref<128x128xf32, #tpu.memory_space<vmem>>
        %gather3A_923 = tpu.vector_load_idx %gather3A_922[%add3A_317, %add3A_918] : memref<128x128xf32, #tpu.memory_space<vmem>>[vector<16xi32>, vector<16xi32>], vector<16xf32>,
        %scatter3A_924 = arith.constant 0 : i32
        %scatter3A_925 = arith.constant 0 : i32
        %scatter3A_926 = tpu.memref_slice %arg7[%rem3A_263, %scatter3A_924, %scatter3A_925] : memref<2x64x128xf32, #tpu.memory_space<vmem>> -> memref<1x64x128xf32, #tpu.memory_space<vmem>>
        %scatter3A_927 = tpu.memref_squeeze %scatter3A_926 : memref<1x64x128xf32, #tpu.memory_space<vmem>> -> memref<64x128xf32, #tpu.memory_space<vmem>>
        tpu.vector_store_idx %scatter3A_927[%add3A_918, %add3A_317], %gather3A_923 : memref<64x128xf32, #tpu.memory_space<vmem>>[vector<16xi32>, vector<16xi32>], vector<16xf32>,
        %add3A_928 = arith.constant 48 : i32
        %add3A_929 = vector.broadcast %add3A_928 : i32 to vector<16xi32>
        %add3A_930 = arith.addi %rem3A_25, %add3A_929 : vector<16xi32>
        %gather3A_931 = arith.constant 0 : i32
        %gather3A_932 = arith.constant 0 : i32
        %gather3A_933 = tpu.memref_slice %arg6[%rem3A_261, %gather3A_931, %gather3A_932] : memref<5x128x128xf32, #tpu.memory_space<vmem>> -> memref<1x128x128xf32, #tpu.memory_space<vmem>>
        %gather3A_934 = tpu.memref_squeeze %gather3A_933 : memref<1x128x128xf32, #tpu.memory_space<vmem>> -> memref<128x128xf32, #tpu.memory_space<vmem>>
        %gather3A_935 = tpu.vector_load_idx %gather3A_934[%add3A_317, %add3A_930] : memref<128x128xf32, #tpu.memory_space<vmem>>[vector<16xi32>, vector<16xi32>], vector<16xf32>,
        %scatter3A_936 = arith.constant 0 : i32
        %scatter3A_937 = arith.constant 0 : i32
        %scatter3A_938 = tpu.memref_slice %arg7[%rem3A_263, %scatter3A_936, %scatter3A_937] : memref<2x64x128xf32, #tpu.memory_space<vmem>> -> memref<1x64x128xf32, #tpu.memory_space<vmem>>
        %scatter3A_939 = tpu.memref_squeeze %scatter3A_938 : memref<1x64x128xf32, #tpu.memory_space<vmem>> -> memref<64x128xf32, #tpu.memory_space<vmem>>
        tpu.vector_store_idx %scatter3A_939[%add3A_930, %add3A_317], %gather3A_935 : memref<64x128xf32, #tpu.memory_space<vmem>>[vector<16xi32>, vector<16xi32>], vector<16xf32>,
        %add3A_940 = arith.constant 48 : i32
        %add3A_941 = vector.broadcast %add3A_940 : i32 to vector<16xi32>
        %add3A_942 = arith.addi %rem3A_31, %add3A_941 : vector<16xi32>
        %gather3A_943 = arith.constant 0 : i32
        %gather3A_944 = arith.constant 0 : i32
        %gather3A_945 = tpu.memref_slice %arg6[%rem3A_261, %gather3A_943, %gather3A_944] : memref<5x128x128xf32, #tpu.memory_space<vmem>> -> memref<1x128x128xf32, #tpu.memory_space<vmem>>
        %gather3A_946 = tpu.memref_squeeze %gather3A_945 : memref<1x128x128xf32, #tpu.memory_space<vmem>> -> memref<128x128xf32, #tpu.memory_space<vmem>>
        %gather3A_947 = tpu.vector_load_idx %gather3A_946[%add3A_317, %add3A_942] : memref<128x128xf32, #tpu.memory_space<vmem>>[vector<16xi32>, vector<16xi32>], vector<16xf32>,
        %scatter3A_948 = arith.constant 0 : i32
        %scatter3A_949 = arith.constant 0 : i32
        %scatter3A_950 = tpu.memref_slice %arg7[%rem3A_263, %scatter3A_948, %scatter3A_949] : memref<2x64x128xf32, #tpu.memory_space<vmem>> -> memref<1x64x128xf32, #tpu.memory_space<vmem>>
        %scatter3A_951 = tpu.memref_squeeze %scatter3A_950 : memref<1x64x128xf32, #tpu.memory_space<vmem>> -> memref<64x128xf32, #tpu.memory_space<vmem>>
        tpu.vector_store_idx %scatter3A_951[%add3A_942, %add3A_317], %gather3A_947 : memref<64x128xf32, #tpu.memory_space<vmem>>[vector<16xi32>, vector<16xi32>], vector<16xf32>,
        %add3A_952 = arith.constant 48 : i32
        %add3A_953 = vector.broadcast %add3A_952 : i32 to vector<16xi32>
        %add3A_954 = arith.addi %rem3A_37, %add3A_953 : vector<16xi32>
        %gather3A_955 = arith.constant 0 : i32
        %gather3A_956 = arith.constant 0 : i32
        %gather3A_957 = tpu.memref_slice %arg6[%rem3A_261, %gather3A_955, %gather3A_956] : memref<5x128x128xf32, #tpu.memory_space<vmem>> -> memref<1x128x128xf32, #tpu.memory_space<vmem>>
        %gather3A_958 = tpu.memref_squeeze %gather3A_957 : memref<1x128x128xf32, #tpu.memory_space<vmem>> -> memref<128x128xf32, #tpu.memory_space<vmem>>
        %gather3A_959 = tpu.vector_load_idx %gather3A_958[%add3A_317, %add3A_954] : memref<128x128xf32, #tpu.memory_space<vmem>>[vector<16xi32>, vector<16xi32>], vector<16xf32>,
        %scatter3A_960 = arith.constant 0 : i32
        %scatter3A_961 = arith.constant 0 : i32
        %scatter3A_962 = tpu.memref_slice %arg7[%rem3A_263, %scatter3A_960, %scatter3A_961] : memref<2x64x128xf32, #tpu.memory_space<vmem>> -> memref<1x64x128xf32, #tpu.memory_space<vmem>>
        %scatter3A_963 = tpu.memref_squeeze %scatter3A_962 : memref<1x64x128xf32, #tpu.memory_space<vmem>> -> memref<64x128xf32, #tpu.memory_space<vmem>>
        tpu.vector_store_idx %scatter3A_963[%add3A_954, %add3A_317], %gather3A_959 : memref<64x128xf32, #tpu.memory_space<vmem>>[vector<16xi32>, vector<16xi32>], vector<16xf32>,
        %add3A_964 = arith.constant 48 : i32
        %add3A_965 = vector.broadcast %add3A_964 : i32 to vector<16xi32>
        %add3A_966 = arith.addi %rem3A_43, %add3A_965 : vector<16xi32>
        %gather3A_967 = arith.constant 0 : i32
        %gather3A_968 = arith.constant 0 : i32
        %gather3A_969 = tpu.memref_slice %arg6[%rem3A_261, %gather3A_967, %gather3A_968] : memref<5x128x128xf32, #tpu.memory_space<vmem>> -> memref<1x128x128xf32, #tpu.memory_space<vmem>>
        %gather3A_970 = tpu.memref_squeeze %gather3A_969 : memref<1x128x128xf32, #tpu.memory_space<vmem>> -> memref<128x128xf32, #tpu.memory_space<vmem>>
        %gather3A_971 = tpu.vector_load_idx %gather3A_970[%add3A_317, %add3A_966] : memref<128x128xf32, #tpu.memory_space<vmem>>[vector<16xi32>, vector<16xi32>], vector<16xf32>,
        %scatter3A_972 = arith.constant 0 : i32
        %scatter3A_973 = arith.constant 0 : i32
        %scatter3A_974 = tpu.memref_slice %arg7[%rem3A_263, %scatter3A_972, %scatter3A_973] : memref<2x64x128xf32, #tpu.memory_space<vmem>> -> memref<1x64x128xf32, #tpu.memory_space<vmem>>
        %scatter3A_975 = tpu.memref_squeeze %scatter3A_974 : memref<1x64x128xf32, #tpu.memory_space<vmem>> -> memref<64x128xf32, #tpu.memory_space<vmem>>
        tpu.vector_store_idx %scatter3A_975[%add3A_966, %add3A_317], %gather3A_971 : memref<64x128xf32, #tpu.memory_space<vmem>>[vector<16xi32>, vector<16xi32>], vector<16xf32>,
        %add3A_976 = arith.constant 48 : i32
        %add3A_977 = vector.broadcast %add3A_976 : i32 to vector<16xi32>
        %add3A_978 = arith.addi %rem3A_49, %add3A_977 : vector<16xi32>
        %gather3A_979 = arith.constant 0 : i32
        %gather3A_980 = arith.constant 0 : i32
        %gather3A_981 = tpu.memref_slice %arg6[%rem3A_261, %gather3A_979, %gather3A_980] : memref<5x128x128xf32, #tpu.memory_space<vmem>> -> memref<1x128x128xf32, #tpu.memory_space<vmem>>
        %gather3A_982 = tpu.memref_squeeze %gather3A_981 : memref<1x128x128xf32, #tpu.memory_space<vmem>> -> memref<128x128xf32, #tpu.memory_space<vmem>>
        %gather3A_983 = tpu.vector_load_idx %gather3A_982[%add3A_317, %add3A_978] : memref<128x128xf32, #tpu.memory_space<vmem>>[vector<16xi32>, vector<16xi32>], vector<16xf32>,
        %scatter3A_984 = arith.constant 0 : i32
        %scatter3A_985 = arith.constant 0 : i32
        %scatter3A_986 = tpu.memref_slice %arg7[%rem3A_263, %scatter3A_984, %scatter3A_985] : memref<2x64x128xf32, #tpu.memory_space<vmem>> -> memref<1x64x128xf32, #tpu.memory_space<vmem>>
        %scatter3A_987 = tpu.memref_squeeze %scatter3A_986 : memref<1x64x128xf32, #tpu.memory_space<vmem>> -> memref<64x128xf32, #tpu.memory_space<vmem>>
        tpu.vector_store_idx %scatter3A_987[%add3A_978, %add3A_317], %gather3A_983 : memref<64x128xf32, #tpu.memory_space<vmem>>[vector<16xi32>, vector<16xi32>], vector<16xf32>,
        %add3A_988 = arith.constant 48 : i32
        %add3A_989 = vector.broadcast %add3A_988 : i32 to vector<16xi32>
        %add3A_990 = arith.addi %rem3A_55, %add3A_989 : vector<16xi32>
        %gather3A_991 = arith.constant 0 : i32
        %gather3A_992 = arith.constant 0 : i32
        %gather3A_993 = tpu.memref_slice %arg6[%rem3A_261, %gather3A_991, %gather3A_992] : memref<5x128x128xf32, #tpu.memory_space<vmem>> -> memref<1x128x128xf32, #tpu.memory_space<vmem>>
        %gather3A_994 = tpu.memref_squeeze %gather3A_993 : memref<1x128x128xf32, #tpu.memory_space<vmem>> -> memref<128x128xf32, #tpu.memory_space<vmem>>
        %gather3A_995 = tpu.vector_load_idx %gather3A_994[%add3A_317, %add3A_990] : memref<128x128xf32, #tpu.memory_space<vmem>>[vector<16xi32>, vector<16xi32>], vector<16xf32>,
        %scatter3A_996 = arith.constant 0 : i32
        %scatter3A_997 = arith.constant 0 : i32
        %scatter3A_998 = tpu.memref_slice %arg7[%rem3A_263, %scatter3A_996, %scatter3A_997] : memref<2x64x128xf32, #tpu.memory_space<vmem>> -> memref<1x64x128xf32, #tpu.memory_space<vmem>>
        %scatter3A_999 = tpu.memref_squeeze %scatter3A_998 : memref<1x64x128xf32, #tpu.memory_space<vmem>> -> memref<64x128xf32, #tpu.memory_space<vmem>>
        tpu.vector_store_idx %scatter3A_999[%add3A_990, %add3A_317], %gather3A_995 : memref<64x128xf32, #tpu.memory_space<vmem>>[vector<16xi32>, vector<16xi32>], vector<16xf32>,
        %add3A_1000 = arith.constant 48 : i32
        %add3A_1001 = vector.broadcast %add3A_1000 : i32 to vector<16xi32>
        %add3A_1002 = arith.addi %rem3A_61, %add3A_1001 : vector<16xi32>
        %gather3A_1003 = arith.constant 0 : i32
        %gather3A_1004 = arith.constant 0 : i32
        %gather3A_1005 = tpu.memref_slice %arg6[%rem3A_261, %gather3A_1003, %gather3A_1004] : memref<5x128x128xf32, #tpu.memory_space<vmem>> -> memref<1x128x128xf32, #tpu.memory_space<vmem>>
        %gather3A_1006 = tpu.memref_squeeze %gather3A_1005 : memref<1x128x128xf32, #tpu.memory_space<vmem>> -> memref<128x128xf32, #tpu.memory_space<vmem>>
        %gather3A_1007 = tpu.vector_load_idx %gather3A_1006[%add3A_317, %add3A_1002] : memref<128x128xf32, #tpu.memory_space<vmem>>[vector<16xi32>, vector<16xi32>], vector<16xf32>,
        %scatter3A_1008 = arith.constant 0 : i32
        %scatter3A_1009 = arith.constant 0 : i32
        %scatter3A_1010 = tpu.memref_slice %arg7[%rem3A_263, %scatter3A_1008, %scatter3A_1009] : memref<2x64x128xf32, #tpu.memory_space<vmem>> -> memref<1x64x128xf32, #tpu.memory_space<vmem>>
        %scatter3A_1011 = tpu.memref_squeeze %scatter3A_1010 : memref<1x64x128xf32, #tpu.memory_space<vmem>> -> memref<64x128xf32, #tpu.memory_space<vmem>>
        tpu.vector_store_idx %scatter3A_1011[%add3A_1002, %add3A_317], %gather3A_1007 : memref<64x128xf32, #tpu.memory_space<vmem>>[vector<16xi32>, vector<16xi32>], vector<16xf32>,
        %add3A_1012 = arith.constant 48 : i32
        %add3A_1013 = vector.broadcast %add3A_1012 : i32 to vector<16xi32>
        %add3A_1014 = arith.addi %rem3A_67, %add3A_1013 : vector<16xi32>
        %gather3A_1015 = arith.constant 0 : i32
        %gather3A_1016 = arith.constant 0 : i32
        %gather3A_1017 = tpu.memref_slice %arg6[%rem3A_261, %gather3A_1015, %gather3A_1016] : memref<5x128x128xf32, #tpu.memory_space<vmem>> -> memref<1x128x128xf32, #tpu.memory_space<vmem>>
        %gather3A_1018 = tpu.memref_squeeze %gather3A_1017 : memref<1x128x128xf32, #tpu.memory_space<vmem>> -> memref<128x128xf32, #tpu.memory_space<vmem>>
        %gather3A_1019 = tpu.vector_load_idx %gather3A_1018[%add3A_317, %add3A_1014] : memref<128x128xf32, #tpu.memory_space<vmem>>[vector<16xi32>, vector<16xi32>], vector<16xf32>,
        %scatter3A_1020 = arith.constant 0 : i32
        %scatter3A_1021 = arith.constant 0 : i32
        %scatter3A_1022 = tpu.memref_slice %arg7[%rem3A_263, %scatter3A_1020, %scatter3A_1021] : memref<2x64x128xf32, #tpu.memory_space<vmem>> -> memref<1x64x128xf32, #tpu.memory_space<vmem>>
        %scatter3A_1023 = tpu.memref_squeeze %scatter3A_1022 : memref<1x64x128xf32, #tpu.memory_space<vmem>> -> memref<64x128xf32, #tpu.memory_space<vmem>>
        tpu.vector_store_idx %scatter3A_1023[%add3A_1014, %add3A_317], %gather3A_1019 : memref<64x128xf32, #tpu.memory_space<vmem>>[vector<16xi32>, vector<16xi32>], vector<16xf32>,
        %add3A_1024 = arith.constant 48 : i32
        %add3A_1025 = vector.broadcast %add3A_1024 : i32 to vector<16xi32>
        %add3A_1026 = arith.addi %rem3A_73, %add3A_1025 : vector<16xi32>
        %gather3A_1027 = arith.constant 0 : i32
        %gather3A_1028 = arith.constant 0 : i32
        %gather3A_1029 = tpu.memref_slice %arg6[%rem3A_261, %gather3A_1027, %gather3A_1028] : memref<5x128x128xf32, #tpu.memory_space<vmem>> -> memref<1x128x128xf32, #tpu.memory_space<vmem>>
        %gather3A_1030 = tpu.memref_squeeze %gather3A_1029 : memref<1x128x128xf32, #tpu.memory_space<vmem>> -> memref<128x128xf32, #tpu.memory_space<vmem>>
        %gather3A_1031 = tpu.vector_load_idx %gather3A_1030[%add3A_317, %add3A_1026] : memref<128x128xf32, #tpu.memory_space<vmem>>[vector<16xi32>, vector<16xi32>], vector<16xf32>,
        %scatter3A_1032 = arith.constant 0 : i32
        %scatter3A_1033 = arith.constant 0 : i32
        %scatter3A_1034 = tpu.memref_slice %arg7[%rem3A_263, %scatter3A_1032, %scatter3A_1033] : memref<2x64x128xf32, #tpu.memory_space<vmem>> -> memref<1x64x128xf32, #tpu.memory_space<vmem>>
        %scatter3A_1035 = tpu.memref_squeeze %scatter3A_1034 : memref<1x64x128xf32, #tpu.memory_space<vmem>> -> memref<64x128xf32, #tpu.memory_space<vmem>>
        tpu.vector_store_idx %scatter3A_1035[%add3A_1026, %add3A_317], %gather3A_1031 : memref<64x128xf32, #tpu.memory_space<vmem>>[vector<16xi32>, vector<16xi32>], vector<16xf32>,
        %add3A_1036 = arith.constant 48 : i32
        %add3A_1037 = vector.broadcast %add3A_1036 : i32 to vector<16xi32>
        %add3A_1038 = arith.addi %rem3A_79, %add3A_1037 : vector<16xi32>
        %gather3A_1039 = arith.constant 0 : i32
        %gather3A_1040 = arith.constant 0 : i32
        %gather3A_1041 = tpu.memref_slice %arg6[%rem3A_261, %gather3A_1039, %gather3A_1040] : memref<5x128x128xf32, #tpu.memory_space<vmem>> -> memref<1x128x128xf32, #tpu.memory_space<vmem>>
        %gather3A_1042 = tpu.memref_squeeze %gather3A_1041 : memref<1x128x128xf32, #tpu.memory_space<vmem>> -> memref<128x128xf32, #tpu.memory_space<vmem>>
        %gather3A_1043 = tpu.vector_load_idx %gather3A_1042[%add3A_317, %add3A_1038] : memref<128x128xf32, #tpu.memory_space<vmem>>[vector<16xi32>, vector<16xi32>], vector<16xf32>,
        %scatter3A_1044 = arith.constant 0 : i32
        %scatter3A_1045 = arith.constant 0 : i32
        %scatter3A_1046 = tpu.memref_slice %arg7[%rem3A_263, %scatter3A_1044, %scatter3A_1045] : memref<2x64x128xf32, #tpu.memory_space<vmem>> -> memref<1x64x128xf32, #tpu.memory_space<vmem>>
        %scatter3A_1047 = tpu.memref_squeeze %scatter3A_1046 : memref<1x64x128xf32, #tpu.memory_space<vmem>> -> memref<64x128xf32, #tpu.memory_space<vmem>>
        tpu.vector_store_idx %scatter3A_1047[%add3A_1038, %add3A_317], %gather3A_1043 : memref<64x128xf32, #tpu.memory_space<vmem>>[vector<16xi32>, vector<16xi32>], vector<16xf32>,
        %add3A_1048 = arith.constant 48 : i32
        %add3A_1049 = vector.broadcast %add3A_1048 : i32 to vector<16xi32>
        %add3A_1050 = arith.addi %rem3A_85, %add3A_1049 : vector<16xi32>
        %gather3A_1051 = arith.constant 0 : i32
        %gather3A_1052 = arith.constant 0 : i32
        %gather3A_1053 = tpu.memref_slice %arg6[%rem3A_261, %gather3A_1051, %gather3A_1052] : memref<5x128x128xf32, #tpu.memory_space<vmem>> -> memref<1x128x128xf32, #tpu.memory_space<vmem>>
        %gather3A_1054 = tpu.memref_squeeze %gather3A_1053 : memref<1x128x128xf32, #tpu.memory_space<vmem>> -> memref<128x128xf32, #tpu.memory_space<vmem>>
        %gather3A_1055 = tpu.vector_load_idx %gather3A_1054[%add3A_317, %add3A_1050] : memref<128x128xf32, #tpu.memory_space<vmem>>[vector<16xi32>, vector<16xi32>], vector<16xf32>,
        %scatter3A_1056 = arith.constant 0 : i32
        %scatter3A_1057 = arith.constant 0 : i32
        %scatter3A_1058 = tpu.memref_slice %arg7[%rem3A_263, %scatter3A_1056, %scatter3A_1057] : memref<2x64x128xf32, #tpu.memory_space<vmem>> -> memref<1x64x128xf32, #tpu.memory_space<vmem>>
        %scatter3A_1059 = tpu.memref_squeeze %scatter3A_1058 : memref<1x64x128xf32, #tpu.memory_space<vmem>> -> memref<64x128xf32, #tpu.memory_space<vmem>>
        tpu.vector_store_idx %scatter3A_1059[%add3A_1050, %add3A_317], %gather3A_1055 : memref<64x128xf32, #tpu.memory_space<vmem>>[vector<16xi32>, vector<16xi32>], vector<16xf32>,
        %add3A_1060 = arith.constant 48 : i32
        %add3A_1061 = vector.broadcast %add3A_1060 : i32 to vector<16xi32>
        %add3A_1062 = arith.addi %rem3A_91, %add3A_1061 : vector<16xi32>
        %gather3A_1063 = arith.constant 0 : i32
        %gather3A_1064 = arith.constant 0 : i32
        %gather3A_1065 = tpu.memref_slice %arg6[%rem3A_261, %gather3A_1063, %gather3A_1064] : memref<5x128x128xf32, #tpu.memory_space<vmem>> -> memref<1x128x128xf32, #tpu.memory_space<vmem>>
        %gather3A_1066 = tpu.memref_squeeze %gather3A_1065 : memref<1x128x128xf32, #tpu.memory_space<vmem>> -> memref<128x128xf32, #tpu.memory_space<vmem>>
        %gather3A_1067 = tpu.vector_load_idx %gather3A_1066[%add3A_317, %add3A_1062] : memref<128x128xf32, #tpu.memory_space<vmem>>[vector<16xi32>, vector<16xi32>], vector<16xf32>,
        %scatter3A_1068 = arith.constant 0 : i32
        %scatter3A_1069 = arith.constant 0 : i32
        %scatter3A_1070 = tpu.memref_slice %arg7[%rem3A_263, %scatter3A_1068, %scatter3A_1069] : memref<2x64x128xf32, #tpu.memory_space<vmem>> -> memref<1x64x128xf32, #tpu.memory_space<vmem>>
        %scatter3A_1071 = tpu.memref_squeeze %scatter3A_1070 : memref<1x64x128xf32, #tpu.memory_space<vmem>> -> memref<64x128xf32, #tpu.memory_space<vmem>>
        tpu.vector_store_idx %scatter3A_1071[%add3A_1062, %add3A_317], %gather3A_1067 : memref<64x128xf32, #tpu.memory_space<vmem>>[vector<16xi32>, vector<16xi32>], vector<16xf32>,
        %add3A_1072 = arith.constant 48 : i32
        %add3A_1073 = vector.broadcast %add3A_1072 : i32 to vector<16xi32>
        %add3A_1074 = arith.addi %rem3A_97, %add3A_1073 : vector<16xi32>
        %gather3A_1075 = arith.constant 0 : i32
        %gather3A_1076 = arith.constant 0 : i32
        %gather3A_1077 = tpu.memref_slice %arg6[%rem3A_261, %gather3A_1075, %gather3A_1076] : memref<5x128x128xf32, #tpu.memory_space<vmem>> -> memref<1x128x128xf32, #tpu.memory_space<vmem>>
        %gather3A_1078 = tpu.memref_squeeze %gather3A_1077 : memref<1x128x128xf32, #tpu.memory_space<vmem>> -> memref<128x128xf32, #tpu.memory_space<vmem>>
        %gather3A_1079 = tpu.vector_load_idx %gather3A_1078[%add3A_317, %add3A_1074] : memref<128x128xf32, #tpu.memory_space<vmem>>[vector<16xi32>, vector<16xi32>], vector<16xf32>,
        %scatter3A_1080 = arith.constant 0 : i32
        %scatter3A_1081 = arith.constant 0 : i32
        %scatter3A_1082 = tpu.memref_slice %arg7[%rem3A_263, %scatter3A_1080, %scatter3A_1081] : memref<2x64x128xf32, #tpu.memory_space<vmem>> -> memref<1x64x128xf32, #tpu.memory_space<vmem>>
        %scatter3A_1083 = tpu.memref_squeeze %scatter3A_1082 : memref<1x64x128xf32, #tpu.memory_space<vmem>> -> memref<64x128xf32, #tpu.memory_space<vmem>>
        tpu.vector_store_idx %scatter3A_1083[%add3A_1074, %add3A_317], %gather3A_1079 : memref<64x128xf32, #tpu.memory_space<vmem>>[vector<16xi32>, vector<16xi32>], vector<16xf32>,
      }
      %scan3A_269 = arith.constant 8 : i32
      %jit3A_270 = arith.constant 4 : i32
      %div3A_271 = arith.divsi %scan3A_221, %jit3A_270 : i32
      %sign3A_272 = arith.constant 0 : i32
      %sign3A_273 = arith.cmpi sgt, %scan3A_221, %sign3A_272 : i32
      %sign3A_274 = arith.extui %sign3A_273 : i1 to i32
      %sign3A_275 = arith.constant 0 : i32
      %sign3A_276 = arith.cmpi slt, %scan3A_221, %sign3A_275 : i32
      %sign3A_277 = arith.extui %sign3A_276 : i1 to i32
      %sign3A_278 = arith.subi %sign3A_274, %sign3A_277 : i32
      %sign3A_279 = arith.constant 0 : i32
      %sign3A_280 = arith.cmpi sgt, %jit3A_270, %sign3A_279 : i32
      %sign3A_281 = arith.extui %sign3A_280 : i1 to i32
      %sign3A_282 = arith.constant 0 : i32
      %sign3A_283 = arith.cmpi slt, %jit3A_270, %sign3A_282 : i32
      %sign3A_284 = arith.extui %sign3A_283 : i1 to i32
      %sign3A_285 = arith.subi %sign3A_281, %sign3A_284 : i32
      %ne3A_286 = arith.cmpi ne, %sign3A_278, %sign3A_285 : i32
      %rem3A_287 = arith.remsi %scan3A_221, %jit3A_270 : i32
      %ne3A_288 = arith.constant 0 : i32
      %ne3A_289 = arith.cmpi ne, %rem3A_287, %ne3A_288 : i32
      %and3A_290 = arith.andi %ne3A_286, %ne3A_289 : i1
      %sub3A_291 = arith.constant 1 : i32
      %sub3A_292 = arith.subi %div3A_271, %sub3A_291 : i32
      %select_n3A_293 = arith.select %and3A_290, %sub3A_292, %div3A_271 : i32
      %rem3A_294 = arith.constant 4 : i32
      %rem3A_295 = arith.remsi %scan3A_221, %rem3A_294 : i32
      %mul3A_296 = arith.constant 128 : i32
      %mul3A_297 = arith.muli %rem3A_295, %mul3A_296 : i32
      %add3A_298 = arith.addi %mul3A_2, %mul3A_297 : i32
      %dma_start3A_299 = arith.constant 0 : i32
      %dma_start3A_300 = arith.constant 0 : i32
      %dma_start3A_301 = tpu.memref_slice %arg7[%rem3A_263, %dma_start3A_299, %dma_start3A_300] : memref<2x64x128xf32, #tpu.memory_space<vmem>> -> memref<1x64x128xf32, #tpu.memory_space<vmem>>
      %dma_start3A_302 = tpu.memref_squeeze %dma_start3A_301 : memref<1x64x128xf32, #tpu.memory_space<vmem>> -> memref<64x128xf32, #tpu.memory_space<vmem>>
      %dma_start3A_303 = arith.constant 0 : i32
      %dma_start3A_304 = tpu.memref_slice %arg4[%select_n3A_293, %dma_start3A_303, %add3A_298] : memref<50x64x16384xf32, #tpu.memory_space<hbm>> -> memref<1x64x128xf32, #tpu.memory_space<hbm>>
      %dma_start3A_305 = tpu.memref_squeeze %dma_start3A_304 : memref<1x64x128xf32, #tpu.memory_space<hbm>> -> memref<64x128xf32, #tpu.memory_space<hbm>>
      %dma_start3A_306 = arith.constant 0 : i32
      %dma_start3A_307 = tpu.memref_slice %arg4[%select_n3A_293, %dma_start3A_306, %add3A_298] : memref<50x64x16384xf32, #tpu.memory_space<hbm>> -> memref<1x64x128xf32, #tpu.memory_space<hbm>>
      %dma_start3A_308 = tpu.memref_squeeze %dma_start3A_307 : memref<1x64x128xf32, #tpu.memory_space<hbm>> -> memref<64x128xf32, #tpu.memory_space<hbm>>
      %dma_start3A_309 = arith.constant 0 : i32
      %dma_start3A_310 = arith.constant 0 : i32
      %dma_start3A_311 = tpu.memref_slice %arg7[%rem3A_263, %dma_start3A_309, %dma_start3A_310] : memref<2x64x128xf32, #tpu.memory_space<vmem>> -> memref<1x64x128xf32, #tpu.memory_space<vmem>>
      %dma_start3A_312 = tpu.memref_squeeze %dma_start3A_311 : memref<1x64x128xf32, #tpu.memory_space<vmem>> -> memref<64x128xf32, #tpu.memory_space<vmem>>
      tpu.enqueue_dma source(%dma_start3A_312 : memref<64x128xf32, #tpu.memory_space<vmem>>) target(%dma_start3A_308 : memref<64x128xf32, #tpu.memory_space<hbm>>) target_semaphore(%arg9 : memref<!tpu.dma_semaphore, #tpu.memory_space<semaphore_mem>>)
    }
    %scan3A_173 = arith.constant 200 : i32
    %rem3A_174 = arith.constant 198 : i32
    %rem3A_175 = arith.constant 2 : i32
    %rem3A_176 = arith.remsi %rem3A_174, %rem3A_175 : i32
    %rem3A_177 = arith.constant 198 : i32
    %rem3A_178 = arith.constant 4 : i32
    %rem3A_179 = arith.remsi %rem3A_177, %rem3A_178 : i32
    %mul3A_180 = arith.constant 128 : i32
    %mul3A_181 = arith.muli %rem3A_179, %mul3A_180 : i32
    %add3A_182 = arith.addi %mul3A_2, %mul3A_181 : i32
    %dma_wait3A = arith.constant 49 : i32
    %dma_wait3A_183 = arith.constant 0 : i32
    %dma_wait3A_184 = arith.constant 0 : i32
    %dma_wait3A_185 = tpu.memref_slice %arg7[%rem3A_176, %dma_wait3A_183, %dma_wait3A_184] : memref<2x64x128xf32, #tpu.memory_space<vmem>> -> memref<1x64x128xf32, #tpu.memory_space<vmem>>
    %dma_wait3A_186 = tpu.memref_squeeze %dma_wait3A_185 : memref<1x64x128xf32, #tpu.memory_space<vmem>> -> memref<64x128xf32, #tpu.memory_space<vmem>>
    %dma_wait3A_187 = arith.constant 0 : i32
    %dma_wait3A_188 = tpu.memref_slice %arg4[%dma_wait3A, %dma_wait3A_187, %add3A_182] : memref<50x64x16384xf32, #tpu.memory_space<hbm>> -> memref<1x64x128xf32, #tpu.memory_space<hbm>>
    %dma_wait3A_189 = tpu.memref_squeeze %dma_wait3A_188 : memref<1x64x128xf32, #tpu.memory_space<hbm>> -> memref<64x128xf32, #tpu.memory_space<hbm>>
    %dma_wait3A_190 = arith.constant 0 : i32
    %dma_wait3A_191 = tpu.memref_slice %arg4[%dma_wait3A, %dma_wait3A_190, %add3A_182] : memref<50x64x16384xf32, #tpu.memory_space<hbm>> -> memref<1x64x128xf32, #tpu.memory_space<hbm>>
    %dma_wait3A_192 = tpu.memref_squeeze %dma_wait3A_191 : memref<1x64x128xf32, #tpu.memory_space<hbm>> -> memref<64x128xf32, #tpu.memory_space<hbm>>
    %dma_wait3A_193 = arith.constant 0 : i32
    %dma_wait3A_194 = arith.constant 0 : i32
    %dma_wait3A_195 = tpu.memref_slice %arg7[%rem3A_176, %dma_wait3A_193, %dma_wait3A_194] : memref<2x64x128xf32, #tpu.memory_space<vmem>> -> memref<1x64x128xf32, #tpu.memory_space<vmem>>
    %dma_wait3A_196 = tpu.memref_squeeze %dma_wait3A_195 : memref<1x64x128xf32, #tpu.memory_space<vmem>> -> memref<64x128xf32, #tpu.memory_space<vmem>>
    tpu.wait_dma2 semaphore(%arg9 : memref<!tpu.dma_semaphore, #tpu.memory_space<semaphore_mem>>) src(%dma_wait3A_196 : memref<64x128xf32, #tpu.memory_space<vmem>>) dst(%dma_wait3A_192 : memref<64x128xf32, #tpu.memory_space<hbm>>)
    %rem3A_197 = arith.constant 199 : i32
    %rem3A_198 = arith.constant 2 : i32
    %rem3A_199 = arith.remsi %rem3A_197, %rem3A_198 : i32
    %rem3A_200 = arith.constant 199 : i32
    %rem3A_201 = arith.constant 4 : i32
    %rem3A_202 = arith.remsi %rem3A_200, %rem3A_201 : i32
    %mul3A_203 = arith.constant 128 : i32
    %mul3A_204 = arith.muli %rem3A_202, %mul3A_203 : i32
    %add3A_205 = arith.addi %mul3A_2, %mul3A_204 : i32
    %dma_wait3A_206 = arith.constant 49 : i32
    %dma_wait3A_207 = arith.constant 0 : i32
    %dma_wait3A_208 = arith.constant 0 : i32
    %dma_wait3A_209 = tpu.memref_slice %arg7[%rem3A_199, %dma_wait3A_207, %dma_wait3A_208] : memref<2x64x128xf32, #tpu.memory_space<vmem>> -> memref<1x64x128xf32, #tpu.memory_space<vmem>>
    %dma_wait3A_210 = tpu.memref_squeeze %dma_wait3A_209 : memref<1x64x128xf32, #tpu.memory_space<vmem>> -> memref<64x128xf32, #tpu.memory_space<vmem>>
    %dma_wait3A_211 = arith.constant 0 : i32
    %dma_wait3A_212 = tpu.memref_slice %arg4[%dma_wait3A_206, %dma_wait3A_211, %add3A_205] : memref<50x64x16384xf32, #tpu.memory_space<hbm>> -> memref<1x64x128xf32, #tpu.memory_space<hbm>>
    %dma_wait3A_213 = tpu.memref_squeeze %dma_wait3A_212 : memref<1x64x128xf32, #tpu.memory_space<hbm>> -> memref<64x128xf32, #tpu.memory_space<hbm>>
    %dma_wait3A_214 = arith.constant 0 : i32
    %dma_wait3A_215 = tpu.memref_slice %arg4[%dma_wait3A_206, %dma_wait3A_214, %add3A_205] : memref<50x64x16384xf32, #tpu.memory_space<hbm>> -> memref<1x64x128xf32, #tpu.memory_space<hbm>>
    %dma_wait3A_216 = tpu.memref_squeeze %dma_wait3A_215 : memref<1x64x128xf32, #tpu.memory_space<hbm>> -> memref<64x128xf32, #tpu.memory_space<hbm>>
    %dma_wait3A_217 = arith.constant 0 : i32
    %dma_wait3A_218 = arith.constant 0 : i32
    %dma_wait3A_219 = tpu.memref_slice %arg7[%rem3A_199, %dma_wait3A_217, %dma_wait3A_218] : memref<2x64x128xf32, #tpu.memory_space<vmem>> -> memref<1x64x128xf32, #tpu.memory_space<vmem>>
    %dma_wait3A_220 = tpu.memref_squeeze %dma_wait3A_219 : memref<1x64x128xf32, #tpu.memory_space<vmem>> -> memref<64x128xf32, #tpu.memory_space<vmem>>
    tpu.wait_dma2 semaphore(%arg9 : memref<!tpu.dma_semaphore, #tpu.memory_space<semaphore_mem>>) src(%dma_wait3A_220 : memref<64x128xf32, #tpu.memory_space<vmem>>) dst(%dma_wait3A_216 : memref<64x128xf32, #tpu.memory_space<hbm>>)
    return
  }
}

</mosaic_0001>

<sc_bundles>
// kernel: kernel.3.cloned.1.call-start
scs
__scs_entry_jumppad:
0x0: {  	(pc) =	sbr.rel $0x88, $3  }
0x1: {  	(tag) =	ssettag $0x0;
	lr =	simm.s32 $0x1  }
0x2: {  	[smem:$0x3F9F] =	sst lr;
	_ =	strace $0xD0000000  }
0x3: {  	_ = 	snop  }
0x4: {  	_ = 	snop  }
0x5: {  	_ = 	snop  }
0x6: {  	_ = 	snop  }
0x7: {  	_ = 	snop  }
__scs_overlays_trampoline_lowered:
0x8: {  	[smem:$0x3FAE] =	sst s0  }
0x9: {  	[smem:$0x3FAF] =	sst s1  }
0xa: {  	[smem:$0x3FB0] =	sst s2  }
0xb: {  	[smem:$0x3FB1] =	sst s3  }
0xc: {  	[smem:$0x3FB2] =	sst s4  }
0xd: {  	[smem:$0x3FB3] =	sst s5  }
0xe: {  	[smem:$0x3FB4] =	sst s6  }
0xf: {  	[smem:$0x3FB5] =	sst s7  }
0x10: {  	[smem:$0x3FB6] =	sst s8  }
0x11: {  	[smem:$0x3FB7] =	sst s9;
	s0 =	simm.s32 @!p0 $0x0  }
0x12: {  	s1 =	sld [smem:$0x3F9D];
	s0 =	simm.s32 @p0 $0x1  }
0x13: {  	[smem:$0x3FB8] =	sst s0;
	s0 =	simm.s32 @!p1 $0x0  }
0x14: {  	s2 =	sld [smem:$0x3F9C];
	s0 =	simm.s32 @p1 $0x1  }
0x15: {  	[smem:$0x3FB9] =	sst s0;
	s0 =	simm.s32 @!p2 $0x0  }
0x16: {  	s3 =	sld [smem:$0x3FDB];
	s0 =	simm.s32 @p2 $0x1  }
0x17: {  	s4 =	simm.s32 $0x1BF5;
	[smem:$0x3FBB] =	sst s0  }
0x18: {  	s0 =	sld [smem:$0x3F9E];
	_ =	swait.ge [sflag:s4], $0x0  }
0x19: {  	s7 =	sld [smem:$0x3F9F]  }
0x1a: {  	s8 =	sadd.s32 $0xFFFFE003, lr  }
0x1b: {  	s9 =	sadd.s32 $0xFFFFFEF7, lr;
	s5 =	simm.s32 $0xFFFFFFFF;
	p2 =	slt.u32 s8, $0xFFFFF086  }
0x1c: {  	p1 =	slt.u32 s9, $0xF7A;
	s5 =	simm.s32 @!p2 $0x0  }
0x1d: {  	s5 =	simm.s32 @p1 $0x1;
	p0 =	seq.s32 s7, s2  }
0x1e: {  	s7 =	smul.u32 @!p0 $0xF7A, s2;
	p2 =	seq.s32 @!p0 s5, $0x0  }
0x1f: {  	s9 =	smul.u32 $0xF7A, s1;
	s8 =	simm.s32 @!p0 $0x1BF5;
	p2 =	por !p2, p0  }
0x20: {  	[sflag:s8] =	ssyncset.s32 @!p0 $0xFFFFF086;
	s6 =	sadd.s32 @!p0 s3, s7;
	s7 =	simm.s32 @!p0 $0x108  }
0x21: {  	s3 =	sadd.s32 s3, s9;
	s6 =	sadd.s32 @!p0 $0x88, s6;
	s7 =	simm.s32 @p2 $0x1082  }
0x22: {  	[simem:s7], [sflag:s8] =	dma.local @!p0 [hbm:s6], $0xF7A  }
0x23: {  	s9 =	sor.u32 $0xD0000000, s2;
	s6 =	simm.s32 $0x108;
	_ =	swait.ge @!p0 [sflag:s8], $0x0  }
0x24: {  	s3 =	sadd.s32 $0x88, s3;
	s6 =	simm.s32 @!p1 $0x1082;
	[sflag:s4] =	ssyncset.s32 $0xFFFFF086  }
0x25: {  	[simem:s6], [sflag:s4] =	dma.local [hbm:s3], $0xF7A  }
0x26: {  	[smem:$0x3F9F] =	sst s1;
	(tag) =	ssettag s2;
	_ =	strace s9  }
0x27: {  	s1 =	sld [smem:$0x3FAF]  }
0x28: {  	s2 =	sld [smem:$0x3FB0]  }
0x29: {  	s4 =	sld [smem:$0x3FB2]  }
0x2a: {  	p0 =	seq.s32 s5, $0x0;
	s5 =	sld [smem:$0x3FB3]  }
0x2b: {  	s6 =	sld [smem:$0x3FB4]  }
0x2c: {  	s7 =	sld [smem:$0x3FB5]  }
0x2d: {  	s3 =	simm.s32 $0x108;
	s8 =	sld [smem:$0x3FB6]  }
0x2e: {  	s3 =	simm.s32 @!p0 $0x1082;
	s9 =	sld [smem:$0x3FB7]  }
0x2f: {  	lr =	sadd.s32 s0, s3;
	s0 =	sld [smem:$0x3FAE]  }
0x30: {  	s3 =	sld [smem:$0x3FB1]  }
0x31: {  	[smem:$0x3FBA] =	sst s10  }
0x32: {  	s10 =	sld [smem:$0x3FB8];
	_ =	sdelay $0x3  }
0x33: {  	p0 =	seq.s32 s10, $0x1;
	s10 =	sld [smem:$0x3FBA];
	_ =	sdelay $0x3  }
0x34: {  	[smem:$0x3FBA] =	sst s10  }
0x35: {  	s10 =	sld [smem:$0x3FB9];
	_ =	sdelay $0x3  }
0x36: {  	p1 =	seq.s32 s10, $0x1;
	s10 =	sld [smem:$0x3FBA];
	_ =	sdelay $0x3  }
0x37: {  	[smem:$0x3FBA] =	sst s10  }
0x38: {  	s10 =	sld [smem:$0x3FBB]  }
0x39: {  	_ = 	snop;
	(pc) =	sbr.ind lr, $3  }
0x3a: {  	_ = 	snop  }
0x3b: {  	_ = 	snop  }
0x3c: {  	p2 =	seq.s32 s10, $0x1;
	s10 =	sld [smem:$0x3FBA]  }
0x3d: {  	_ =	shalt  }
0x3e: {  	_ =	shalt  }
0x3f: {  	_ =	shalt  }
0x40: {  	_ =	shalt  }
0x41: {  	_ =	shalt  }
0x42: {  	_ =	shalt  }
0x43: {  	_ =	shalt  }
0x44: {  	_ =	shalt  }
0x45: {  	_ =	shalt  }
0x46: {  	_ =	shalt  }
0x47: {  	_ =	shalt  }
0x48: {  	_ =	shalt  }
0x49: {  	_ =	shalt  }
0x4a: {  	_ =	shalt  }
0x4b: {  	_ =	shalt  }
0x4c: {  	_ =	shalt  }
0x4d: {  	_ =	shalt  }
0x4e: {  	_ =	shalt  }
0x4f: {  	_ =	shalt  }
0x50: {  	_ =	shalt  }
0x51: {  	_ =	shalt  }
0x52: {  	_ =	shalt  }
0x53: {  	_ =	shalt  }
0x54: {  	_ =	shalt  }
0x55: {  	_ =	shalt  }
0x56: {  	_ =	shalt  }
0x57: {  	_ =	shalt  }
0x58: {  	_ =	shalt  }
0x59: {  	_ =	shalt  }
0x5a: {  	_ =	shalt  }
0x5b: {  	_ =	shalt  }
0x5c: {  	_ =	shalt  }
0x5d: {  	_ =	shalt  }
0x5e: {  	_ =	shalt  }
0x5f: {  	_ =	shalt  }
0x60: {  	_ =	shalt  }
0x61: {  	_ =	shalt  }
0x62: {  	_ =	shalt  }
0x63: {  	_ =	shalt  }
0x64: {  	_ =	shalt  }
0x65: {  	_ =	shalt  }
0x66: {  	_ =	shalt  }
0x67: {  	_ =	shalt  }
0x68: {  	_ =	shalt  }
0x69: {  	_ =	shalt  }
0x6a: {  	_ =	shalt  }
0x6b: {  	_ =	shalt  }
0x6c: {  	_ =	shalt  }
0x6d: {  	_ =	shalt  }
0x6e: {  	_ =	shalt  }
0x6f: {  	_ =	shalt  }
0x70: {  	_ =	shalt  }
0x71: {  	_ =	shalt  }
0x72: {  	_ =	shalt  }
0x73: {  	_ =	shalt  }
0x74: {  	_ =	shalt  }
0x75: {  	_ =	shalt  }
0x76: {  	_ =	shalt  }
0x77: {  	_ =	shalt  }
0x78: {  	_ =	shalt  }
0x79: {  	_ =	shalt  }
0x7a: {  	_ =	shalt  }
0x7b: {  	_ =	shalt  }
0x7c: {  	_ =	shalt  }
0x7d: {  	_ =	shalt  }
0x7e: {  	_ =	shalt  }
0x7f: {  	_ =	shalt  }
0x80: {  	_ =	shalt  }
0x81: {  	_ =	shalt  }
0x82: {  	_ =	shalt  }
0x83: {  	_ =	shalt  }
0x84: {  	_ =	shalt  }
0x85: {  	_ =	shalt  }
0x86: {  	_ =	shalt  }
0x87: {  	_ =	shalt  }
.Lfunc_end0:
.L_simem_size_0:
called_computation_lowered:
.L_overlay_start_0:
0x88: {  	s2 =	sld [smem:$0x3FD9]  }
0x89: {  	s3 =	sld [smem:$0x3FFE];
	_ =	sdelay $0x1  }
0x8a: {  	s1 =	srdreg.scid  }
0x8b: {  	s0 =	sand.u32 $0x1, s1  }
0x8c: {  	s17 =	sshll.u32 s0, $0xA;
	s2 =	sadd.s32 s3, s2  }
0x8d: {  	s2 =	sadd.s32 s2, s17  }
0x8e: {  	[smem:$0x3FC6] =	sst s2  }
0x8f: {  	_ = 	snop  }
0x90: {  	s2 =	sld [smem:$0x3FC9]  }
0x91: {  	s18 =	sld [smem:$0x3FD0];
	(tm) =	ssettm $0x1  }
0x92: {  	s4 =	sld [smem:$0x3FFB];
	_ =	sdelay $0x3  }
0x93: {  	_ =	strace s4  }
0x94: {  	s4 =	sld [smem:$0x3FFC];
	_ =	sdelay $0x3  }
0x95: {  	_ =	strace s4  }
0x96: {  	s4 =	sld [smem:$0x3FFD];
	_ =	sdelay $0x3  }
0x97: {  	_ =	strace s4  }
0x98: {  	_ =	strace $0x8FFFFFFF  }
0x99: {  	s19 =	sld [smem:$0x3FDB];
	_ =	sdelay $0x1  }
0x9a: {  	s5 =	simm.s32 $_scs_section_size  }
0x9b: {  	s6 =	simm.s32 $_size__tile_overlayer_lowered;
	s7 =	simm.s32 $_tile_overlayer_lowered  }
0x9c: {  	s22 =	simm.s32 $0x1BFF;
	s21 =	sshll.u32 s7, $0x1;
	s4 =	sadd.s32 s5, s19  }
0x9d: {  	s8 =	simm.s32 $0x0;
	s20 =	sshll.u32 s6, $0x1;
	s6 =	sadd.s32 s21, s4  }
0x9e: {  	[timem:s8], [sflag:s22] =	dma.local [hbm:s6], s20  }
0x9f: {  	_ =	swait.ge [sflag:s22], s20  }
0xa0: {  	s5 =	ssub.s32 $0x0, s20;
	[sflag:s22] =	ssyncset.done $0x0  }
0xa1: {  	[sflag:s22] =	ssyncadd.s32 s5;
	_ =	sdelay $0x1  }
0xa2: {  	s23 =	simm.s32 $0x1B8B  }
0xa3: {  	_ =	swait.ge [sflag:s23], $0x1  }
0xa4: {  	[sflag:s23] =	ssyncset.done $0x0  }
0xa5: {  	s25 =	simm.s32 $0x1B8E;
	s24 =	sld [smem:$0x3FFE];
	[sflag:s23] =	ssyncadd.s32 $0xFFFFFFFF  }
0xa6: {  	s26 =	simm.s32 $execute0_lowered;
	[smem:$0x3FD2] =	sst s25  }
0xa7: {  	s6 =	sshll.u32 s26, $0x1;
	_ =	strace $0x80000046;
	[dreg:$0x1] =	wrdreg $0xFFFFFFFF  }
0xa8: {  	s28 =	simm.s32 $_size_execute0_lowered;
	s4 =	sadd.s32 s4, s6;
	[dreg:$0x0] =	wrdreg $0x0  }
0xa9: {  	s6 =	sshll.u32 s28, $0x1;
	[dreg:$0x2] =	wrdreg s4  }
0xaa: {  	[dreg:$0x3] =	wrdreg s6  }
0xab: {  	[dreg:$0x4] =	wrdreg $0xC0  }
0xac: {  	_ =	task [dreg:s8], $0x5FFFF  }
0xad: {  	[dreg:$0x1] =	wrdreg $0xFFFFFFFF  }
0xae: {  	[dreg:$0x0] =	wrdreg $0x60  }
0xaf: {  	[dreg:$0x2] =	wrdreg s2  }
0xb0: {  	[dreg:$0x3] =	wrdreg s24  }
0xb1: {  	[dreg:$0x4] =	wrdreg s18  }
0xb2: {  	[dreg:$0x5] =	wrdreg $0x9  }
0xb3: {  	_ =	task.clear_ibuf [dreg:s8], $0x6FFFF;
	_ =	strace $0x90000046  }
0xb4: {  	s29 =	simm.s32 $0x9;
	_ =	strace $0x80000048  }
0xb5: {  	_ =	swait.ge [sflag:s29], $0x1  }
0xb6: {  	[sflag:s29] =	ssyncadd.s32 $0xFFFFFFFF  }
0xb7: {  	_ =	strace $0x90000048  }
0xb8: {  	_ =	sfence  }
0xb9: {  	s30 =	sld [smem:$0x0];
	_ =	sdelay $0x2  }
0xba: {  	s31 =	sshll.u32 s1, $0xD;
	s1 =	sshrl.u32 s1, $0x2  }
0xbb: {  	s3 =	sand.u32 $0x4000, s31;
	s1 =	sadd.s32 s1, s30  }
0xbc: {  	s0 =	sor.u32 s3, s0;
	s1 =	sshll.u32 s1, $0x11  }
0xbd: {  	s0 =	sor.u32 s1, s0  }
0xbe: {  	s0 =	sadd.s32 $0x8F2B, s0  }
0xbf: {  	[sflag:s0] =	ssyncadd.remote.s32 $0x1  }
0xc0: {  	_ =	sfence.sel $0xFFFF  }
0xc1: {  	[dreg:$0x0] =	wrdreg $0xFFFFFFFF;
	(pc) =	sbr.abs _section_cstart, $3  }
0xc2: {  	[dreg:$0x1] =	wrdreg $0xFFFFFFFF  }
0xc3: {  	_ =	task.clear_ibuf [dreg:s8], $0x2FFFF;
	_ =	strace $0x9FFFFFFF  }
0xc4: {  	(tm) =	ssettm $0x7FFFFFFF  }
0xc5: {  	_ =	shalt  }
tec
execute0_lowered:
.L_overlay_start_1:
0x0: {  	(tag) =	ssettag $0x1  }
0x1: {  	v0 =	vimm.s32 $0xFEDCBA9;
	v1 =	vimm.s32 $0x87654321  }
0x2: {  	vm14 =	vcmask $0x300;
	v2 =	vimm.s32 $0xF;
	vm13 =	vcmask $0x704  }
0x3: {  	vm12 =	vcmask $0xB08;
	vm11 =	vcmask $0xF0C;
	vm10 =	vcmask $0x1310  }
0x4: {  	vm9 =	vcmask $0x1714;
	vm8 =	vcmask $0x1B18;
	vm7 =	vcmask $0x1F1C  }
0x5: {  	vm5 =	vcmask $0x2320;
	v10 =	vimm.s32 $0x8F;
	vm6 =	vcmask $0x2724  }
0x6: {  	vm4 =	vcmask $0x2B28;
	vm2 =	vcmask $0x2F2C;
	vm3 =	vcmask $0x3330  }
0x7: {  	vm1 =	vcmask $0x3734;
	vm0 =	vcmask $0x3B38;
	v11 =	vimm.s32 $0x10FEDCBA  }
0x8: {  	v4 =	vimm.s32 $0x98765432;
	v5 =	vimm.s32 $0x10F;
	v14 =	vimm.s32 $0x210FEDCB  }
0x9: {  	v32 =	vimm.s32 $0xA9876543;
	v37 =	vimm.s32 $0x18F;
	v38 =	vimm.s32 $0x3210FEDC  }
0xa: {  	v39 =	vimm.s32 $0xBA987654;
	v47 =	vimm.s32 $0x20F;
	v48 =	vimm.s32 $0x43210FED  }
0xb: {  	v49 =	vimm.s32 $0xCBA98765;
	v51 =	vimm.s32 $0x28F;
	v53 =	vimm.s32 $0x30F  }
0xc: {  	v56 =	vimm.s32 $0x543210FE;
	v57 =	vimm.s32 $0xDCBA9876;
	v15 =	vimm.s32 $0xEDCBA987  }
0xd: {  	v19 =	vimm.s32 $0x128F;
	v20 =	vimm.s32 $0x130F;
	v21 =	vimm.s32 $0x138F  }
0xe: {  	v22 =	vimm.s32 $0x140F;
	v23 =	vimm.s32 $0x148F;
	v24 =	vimm.s32 $0x150F  }
0xf: {  	v25 =	vimm.s32 $0x158F;
	v26 =	vimm.s32 $0x160F;
	v27 =	vimm.s32 $0x168F  }
0x10: {  	v28 =	vimm.s32 $0x170F;
	v29 =	vimm.s32 $0x180F;
	v30 =	vimm.s32 $0x188F  }
0x11: {  	v31 =	vimm.s32 $0x190F;
	v0 =	vunpack.c.l.s4.s8 v0;
	v1 =	vunpack.c.l.s4.s8 v1  }
0x12: {  	v2 =	vsel vm14, $0x80, v2;
	v4 =	vunpack.c.l.s4.s8 v4;
	v13 =	vsel vm14, $0x180, v5  }
0x13: {  	v5 =	vunpack.c.l.s4.s8 v32;
	v55 =	vsel vm14, $0x380, v53;
	v15 =	vunpack.c.l.s4.s8 v15  }
0x14: {  	v19 =	vsel vm14, $0x1300, v19;
	v20 =	vsel vm14, $0x1380, v20;
	v21 =	vsel vm14, $0x1400, v21  }
0x15: {  	v22 =	vsel vm14, $0x1480, v22;
	v23 =	vsel vm14, $0x1500, v23;
	v24 =	vsel vm14, $0x1580, v24  }
0x16: {  	v25 =	vsel vm14, $0x1600, v25;
	v26 =	vsel vm14, $0x1680, v26;
	v27 =	vsel vm14, $0x1700, v27  }
0x17: {  	v28 =	vsel vm14, $0x1780, v28;
	v29 =	vsel vm14, $0x1880, v29;
	v30 =	vsel vm14, $0x1900, v30  }
0x18: {  	v31 =	vsel vm14, $0x1980, v31;
	v2 =	vsel vm13, $0x101, v2;
	v19 =	vsel vm13, $0x1381, v19  }
0x19: {  	v0 =	vunpack.c.0.s8.s32 v0;
	v1 =	vunpack.c.0.s8.s32 v1;
	v2 =	vsel vm12, $0x182, v2  }
0x1a: {  	v20 =	vsel vm13, $0x1401, v20;
	v21 =	vsel vm13, $0x1481, v21;
	v2 =	vsel vm11, $0x203, v2  }
0x1b: {  	v22 =	vsel vm13, $0x1501, v22;
	v3 =	vcombine.low v1, v0;
	v2 =	vsel vm10, $0x284, v2  }
0x1c: {  	v23 =	vsel vm13, $0x1581, v23;
	v24 =	vsel vm13, $0x1601, v24;
	v2 =	vsel vm9, $0x305, v2  }
0x1d: {  	v25 =	vsel vm13, $0x1681, v25;
	v3 =	vand.u32 $0xF, v3;
	v2 =	vsel vm8, $0x386, v2  }
0x1e: {  	v26 =	vsel vm13, $0x1701, v26;
	[tilespmem:$0x1F830] =	vst v3;
	v2 =	vsel vm7, $0x407, v2;
	v3 =	vsel vm14, $0x100, v10  }
0x1f: {  	v27 =	vsel vm13, $0x1781, v27;
	v2 =	vsel vm5, $0x488, v2;
	v3 =	vsel vm13, $0x181, v3  }
0x20: {  	v28 =	vsel vm13, $0x1001, v28;
	v2 =	vsel vm6, $0x509, v2;
	v3 =	vsel vm12, $0x202, v3  }
0x21: {  	v29 =	vsel vm13, $0x1901, v29;
	v2 =	vsel vm4, $0x58A, v2;
	v3 =	vsel vm11, $0x283, v3  }
0x22: {  	v30 =	vsel vm13, $0x1981, v30;
	v2 =	vsel vm2, $0x60B, v2;
	v3 =	vsel vm10, $0x304, v3  }
0x23: {  	v31 =	vsel vm13, $0x1A01, v31;
	v2 =	vsel vm3, $0x68C, v2;
	v3 =	vsel vm9, $0x385, v3  }
0x24: {  	v7 =	vunpack.c.0.s8.s32 v4;
	v2 =	vsel vm1, $0x70D, v2;
	v3 =	vsel vm8, $0x406, v3  }
0x25: {  	v4 =	vunpack.c.l.s4.s8 v14;
	v2 =	vsel vm0, $0x78E, v2;
	v3 =	vsel vm7, $0x487, v3  }
0x26: {  	v14 =	vimm.s32 $0x6543210F;
	[tilespmem:$0x1F840] =	vst v2;
	v2 =	vunpack.c.l.s4.s8 v11;
	v3 =	vsel vm5, $0x508, v3  }
0x27: {  	v0 =	vcombine.low v0, v1;
	v12 =	vsel vm6, $0x589, v3;
	v3 =	vsel vm13, $0x201, v13  }
0x28: {  	v14 =	vunpack.c.l.s4.s8 v14;
	v6 =	vunpack.c.0.s8.s32 v2;
	v3 =	vsel vm12, $0x282, v3  }
0x29: {  	v0 =	vand.u32 $0xF, v0;
	v2 =	vsel vm4, $0x60A, v12;
	v3 =	vsel vm11, $0x303, v3  }
0x2a: {  	v9 =	vsel vm2, $0x68B, v2;
	v2 =	vunpack.c.0.s8.s32 v4;
	v8 =	vcombine.low v7, v6  }
0x2b: {  	v10 =	vsel vm10, $0x384, v3;
	v3 =	vunpack.c.0.s8.s32 v5;
	v35 =	vsel vm3, $0x70C, v9  }
0x2c: {  	v9 =	vunpack.c.l.s4.s8 v39;
	v6 =	vcombine.low v6, v7;
	v33 =	vsel vm9, $0x405, v10  }
0x2d: {  	v5 =	vsel vm1, $0x78D, v35;
	v34 =	vand.u32 $0xF, v8;
	v4 =	vsel vm8, $0x486, v33  }
0x2e: {  	v36 =	vcombine.low v3, v2;
	v5 =	vsel vm0, $0xE, v5;
	v43 =	vunpack.c.0.s8.s32 v9  }
0x2f: {  	v9 =	vsel vm14, $0x280, v47;
	v33 =	vimm.s32 $0x50F;
	v2 =	vcombine.low v2, v3  }
0x30: {  	v4 =	vsel vm7, $0x507, v4;
	[tilespmem:$0x1F860] =	vst v5;
	v5 =	vsel vm14, $0x200, v37;
	v9 =	vsel vm13, $0x301, v9  }
0x31: {  	v35 =	vsel vm14, $0x580, v33;
	v4 =	vsel vm5, $0x588, v4;
	v8 =	vand.u32 $0xF, v36  }
0x32: {  	v5 =	vsel vm13, $0x281, v5;
	v9 =	vsel vm12, $0x382, v9;
	v36 =	vimm.s32 $0x58F  }
0x33: {  	v2 =	vand.u32 $0xF, v2;
	[tilespmem:$0x1FB00] =	vst v8;
	v4 =	vsel vm6, $0x609, v4;
	v8 =	vunpack.c.l.s4.s8 v38  }
0x34: {  	v5 =	vsel vm12, $0x302, v5;
	v9 =	vsel vm11, $0x403, v9;
	v4 =	vsel vm4, $0x68A, v4  }
0x35: {  	v5 =	vsel vm11, $0x383, v5;
	v9 =	vsel vm10, $0x484, v9;
	v4 =	vsel vm2, $0x70B, v4  }
0x36: {  	v41 =	vunpack.c.0.s8.s32 v8;
	v42 =	vsel vm10, $0x404, v5;
	v9 =	vsel vm9, $0x505, v9  }
0x37: {  	v40 =	vsel vm3, $0x78C, v4;
	v8 =	vsel vm9, $0x485, v42;
	v9 =	vsel vm8, $0x586, v9  }
0x38: {  	v10 =	vsel vm1, $0xD, v40;
	v8 =	vsel vm8, $0x506, v8;
	v11 =	vcombine.low v43, v41  }
0x39: {  	v50 =	vsel vm7, $0x607, v9;
	v40 =	vimm.s32 $0x60F;
	v41 =	vcombine.low v41, v43  }
0x3a: {  	v8 =	vsel vm7, $0x587, v8;
	v47 =	vsel vm0, $0x8E, v10;
	v10 =	vunpack.c.l.s4.s8 v48  }
0x3b: {  	[tilespmem:$0x1F8D0] =	vst v2;
	v2 =	vsel vm14, $0x680, v40;
	v40 =	vimm.s32 $0xB0F;
	v8 =	vsel vm5, $0x608, v8  }
0x3c: {  	v60 =	vand.u32 $0xF, v11;
	v11 =	vunpack.c.l.s4.s8 v49;
	v2 =	vsel vm13, $0x701, v2  }
0x3d: {  	v44 =	vand.u32 $0xF, v41;
	v49 =	vimm.s32 $0x68F;
	v5 =	vsel vm14, $0xB80, v40  }
0x3e: {  	v41 =	vimm.s32 $0xB8F;
	v40 =	vimm.s32 $0x1D8F;
	v8 =	vsel vm6, $0x689, v8  }
0x3f: {  	v2 =	vsel vm12, $0x782, v2;
	[tilespmem:$0x1F8F0] =	vst v44;
	v44 =	vimm.s32 $0xD0F;
	v40 =	vsel vm14, $0x1E00, v40  }
0x40: {  	v5 =	vsel vm13, $0xC01, v5;
	v8 =	vsel vm4, $0x70A, v8;
	v9 =	vunpack.c.0.s8.s32 v11  }
0x41: {  	v11 =	vsel vm14, $0x300, v51;
	v2 =	vsel vm11, $0x3, v2;
	v40 =	vsel vm13, $0x1E81, v40  }
0x42: {  	v8 =	vsel vm2, $0x78B, v8;
	v11 =	vsel vm13, $0x381, v11;
	v43 =	vsel vm10, $0x84, v2  }
0x43: {  	v12 =	vsel vm3, $0xC, v8;
	v8 =	vunpack.c.0.s8.s32 v10;
	v10 =	vsel vm5, $0x688, v50  }
0x44: {  	v11 =	vsel vm12, $0x402, v11;
	v50 =	vand.u32 $0xF, v6;
	v6 =	vsel vm14, $0x600, v36  }
0x45: {  	v36 =	vimm.s32 $0x11101F1E;
	v12 =	vsel vm1, $0x8D, v12;
	v10 =	vsel vm6, $0x709, v10  }
0x46: {  	v11 =	vsel vm11, $0x483, v11;
	v6 =	vsel vm13, $0x681, v6;
	v13 =	vcombine.low v9, v8  }
0x47: {  	v10 =	vsel vm4, $0x78A, v10;
	v12 =	vsel vm0, $0x10E, v12;
	v11 =	vsel vm10, $0x504, v11  }
0x48: {  	v6 =	vsel vm12, $0x702, v6;
	v46 =	vcombine.low v8, v9;
	v9 =	vimm.s32 $0x1C1B1A19  }
0x49: {  	v10 =	vsel vm2, $0xB, v10;
	v54 =	vsel vm9, $0x585, v11;
	v11 =	vsel vm13, $0x401, v55  }
0x4a: {  	[tilespmem:$0x1F870] =	vst v12;
	v12 =	vunpack.c.l.s4.s8 v56;
	v6 =	vsel vm11, $0x783, v6;
	v55 =	vimm.s32 $0x70F  }
0x4b: {  	v52 =	vand.u32 $0xF, v13;
	v10 =	vsel vm3, $0x8C, v10;
	v11 =	vsel vm12, $0x482, v11  }
0x4c: {  	v13 =	vunpack.c.l.s4.s8 v57;
	v37 =	vsel vm10, $0x4, v6;
	v2 =	vand.u32 $0xF, v46  }
0x4d: {  	v46 =	vimm.s32 $0xD8F;
	v10 =	vsel vm1, $0x10D, v10;
	v11 =	vsel vm11, $0x503, v11  }
0x4e: {  	v12 =	vunpack.c.0.s8.s32 v12;
	v39 =	vsel vm9, $0x85, v37;
	[tilespmem:$0x1F910] =	vst v2;
	v2 =	vsel vm14, $0x780, v55  }
0x4f: {  	v37 =	vimm.s32 $0x98F;
	v10 =	vsel vm0, $0x18E, v10;
	v11 =	vsel vm10, $0x584, v11  }
0x50: {  	v13 =	vunpack.c.0.s8.s32 v13;
	v2 =	vsel vm13, $0x1, v2;
	[tilespmem:$0x1F890] =	vst v10;
	v10 =	vsel vm8, $0x606, v54  }
0x51: {  	v11 =	vsel vm9, $0x605, v11;
	v54 =	vsel vm14, $0x700, v49;
	v2 =	vsel vm12, $0x82, v2  }
0x52: {  	v49 =	vimm.s32 $0xE0F;
	v10 =	vsel vm7, $0x687, v10;
	v11 =	vsel vm8, $0x686, v11  }
0x53: {  	v16 =	vcombine.low v13, v12;
	v2 =	vsel vm11, $0x103, v2;
	v56 =	vcombine.low v12, v13  }
0x54: {  	v12 =	vimm.s32 $0x88F;
	v13 =	vimm.s32 $0x14131211;
	v10 =	vsel vm5, $0x708, v10  }
0x55: {  	v11 =	vsel vm7, $0x707, v11;
	v2 =	vsel vm10, $0x184, v2;
	v10 =	vsel vm6, $0x789, v10  }
0x56: {  	v11 =	vsel vm5, $0x788, v11;
	v51 =	vand.u32 $0xF, v16;
	v10 =	vsel vm4, $0xA, v10  }
0x57: {  	v18 =	vsel vm6, $0x9, v11;
	v11 =	vunpack.c.0.s8.s32 v15;
	v10 =	vsel vm2, $0x8B, v10  }
0x58: {  	v58 =	vsel vm4, $0x8A, v18;
	v18 =	vimm.s32 $0x120F;
	v17 =	vsel vm3, $0x10C, v10  }
0x59: {  	v10 =	vunpack.c.0.s8.s32 v14;
	v14 =	vsel vm2, $0x10B, v58;
	v18 =	vsel vm14, $0x1280, v18  }
0x5a: {  	v15 =	vsel vm1, $0x18D, v17;
	v14 =	vsel vm3, $0x18C, v14;
	v17 =	vimm.s32 $0x38F  }
0x5b: {  	v18 =	vsel vm13, $0x1301, v18;
	v16 =	vcombine.low v11, v10;
	v48 =	vsel vm0, $0x20E, v15  }
0x5c: {  	v14 =	vsel vm1, $0x20D, v14;
	v15 =	vsel vm14, $0x400, v17;
	v17 =	vimm.s32 $0xFEDCBA98  }
0x5d: {  	v57 =	vsel vm0, $0x28E, v14;
	v59 =	vsel vm13, $0x481, v15;
	v15 =	vimm.s32 $0x76543210  }
0x5e: {  	v17 =	vunpack.c.l.s4.s8 v17;
	v53 =	vand.u32 $0xF, v16;
	v14 =	vsel vm12, $0x502, v59  }
0x5f: {  	v16 =	vimm.s32 $0x40F;
	v15 =	vunpack.c.l.s4.s8 v15;
	v59 =	vsel vm9, $0x205, v2  }
0x60: {  	v14 =	vsel vm11, $0x583, v14;
	v16 =	vsel vm14, $0x480, v16;
	v17 =	vunpack.c.0.s8.s32 v17  }
0x61: {  	v14 =	vsel vm10, $0x604, v14;
	v16 =	vsel vm13, $0x501, v16;
	v15 =	vunpack.c.0.s8.s32 v15  }
0x62: {  	v14 =	vsel vm9, $0x685, v14;
	v16 =	vsel vm12, $0x582, v16;
	v17 =	vand.u32 $0xF, v17  }
0x63: {  	v14 =	vsel vm8, $0x706, v14;
	v16 =	vsel vm11, $0x603, v16;
	v15 =	vcombine.low v17, v15  }
0x64: {  	v17 =	vimm.s32 $0x118F;
	v14 =	vsel vm7, $0x787, v14;
	v16 =	vsel vm10, $0x684, v16  }
0x65: {  	v17 =	vsel vm14, $0x1200, v17;
	v14 =	vsel vm5, $0x8, v14;
	v16 =	vsel vm9, $0x705, v16  }
0x66: {  	[tilespmem:$0x1F8A0] =	vst v15;
	v17 =	vsel vm13, $0x1281, v17;
	v14 =	vsel vm6, $0x89, v14;
	v15 =	vsel vm8, $0x786, v16  }
0x67: {  	v16 =	vimm.s32 $0x48F;
	v14 =	vsel vm4, $0x10A, v14;
	v15 =	vsel vm7, $0x7, v15  }
0x68: {  	v16 =	vsel vm14, $0x500, v16;
	v14 =	vsel vm2, $0x18B, v14;
	v15 =	vsel vm5, $0x88, v15  }
0x69: {  	v16 =	vsel vm13, $0x581, v16;
	v14 =	vsel vm3, $0x20C, v14;
	v15 =	vsel vm6, $0x109, v15  }
0x6a: {  	v16 =	vsel vm12, $0x602, v16;
	v14 =	vsel vm1, $0x28D, v14;
	v15 =	vsel vm4, $0x18A, v15  }
0x6b: {  	v61 =	vsel vm2, $0x20B, v15;
	v15 =	vsel vm11, $0x683, v16;
	v14 =	vsel vm0, $0x30E, v14  }
0x6c: {  	v16 =	vimm.s32 $0x110F;
	v1 =	vsel vm3, $0x28C, v61;
	v62 =	vsel vm10, $0x704, v15  }
0x6d: {  	[tilespmem:$0x1F8B0] =	vst v14;
	v61 =	vand.u32 $0xF, v56;
	v56 =	vunpack.c.0.s8.s32 v9;
	v14 =	vimm.s32 $0x18171615  }
0x6e: {  	v9 =	vsel vm14, $0xD80, v44;
	v15 =	vimm.s32 $0x108F;
	v16 =	vsel vm14, $0x1180, v16  }
0x6f: {  	v44 =	vimm.s32 $0x15141312;
	v63 =	vsel vm1, $0x30D, v1;
	v32 =	vsel vm9, $0x785, v62  }
0x70: {  	[tilespmem:$0x1F930] =	vst v61;
	v62 =	vimm.s32 $0x80F;
	v55 =	vunpack.c.0.s8.s32 v14;
	v61 =	vimm.s32 $0x100F  }
0x71: {  	v15 =	vsel vm14, $0x1100, v15;
	v9 =	vsel vm13, $0xE01, v9;
	v16 =	vsel vm13, $0x1201, v16  }
0x72: {  	v1 =	vsel vm8, $0x6, v32;
	v45 =	vsel vm0, $0x38E, v63;
	v2 =	vsel vm14, $0x880, v62  }
0x73: {  	v63 =	vcombine.low v10, v11;
	v10 =	vimm.s32 $0x101F1E1D;
	v32 =	vimm.s32 $0x90F  }
0x74: {  	v14 =	vsel vm14, $0x1080, v61;
	v15 =	vsel vm13, $0x1181, v15;
	v62 =	vimm.s32 $0x19181716  }
0x75: {  	[tilespmem:$0x1F850] =	vst v34;
	v34 =	vsel vm7, $0x87, v1;
	v1 =	vsel vm13, $0x601, v35;
	v2 =	vsel vm13, $0x901, v2  }
0x76: {  	[tilespmem:$0x1FB10] =	vst v0;
	v35 =	vimm.s32 $0x1D1C1B1A;
	v14 =	vsel vm13, $0x1101, v14;
	v0 =	vsel vm5, $0x108, v34  }
0x77: {  	v1 =	vsel vm12, $0x682, v1;
	v2 =	vsel vm12, $0x982, v2;
	v8 =	vand.u32 $0xF, v63  }
0x78: {  	v34 =	vsel vm14, $0x980, v32;
	v32 =	vimm.s32 $0x198F;
	v0 =	vsel vm6, $0x189, v0  }
0x79: {  	v1 =	vsel vm11, $0x703, v1;
	v2 =	vsel vm11, $0xA03, v2;
	v32 =	vsel vm14, $0x1A00, v32  }
0x7a: {  	v0 =	vsel vm4, $0x20A, v0;
	v1 =	vsel vm10, $0x784, v1;
	v7 =	vsel vm10, $0xA84, v2  }
0x7b: {  	v2 =	vunpack.c.0.s8.s32 v35;
	v35 =	vimm.s32 $0x1B0F;
	v32 =	vsel vm13, $0x1A81, v32  }
0x7c: {  	v0 =	vsel vm2, $0x28B, v0;
	v1 =	vsel vm9, $0x5, v1;
	v35 =	vsel vm14, $0x1B80, v35  }
0x7d: {  	v0 =	vsel vm3, $0x30C, v0;
	v1 =	vsel vm8, $0x86, v1;
	[tilespmem:$0x1FD20] =	vst v2;
	v2 =	vunpack.c.0.s8.s32 v36  }
0x7e: {  	v36 =	vimm.s32 $0x1B8F;
	v35 =	vsel vm13, $0x1C01, v35;
	v0 =	vsel vm1, $0x38D, v0  }
0x7f: {  	v1 =	vsel vm7, $0x107, v1;
	v36 =	vsel vm14, $0x1C00, v36;
	v0 =	vsel vm0, $0x40E, v0  }
0x80: {  	v38 =	vsel vm5, $0x188, v1;
	v1 =	vsel vm8, $0x106, v39;
	[tilespmem:$0x1FD30] =	vst v2;
	v2 =	vsel vm14, $0xA00, v37  }
0x81: {  	v39 =	vimm.s32 $0xA8F;
	v37 =	vimm.s32 $0x1C0F;
	v36 =	vsel vm13, $0x1C81, v36  }
0x82: {  	[tilespmem:$0x1F8C0] =	vst v0;
	v0 =	vsel vm6, $0x209, v38;
	v1 =	vsel vm7, $0x187, v1;
	v38 =	vimm.s32 $0xA0F  }
0x83: {  	v4 =	vsel vm14, $0xB00, v39;
	v37 =	vsel vm14, $0x1C80, v37;
	v39 =	vimm.s32 $0x1D0F  }
0x84: {  	v2 =	vsel vm13, $0xA81, v2;
	v0 =	vsel vm4, $0x28A, v0;
	v1 =	vsel vm5, $0x208, v1  }
0x85: {  	v3 =	vsel vm14, $0xA80, v38;
	v38 =	vimm.s32 $0x1C8F;
	v39 =	vsel vm14, $0x1D80, v39  }
0x86: {  	v4 =	vsel vm13, $0xB81, v4;
	v37 =	vsel vm13, $0x1D01, v37;
	v0 =	vsel vm2, $0x30B, v0  }
0x87: {  	v1 =	vsel vm6, $0x289, v1;
	v38 =	vsel vm14, $0x1D00, v38;
	v3 =	vsel vm13, $0xB01, v3  }
0x88: {  	v39 =	vsel vm13, $0x1E01, v39;
	v0 =	vsel vm3, $0x38C, v0;
	v1 =	vsel vm4, $0x30A, v1  }
0x89: {  	v38 =	vsel vm13, $0x1D81, v38;
	v0 =	vsel vm1, $0x40D, v0;
	v1 =	vsel vm2, $0x38B, v1  }
0x8a: {  	v63 =	vsel vm12, $0x1E82, v39;
	v0 =	vsel vm0, $0x48E, v0;
	v42 =	vsel vm3, $0x40C, v1  }
0x8b: {  	v1 =	vsel vm9, $0x105, v43;
	v43 =	vimm.s32 $0xC8F;
	[tilespmem:$0x1F8E0] =	vst v0;
	v0 =	vsel vm1, $0x48D, v42  }
0x8c: {  	[tilespmem:$0x1F950] =	vst v8;
	v1 =	vsel vm8, $0x186, v1;
	v42 =	vimm.s32 $0xC0F;
	v8 =	vsel vm14, $0xD00, v43  }
0x8d: {  	[tilespmem:$0x1F880] =	vst v52;
	v0 =	vsel vm0, $0x50E, v0;
	v52 =	vsel vm7, $0x207, v1;
	v1 =	vsel vm13, $0x781, v54  }
0x8e: {  	v43 =	vimm.s32 $0x1F0F;
	[tilespmem:$0x1F900] =	vst v0;
	v0 =	vsel vm5, $0x288, v52;
	v1 =	vsel vm12, $0x2, v1  }
0x8f: {  	v54 =	vimm.s32 $0xE8F;
	v0 =	vsel vm6, $0x309, v0;
	v1 =	vsel vm11, $0x83, v1  }
0x90: {  	v43 =	vsel vm14, $0x1F80, v43;
	v0 =	vsel vm4, $0x38A, v0;
	v1 =	vsel vm10, $0x104, v1  }
0x91: {  	v8 =	vsel vm13, $0xD81, v8;
	v0 =	vsel vm2, $0x40B, v0;
	v1 =	vsel vm9, $0x185, v1  }
0x92: {  	v52 =	vunpack.c.0.s8.s32 v13;
	v0 =	vsel vm3, $0x48C, v0;
	v1 =	vsel vm8, $0x206, v1  }
0x93: {  	v43 =	vsel vm13, $0x1801, v43;
	v0 =	vsel vm1, $0x50D, v0;
	v1 =	vsel vm7, $0x287, v1  }
0x94: {  	v61 =	vsel vm12, $0x1882, v43;
	v0 =	vsel vm0, $0x58E, v0;
	v58 =	vsel vm5, $0x308, v1  }
0x95: {  	v1 =	vsel vm8, $0x286, v59;
	v59 =	vunpack.c.0.s8.s32 v10;
	v10 =	vsel vm14, $0xE00, v46  }
0x96: {  	v46 =	vsel vm12, $0x1F02, v40;
	[tilespmem:$0x1F920] =	vst v0;
	v0 =	vsel vm6, $0x389, v58;
	v1 =	vsel vm7, $0x307, v1  }
0x97: {  	v58 =	vimm.s32 $0xF0F;
	v10 =	vsel vm13, $0xE81, v10;
	v39 =	vsel vm11, $0x1F83, v46  }
0x98: {  	v46 =	vimm.s32 $0x16151413;
	v0 =	vsel vm4, $0x40A, v0;
	v1 =	vsel vm5, $0x388, v1  }
0x99: {  	v13 =	vsel vm14, $0xF80, v58;
	v58 =	vunpack.c.0.s8.s32 v44;
	v44 =	vunpack.c.0.s8.s32 v62  }
0x9a: {  	v62 =	vimm.s32 $0x1E1D1C1B;
	v39 =	vsel vm10, $0x1804, v39;
	v0 =	vsel vm2, $0x48B, v0  }
0x9b: {  	v1 =	vsel vm6, $0x409, v1;
	v13 =	vsel vm13, $0x801, v13;
	v43 =	vunpack.c.0.s8.s32 v62  }
0x9c: {  	v39 =	vsel vm9, $0x1885, v39;
	v0 =	vsel vm3, $0x50C, v0;
	v1 =	vsel vm4, $0x48A, v1  }
0x9d: {  	v39 =	vsel vm8, $0x1906, v39;
	v0 =	vsel vm1, $0x58D, v0;
	v1 =	vsel vm2, $0x50B, v1  }
0x9e: {  	v0 =	vsel vm0, $0x60E, v0;
	v6 =	vsel vm3, $0x58C, v1;
	v1 =	vsel vm9, $0xB05, v7  }
0x9f: {  	v7 =	vsel vm14, $0xC80, v42;
	v42 =	vimm.s32 $0x1E8F;
	[tilespmem:$0x1F940] =	vst v0;
	v0 =	vsel vm1, $0x60D, v6  }
0xa0: {  	v1 =	vsel vm8, $0xB86, v1;
	v6 =	vsel vm14, $0xC00, v41;
	v41 =	vimm.s32 $0x1E0F  }
0xa1: {  	v42 =	vsel vm14, $0x1F00, v42;
	v7 =	vsel vm13, $0xD01, v7;
	v0 =	vsel vm0, $0x68E, v0  }
0xa2: {  	v1 =	vsel vm7, $0xC07, v1;
	v41 =	vsel vm14, $0x1E80, v41;
	v6 =	vsel vm13, $0xC81, v6  }
0xa3: {  	v42 =	vsel vm13, $0x1F81, v42;
	v11 =	vsel vm5, $0xC88, v1;
	v1 =	vsel vm14, $0x900, v12  }
0xa4: {  	v12 =	vsel vm14, $0xF00, v54;
	v41 =	vsel vm13, $0x1F01, v41;
	v54 =	vsel vm12, $0x1802, v42  }
0xa5: {  	[tilespmem:$0x1F960] =	vst v0;
	v42 =	vsel vm11, $0x1903, v61;
	v0 =	vsel vm6, $0xD09, v11;
	v1 =	vsel vm13, $0x981, v1  }
0xa6: {  	v11 =	vsel vm14, $0xE80, v49;
	v12 =	vsel vm13, $0xF81, v12;
	v49 =	vsel vm12, $0x1F82, v41  }
0xa7: {  	v41 =	vsel vm11, $0x1883, v54;
	v42 =	vsel vm10, $0x1984, v42;
	v54 =	vimm.s32 $0x1F1E1D1C  }
0xa8: {  	v0 =	vsel vm4, $0xD8A, v0;
	v1 =	vsel vm12, $0xA02, v1;
	v11 =	vsel vm13, $0xF01, v11  }
0xa9: {  	v40 =	vsel vm11, $0x1803, v49;
	v41 =	vsel vm10, $0x1904, v41;
	v42 =	vsel vm9, $0x1A05, v42  }
0xaa: {  	v49 =	vimm.s32 $0x1A191817;
	v61 =	vunpack.c.0.s8.s32 v54;
	v0 =	vsel vm2, $0xE0B, v0  }
0xab: {  	v1 =	vsel vm11, $0xA83, v1;
	v40 =	vsel vm10, $0x1884, v40;
	v0 =	vsel vm3, $0xE8C, v0  }
0xac: {  	v41 =	vsel vm9, $0x1985, v41;
	v1 =	vsel vm10, $0xB04, v1;
	v0 =	vsel vm1, $0xF0D, v0  }
0xad: {  	v42 =	vsel vm8, $0x1A86, v42;
	v33 =	vsel vm9, $0xB85, v1;
	v0 =	vsel vm0, $0xF8E, v0  }
0xae: {  	v40 =	vsel vm9, $0x1905, v40;
	v41 =	vsel vm8, $0x1A06, v41;
	[tilespmem:$0x1F970] =	vst v0;
	v0 =	vsel vm8, $0xC06, v33  }
0xaf: {  	v54 =	vsel vm7, $0x1B07, v42;
	v1 =	vsel vm13, $0xA01, v34;
	v0 =	vsel vm7, $0xC87, v0  }
0xb0: {  	[tilespmem:$0x1F9E0] =	vst v61;
	v61 =	vimm.s32 $0x13121110;
	v1 =	vsel vm12, $0xA82, v1;
	v0 =	vsel vm5, $0xD08, v0  }
0xb1: {  	v34 =	vimm.s32 $0x1A8F;
	v1 =	vsel vm11, $0xB03, v1;
	v0 =	vsel vm6, $0xD89, v0  }
0xb2: {  	v40 =	vsel vm8, $0x1986, v40;
	v1 =	vsel vm10, $0xB84, v1;
	v0 =	vsel vm4, $0xE0A, v0  }
0xb3: {  	v42 =	vunpack.c.0.s8.s32 v61;
	v1 =	vsel vm9, $0xC05, v1;
	v0 =	vsel vm2, $0xE8B, v0  }
0xb4: {  	v34 =	vsel vm14, $0x1B00, v34;
	v1 =	vsel vm8, $0xC86, v1;
	v0 =	vsel vm3, $0xF0C, v0  }
0xb5: {  	v33 =	vimm.s32 $0x1A0F;
	v1 =	vsel vm7, $0xD07, v1;
	v0 =	vsel vm1, $0xF8D, v0  }
0xb6: {  	v33 =	vsel vm14, $0x1A80, v33;
	v1 =	vsel vm5, $0xD88, v1;
	v0 =	vsel vm0, $0x80E, v0  }
0xb7: {  	v34 =	vsel vm13, $0x1B81, v34;
	v33 =	vsel vm13, $0x1B01, v33;
	[tilespmem:$0x1F980] =	vst v0;
	v0 =	vsel vm6, $0xE09, v1  }
0xb8: {  	v1 =	vsel vm12, $0xB02, v2;
	v2 =	vsel vm12, $0xB82, v3;
	v3 =	vsel vm12, $0xC02, v4  }
0xb9: {  	v4 =	vsel vm12, $0xC82, v5;
	v5 =	vsel vm12, $0xD02, v6;
	v6 =	vsel vm12, $0xD82, v7  }
0xba: {  	v7 =	vsel vm12, $0xE02, v8;
	v8 =	vsel vm12, $0xE82, v9;
	v9 =	vsel vm12, $0xF02, v10  }
0xbb: {  	v10 =	vsel vm12, $0xF82, v11;
	v11 =	vsel vm12, $0x802, v12;
	v12 =	vsel vm12, $0x882, v13  }
0xbc: {  	v13 =	vsel vm12, $0x1182, v14;
	v14 =	vsel vm12, $0x1202, v15;
	v15 =	vsel vm12, $0x1282, v16  }
0xbd: {  	v16 =	vsel vm12, $0x1302, v17;
	v17 =	vsel vm12, $0x1382, v18;
	v18 =	vsel vm12, $0x1402, v19  }
0xbe: {  	v19 =	vsel vm12, $0x1482, v20;
	v20 =	vsel vm12, $0x1502, v21;
	v21 =	vsel vm12, $0x1582, v22  }
0xbf: {  	v22 =	vsel vm12, $0x1602, v23;
	v23 =	vsel vm12, $0x1682, v24;
	v24 =	vsel vm12, $0x1702, v25  }
0xc0: {  	v25 =	vsel vm12, $0x1782, v26;
	v26 =	vsel vm12, $0x1002, v27;
	v27 =	vsel vm12, $0x1082, v28  }
0xc1: {  	v28 =	vsel vm12, $0x1982, v29;
	v29 =	vsel vm12, $0x1A02, v30;
	v30 =	vsel vm12, $0x1A82, v31  }
0xc2: {  	v31 =	vsel vm12, $0x1B02, v32;
	v32 =	vsel vm12, $0x1B82, v33;
	v33 =	vsel vm12, $0x1C02, v34  }
0xc3: {  	v34 =	vsel vm12, $0x1C82, v35;
	v35 =	vsel vm12, $0x1D02, v36;
	v36 =	vsel vm12, $0x1D82, v37  }
0xc4: {  	v37 =	vsel vm12, $0x1E02, v38;
	v38 =	vsel vm11, $0x1F03, v63;
	v63 =	vimm.s32 $0x1211101F  }
0xc5: {  	v0 =	vsel vm4, $0xE8A, v0;
	v1 =	vsel vm11, $0xB83, v1;
	v2 =	vsel vm11, $0xC03, v2  }
0xc6: {  	v3 =	vsel vm11, $0xC83, v3;
	v4 =	vsel vm11, $0xD03, v4;
	v5 =	vsel vm11, $0xD83, v5  }
0xc7: {  	v6 =	vsel vm11, $0xE03, v6;
	v7 =	vsel vm11, $0xE83, v7;
	v8 =	vsel vm11, $0xF03, v8  }
0xc8: {  	v9 =	vsel vm11, $0xF83, v9;
	v10 =	vsel vm11, $0x803, v10;
	v11 =	vsel vm11, $0x883, v11  }
0xc9: {  	v12 =	vsel vm11, $0x903, v12;
	v13 =	vsel vm11, $0x1203, v13;
	v14 =	vsel vm11, $0x1283, v14  }
0xca: {  	v15 =	vsel vm11, $0x1303, v15;
	v16 =	vsel vm11, $0x1383, v16;
	v17 =	vsel vm11, $0x1403, v17  }
0xcb: {  	v18 =	vsel vm11, $0x1483, v18;
	v19 =	vsel vm11, $0x1503, v19;
	v20 =	vsel vm11, $0x1583, v20  }
0xcc: {  	v21 =	vsel vm11, $0x1603, v21;
	v22 =	vsel vm11, $0x1683, v22;
	v23 =	vsel vm11, $0x1703, v23  }
0xcd: {  	v24 =	vsel vm11, $0x1783, v24;
	v25 =	vsel vm11, $0x1003, v25;
	v26 =	vsel vm11, $0x1083, v26  }
0xce: {  	v27 =	vsel vm11, $0x1103, v27;
	v28 =	vsel vm11, $0x1A03, v28;
	v29 =	vsel vm11, $0x1A83, v29  }
0xcf: {  	v30 =	vsel vm11, $0x1B03, v30;
	v31 =	vsel vm11, $0x1B83, v31;
	v32 =	vsel vm11, $0x1C03, v32  }
0xd0: {  	v33 =	vsel vm11, $0x1C83, v33;
	v34 =	vsel vm11, $0x1D03, v34;
	v35 =	vsel vm11, $0x1D83, v35  }
0xd1: {  	[tilespmem:$0x1F990] =	vst v43;
	v36 =	vsel vm11, $0x1E03, v36;
	v37 =	vsel vm11, $0x1E83, v37;
	v43 =	vunpack.c.0.s8.s32 v63  }
0xd2: {  	v38 =	vsel vm10, $0x1F84, v38;
	v63 =	vsel vm7, $0x1987, v39;
	v0 =	vsel vm2, $0xF0B, v0  }
0xd3: {  	v1 =	vsel vm10, $0xC04, v1;
	v2 =	vsel vm10, $0xC84, v2;
	v3 =	vsel vm10, $0xD04, v3  }
0xd4: {  	v4 =	vsel vm10, $0xD84, v4;
	v5 =	vsel vm10, $0xE04, v5;
	v6 =	vsel vm10, $0xE84, v6  }
0xd5: {  	v7 =	vsel vm10, $0xF04, v7;
	v8 =	vsel vm10, $0xF84, v8;
	v9 =	vsel vm10, $0x804, v9  }
0xd6: {  	v10 =	vsel vm10, $0x884, v10;
	v11 =	vsel vm10, $0x904, v11;
	v12 =	vsel vm10, $0x984, v12  }
0xd7: {  	v13 =	vsel vm10, $0x1284, v13;
	v14 =	vsel vm10, $0x1304, v14;
	v15 =	vsel vm10, $0x1384, v15  }
0xd8: {  	v16 =	vsel vm10, $0x1404, v16;
	v17 =	vsel vm10, $0x1484, v17;
	v18 =	vsel vm10, $0x1504, v18  }
0xd9: {  	v19 =	vsel vm10, $0x1584, v19;
	v20 =	vsel vm10, $0x1604, v20;
	v21 =	vsel vm10, $0x1684, v21  }
0xda: {  	v22 =	vsel vm10, $0x1704, v22;
	v23 =	vsel vm10, $0x1784, v23;
	v24 =	vsel vm10, $0x1004, v24  }
0xdb: {  	v25 =	vsel vm10, $0x1084, v25;
	v26 =	vsel vm10, $0x1104, v26;
	v27 =	vsel vm10, $0x1184, v27  }
0xdc: {  	v28 =	vsel vm10, $0x1A84, v28;
	v29 =	vsel vm10, $0x1B04, v29;
	v30 =	vsel vm10, $0x1B84, v30  }
0xdd: {  	v31 =	vsel vm10, $0x1C04, v31;
	v32 =	vsel vm10, $0x1C84, v32;
	v33 =	vsel vm10, $0x1D04, v33  }
0xde: {  	v34 =	vsel vm10, $0x1D84, v34;
	v35 =	vsel vm10, $0x1E04, v35;
	v36 =	vsel vm10, $0x1E84, v36  }
0xdf: {  	v37 =	vsel vm10, $0x1F04, v37;
	v38 =	vsel vm9, $0x1805, v38;
	[tilespmem:$0x1F9A0] =	vst v43;
	v43 =	vunpack.c.0.s8.s32 v46  }
0xe0: {  	v0 =	vsel vm3, $0xF8C, v0;
	v1 =	vsel vm9, $0xC85, v1;
	v2 =	vsel vm9, $0xD05, v2  }
0xe1: {  	v3 =	vsel vm9, $0xD85, v3;
	v4 =	vsel vm9, $0xE05, v4;
	v5 =	vsel vm9, $0xE85, v5  }
0xe2: {  	v6 =	vsel vm9, $0xF05, v6;
	v7 =	vsel vm9, $0xF85, v7;
	v8 =	vsel vm9, $0x805, v8  }
0xe3: {  	v9 =	vsel vm9, $0x885, v9;
	v10 =	vsel vm9, $0x905, v10;
	v11 =	vsel vm9, $0x985, v11  }
0xe4: {  	v12 =	vsel vm9, $0xA05, v12;
	v13 =	vsel vm9, $0x1305, v13;
	v14 =	vsel vm9, $0x1385, v14  }
0xe5: {  	v15 =	vsel vm9, $0x1405, v15;
	v16 =	vsel vm9, $0x1485, v16;
	v17 =	vsel vm9, $0x1505, v17  }
0xe6: {  	v18 =	vsel vm9, $0x1585, v18;
	v19 =	vsel vm9, $0x1605, v19;
	v20 =	vsel vm9, $0x1685, v20  }
0xe7: {  	v21 =	vsel vm9, $0x1705, v21;
	v22 =	vsel vm9, $0x1785, v22;
	v23 =	vsel vm9, $0x1005, v23  }
0xe8: {  	v24 =	vsel vm9, $0x1085, v24;
	v25 =	vsel vm9, $0x1105, v25;
	v26 =	vsel vm9, $0x1185, v26  }
0xe9: {  	v27 =	vsel vm9, $0x1205, v27;
	v28 =	vsel vm9, $0x1B05, v28;
	v29 =	vsel vm9, $0x1B85, v29  }
0xea: {  	v30 =	vsel vm9, $0x1C05, v30;
	v31 =	vsel vm9, $0x1C85, v31;
	v32 =	vsel vm9, $0x1D05, v32  }
0xeb: {  	v33 =	vsel vm9, $0x1D85, v33;
	v34 =	vsel vm9, $0x1E05, v34;
	v35 =	vsel vm9, $0x1E85, v35  }
0xec: {  	v36 =	vsel vm9, $0x1F05, v36;
	v37 =	vsel vm9, $0x1F85, v37;
	v38 =	vsel vm8, $0x1886, v38  }
0xed: {  	v46 =	vsel vm7, $0x1A07, v40;
	v0 =	vsel vm1, $0x80D, v0;
	v1 =	vsel vm8, $0xD06, v1  }
0xee: {  	v2 =	vsel vm8, $0xD86, v2;
	v3 =	vsel vm8, $0xE06, v3;
	v4 =	vsel vm8, $0xE86, v4  }
0xef: {  	v5 =	vsel vm8, $0xF06, v5;
	v6 =	vsel vm8, $0xF86, v6;
	v7 =	vsel vm8, $0x806, v7  }
0xf0: {  	v8 =	vsel vm8, $0x886, v8;
	v9 =	vsel vm8, $0x906, v9;
	v10 =	vsel vm8, $0x986, v10  }
0xf1: {  	v11 =	vsel vm8, $0xA06, v11;
	v12 =	vsel vm8, $0xA86, v12;
	v13 =	vsel vm8, $0x1386, v13  }
0xf2: {  	v14 =	vsel vm8, $0x1406, v14;
	v15 =	vsel vm8, $0x1486, v15;
	v16 =	vsel vm8, $0x1506, v16  }
0xf3: {  	v17 =	vsel vm8, $0x1586, v17;
	v18 =	vsel vm8, $0x1606, v18;
	v19 =	vsel vm8, $0x1686, v19  }
0xf4: {  	v20 =	vsel vm8, $0x1706, v20;
	v21 =	vsel vm8, $0x1786, v21;
	v22 =	vsel vm8, $0x1006, v22  }
0xf5: {  	v23 =	vsel vm8, $0x1086, v23;
	v24 =	vsel vm8, $0x1106, v24;
	v25 =	vsel vm8, $0x1186, v25  }
0xf6: {  	v26 =	vsel vm8, $0x1206, v26;
	v27 =	vsel vm8, $0x1286, v27;
	v28 =	vsel vm8, $0x1B86, v28  }
0xf7: {  	v29 =	vsel vm8, $0x1C06, v29;
	v30 =	vsel vm8, $0x1C86, v30;
	v31 =	vsel vm8, $0x1D06, v31  }
0xf8: {  	v32 =	vsel vm8, $0x1D86, v32;
	v33 =	vsel vm8, $0x1E06, v33;
	v34 =	vsel vm8, $0x1E86, v34  }
0xf9: {  	v35 =	vsel vm8, $0x1F06, v35;
	v36 =	vsel vm8, $0x1F86, v36;
	v37 =	vsel vm8, $0x1806, v37  }
0xfa: {  	v62 =	vsel vm7, $0x1907, v38;
	v38 =	vsel vm5, $0x1A08, v63;
	v39 =	vsel vm5, $0x1A88, v46  }
0xfb: {  	v63 =	vimm.s32 $0x1B1A1918;
	[tilespmem:$0x1F9B0] =	vst v43;
	v43 =	vunpack.c.0.s8.s32 v49;
	v0 =	vsel vm0, $0x88E, v0  }
0xfc: {  	v49 =	vsel vm7, $0x1A87, v41;
	v38 =	vsel vm6, $0x1A89, v38;
	v39 =	vsel vm6, $0x1B09, v39  }
0xfd: {  	v41 =	vsel vm5, $0x1B88, v54;
	v46 =	vunpack.c.0.s8.s32 v63;
	[tilespmem:$0x1F9D0] =	vst v0;
	v0 =	vsel vm7, $0xD87, v1  }
0xfe: {  	v1 =	vsel vm7, $0xE07, v2;
	v2 =	vsel vm7, $0xE87, v3;
	v3 =	vsel vm7, $0xF07, v4  }
0xff: {  	v4 =	vsel vm7, $0xF87, v5;
	v5 =	vsel vm7, $0x807, v6;
	v6 =	vsel vm7, $0x887, v7  }
0x100: {  	v7 =	vsel vm7, $0x907, v8;
	v8 =	vsel vm7, $0x987, v9;
	v9 =	vsel vm7, $0xA07, v10  }
0x101: {  	v10 =	vsel vm7, $0xA87, v11;
	v11 =	vsel vm7, $0xB07, v12;
	v12 =	vsel vm7, $0x1407, v13  }
0x102: {  	v13 =	vsel vm7, $0x1487, v14;
	v14 =	vsel vm7, $0x1507, v15;
	v15 =	vsel vm7, $0x1587, v16  }
0x103: {  	v16 =	vsel vm7, $0x1607, v17;
	v17 =	vsel vm7, $0x1687, v18;
	v18 =	vsel vm7, $0x1707, v19  }
0x104: {  	v19 =	vsel vm7, $0x1787, v20;
	v20 =	vsel vm7, $0x1007, v21;
	v21 =	vsel vm7, $0x1087, v22  }
0x105: {  	v22 =	vsel vm7, $0x1107, v23;
	v23 =	vsel vm7, $0x1187, v24;
	v24 =	vsel vm7, $0x1207, v25  }
0x106: {  	v25 =	vsel vm7, $0x1287, v26;
	v26 =	vsel vm7, $0x1307, v27;
	v27 =	vsel vm7, $0x1C07, v28  }
0x107: {  	v28 =	vsel vm7, $0x1C87, v29;
	v29 =	vsel vm7, $0x1D07, v30;
	v30 =	vsel vm7, $0x1D87, v31  }
0x108: {  	v31 =	vsel vm7, $0x1E07, v32;
	v32 =	vsel vm7, $0x1E87, v33;
	v33 =	vsel vm7, $0x1F07, v34  }
0x109: {  	v34 =	vsel vm7, $0x1F87, v35;
	v35 =	vsel vm7, $0x1807, v36;
	v36 =	vsel vm7, $0x1887, v37  }
0x10a: {  	v37 =	vsel vm5, $0x1988, v62;
	v40 =	vsel vm5, $0x1B08, v49;
	v41 =	vsel vm6, $0x1C09, v41  }
0x10b: {  	v62 =	vimm.s32 $0x17161514;
	v0 =	vsel vm5, $0xE08, v0;
	v1 =	vsel vm5, $0xE88, v1  }
0x10c: {  	v2 =	vsel vm5, $0xF08, v2;
	v3 =	vsel vm5, $0xF88, v3;
	v4 =	vsel vm5, $0x808, v4  }
0x10d: {  	v5 =	vsel vm5, $0x888, v5;
	v6 =	vsel vm5, $0x908, v6;
	v7 =	vsel vm5, $0x988, v7  }
0x10e: {  	v8 =	vsel vm5, $0xA08, v8;
	v9 =	vsel vm5, $0xA88, v9;
	v10 =	vsel vm5, $0xB08, v10  }
0x10f: {  	v11 =	vsel vm5, $0xB88, v11;
	v12 =	vsel vm5, $0x1488, v12;
	v13 =	vsel vm5, $0x1508, v13  }
0x110: {  	v14 =	vsel vm5, $0x1588, v14;
	v15 =	vsel vm5, $0x1608, v15;
	v16 =	vsel vm5, $0x1688, v16  }
0x111: {  	v17 =	vsel vm5, $0x1708, v17;
	v18 =	vsel vm5, $0x1788, v18;
	v19 =	vsel vm5, $0x1008, v19  }
0x112: {  	v20 =	vsel vm5, $0x1088, v20;
	v21 =	vsel vm5, $0x1108, v21;
	v22 =	vsel vm5, $0x1188, v22  }
0x113: {  	v23 =	vsel vm5, $0x1208, v23;
	v24 =	vsel vm5, $0x1288, v24;
	v25 =	vsel vm5, $0x1308, v25  }
0x114: {  	v26 =	vsel vm5, $0x1388, v26;
	v27 =	vsel vm5, $0x1C88, v27;
	v28 =	vsel vm5, $0x1D08, v28  }
0x115: {  	v29 =	vsel vm5, $0x1D88, v29;
	v30 =	vsel vm5, $0x1E08, v30;
	v31 =	vsel vm5, $0x1E88, v31  }
0x116: {  	v32 =	vsel vm5, $0x1F08, v32;
	v33 =	vsel vm5, $0x1F88, v33;
	v34 =	vsel vm5, $0x1808, v34  }
0x117: {  	v35 =	vsel vm5, $0x1888, v35;
	v36 =	vsel vm5, $0x1908, v36;
	v37 =	vsel vm6, $0x1A09, v37  }
0x118: {  	[tilespmem:$0x1F9F0] =	vst v42;
	v40 =	vsel vm6, $0x1B89, v40;
	v42 =	vunpack.c.0.s8.s32 v62;
	v0 =	vsel vm6, $0xE89, v0  }
0x119: {  	v1 =	vsel vm6, $0xF09, v1;
	v2 =	vsel vm6, $0xF89, v2;
	v3 =	vsel vm6, $0x809, v3  }
0x11a: {  	v4 =	vsel vm6, $0x889, v4;
	v5 =	vsel vm6, $0x909, v5;
	v6 =	vsel vm6, $0x989, v6  }
0x11b: {  	v7 =	vsel vm6, $0xA09, v7;
	v8 =	vsel vm6, $0xA89, v8;
	v9 =	vsel vm6, $0xB09, v9  }
0x11c: {  	v10 =	vsel vm6, $0xB89, v10;
	v11 =	vsel vm6, $0xC09, v11;
	v12 =	vsel vm6, $0x1509, v12  }
0x11d: {  	v13 =	vsel vm6, $0x1589, v13;
	v14 =	vsel vm6, $0x1609, v14;
	v15 =	vsel vm6, $0x1689, v15  }
0x11e: {  	v16 =	vsel vm6, $0x1709, v16;
	v17 =	vsel vm6, $0x1789, v17;
	v18 =	vsel vm6, $0x1009, v18  }
0x11f: {  	v19 =	vsel vm6, $0x1089, v19;
	v20 =	vsel vm6, $0x1109, v20;
	v21 =	vsel vm6, $0x1189, v21  }
0x120: {  	v22 =	vsel vm6, $0x1209, v22;
	v23 =	vsel vm6, $0x1289, v23;
	v24 =	vsel vm6, $0x1309, v24  }
0x121: {  	v25 =	vsel vm6, $0x1389, v25;
	v26 =	vsel vm6, $0x1409, v26;
	v27 =	vsel vm6, $0x1D09, v27  }
0x122: {  	v28 =	vsel vm6, $0x1D89, v28;
	v29 =	vsel vm6, $0x1E09, v29;
	v30 =	vsel vm6, $0x1E89, v30  }
0x123: {  	v31 =	vsel vm6, $0x1F09, v31;
	v32 =	vsel vm6, $0x1F89, v32;
	v33 =	vsel vm6, $0x1809, v33  }
0x124: {  	v34 =	vsel vm6, $0x1889, v34;
	v35 =	vsel vm6, $0x1909, v35;
	v36 =	vsel vm6, $0x1989, v36  }
0x125: {  	v0 =	vsel vm4, $0xF0A, v0;
	v1 =	vsel vm4, $0xF8A, v1;
	v2 =	vsel vm4, $0x80A, v2  }
0x126: {  	v62 =	vsel vm4, $0x88A, v3;
	v63 =	vsel vm4, $0x90A, v4;
	v4 =	vsel vm4, $0x98A, v5  }
0x127: {  	v3 =	vsel vm4, $0x170A, v15;
	v15 =	vsel vm4, $0x1D8A, v27;
	v27 =	vsel vm4, $0x1B8A, v39  }
0x128: {  	v0 =	vsel vm2, $0xF8B, v0;
	v1 =	vsel vm2, $0x80B, v1;
	v2 =	vsel vm2, $0x88B, v2  }
0x129: {  	v3 =	vsel vm2, $0x178B, v3;
	v15 =	vsel vm2, $0x1E0B, v15;
	v0 =	vsel vm3, $0x80C, v0  }
0x12a: {  	v1 =	vsel vm3, $0x88C, v1;
	v2 =	vsel vm3, $0x90C, v2;
	v0 =	vsel vm1, $0x88D, v0  }
0x12b: {  	v49 =	vsel vm1, $0x90D, v1;
	v54 =	vsel vm1, $0x98D, v2;
	v1 =	vsel vm2, $0x98B, v63  }
0x12c: {  	[tilespmem:$0x1FA00] =	vst v42;
	v2 =	vsel vm2, $0xA0B, v4;
	v42 =	vsel vm0, $0x90E, v0;
	v61 =	vsel vm0, $0xA0E, v54  }
0x12d: {  	v0 =	vsel vm2, $0x90B, v62;
	v1 =	vsel vm3, $0xA0C, v1;
	v2 =	vsel vm3, $0xA8C, v2  }
0x12e: {  	v54 =	vsel vm4, $0xA0A, v6;
	v62 =	vsel vm4, $0xB0A, v8;
	v6 =	vsel vm4, $0xB8A, v9  }
0x12f: {  	[tilespmem:$0x1FA10] =	vst v46;
	v8 =	vsel vm4, $0xC8A, v11;
	v0 =	vsel vm3, $0x98C, v0;
	v5 =	vsel vm1, $0xA8D, v1  }
0x130: {  	[tilespmem:$0x1FA20] =	vst v61;
	v46 =	vsel vm1, $0xB0D, v2;
	v61 =	vsel vm4, $0xA8A, v7;
	v0 =	vsel vm1, $0xA0D, v0  }
0x131: {  	v2 =	vsel vm2, $0xB8B, v62;
	v7 =	vsel vm4, $0xC0A, v10;
	v0 =	vsel vm0, $0xA8E, v0  }
0x132: {  	v62 =	vsel vm4, $0x140A, v25;
	v1 =	vsel vm2, $0xB0B, v61;
	[tilespmem:$0x1FA30] =	vst v0;
	v0 =	vsel vm0, $0xB0E, v5  }
0x133: {  	v2 =	vsel vm3, $0xC0C, v2;
	v61 =	vsel vm4, $0x138A, v24;
	[tilespmem:$0x1FA40] =	vst v0;
	v0 =	vsel vm2, $0xA8B, v54  }
0x134: {  	v1 =	vsel vm3, $0xB8C, v1;
	v4 =	vsel vm1, $0xC8D, v2;
	v0 =	vsel vm3, $0xB0C, v0  }
0x135: {  	v2 =	vsel vm2, $0xD0B, v8;
	v63 =	vsel vm1, $0xC0D, v1;
	v0 =	vsel vm1, $0xB8D, v0  }
0x136: {  	v5 =	vsel vm0, $0xD0E, v4;
	v1 =	vsel vm2, $0xC8B, v7;
	v0 =	vsel vm0, $0xC0E, v0  }
0x137: {  	v2 =	vsel vm3, $0xD8C, v2;
	v4 =	vsel vm4, $0x178A, v16;
	[tilespmem:$0x1FA60] =	vst v0;
	v0 =	vsel vm0, $0xC8E, v63  }
0x138: {  	v7 =	vsel vm4, $0x110A, v19;
	v16 =	vsel vm4, $0x1E0A, v28;
	[tilespmem:$0x1FA70] =	vst v0;
	v0 =	vsel vm2, $0xC0B, v6  }
0x139: {  	v6 =	vsel vm4, $0x108A, v18;
	v18 =	vsel vm4, $0x1F0A, v30;
	v30 =	vimm.s32 $0x2C2B2A29  }
0x13a: {  	v19 =	vsel vm4, $0x1F8A, v31;
	v28 =	vsel vm4, $0x1C0A, v40;
	v30 =	vunpack.c.0.s8.s32 v30  }
0x13b: {  	v31 =	vimm.s32 $0x24232221;
	v40 =	vimm.s32 $0x21202F2E;
	v1 =	vsel vm3, $0xD0C, v1  }
0x13c: {  	v10 =	vsel vm1, $0xE0D, v2;
	v2 =	vsel vm4, $0x168A, v14;
	[tilespmem:$0x1FAC0] =	vst v30;
	v30 =	vimm.s32 $0x202F2E2D  }
0x13d: {  	v9 =	vsel vm1, $0xD8D, v1;
	v0 =	vsel vm3, $0xC8C, v0;
	v30 =	vunpack.c.0.s8.s32 v30  }
0x13e: {  	v1 =	vsel vm4, $0x160A, v13;
	v63 =	vsel vm4, $0x148A, v26;
	v0 =	vsel vm1, $0xD0D, v0  }
0x13f: {  	v14 =	vsel vm2, $0x150B, v63;
	v0 =	vsel vm0, $0xD8E, v0;
	[tilespmem:$0x1FAD0] =	vst v30;
	v30 =	vunpack.c.0.s8.s32 v31  }
0x140: {  	v13 =	vsel vm2, $0x148B, v62;
	v6 =	vsel vm2, $0x110B, v6;
	v14 =	vsel vm3, $0x158C, v14;
	[tilespmem:$0x1FA90] =	vst v0  }
0x141: {  	v6 =	vsel vm3, $0x118C, v6;
	v0 =	vsel vm0, $0xE0E, v9;
	[tilespmem:$0x1FAE0] =	vst v30;
	v30 =	vimm.s32 $0x28272625  }
0x142: {  	v6 =	vsel vm1, $0x120D, v6;
	[tilespmem:$0x1FAA0] =	vst v0;
	v0 =	vsel vm4, $0x158A, v12;
	v30 =	vunpack.c.0.s8.s32 v30  }
0x143: {  	v14 =	vsel vm1, $0x160D, v14;
	v62 =	vsel vm0, $0x128E, v6;
	v0 =	vsel vm2, $0x160B, v0  }
0x144: {  	v6 =	vsel vm0, $0x168E, v14;
	v14 =	vimm.s32 $0x2D2C2B2A;
	v0 =	vsel vm3, $0x168C, v0  }
0x145: {  	v12 =	vsel vm2, $0x140B, v61;
	v61 =	vunpack.c.0.s8.s32 v40;
	v0 =	vsel vm1, $0x170D, v0  }
0x146: {  	v27 =	vsel vm2, $0x1C0B, v27;
	[tilespmem:$0x1FAF0] =	vst v30;
	v30 =	vmovc v45;
	v45 =	vsel vm0, $0x178E, v0;
	v0 =	vunpack.c.0.s8.s32 v14  }
0x147: {  	v3 =	vsel vm3, $0x100C, v3;
	v15 =	vsel vm3, $0x1E8C, v15;
	[tilespmem:$0x1FB30] =	vst v61;
	v14 =	vimm.s32 $0x25242322  }
0x148: {  	v27 =	vsel vm3, $0x1C8C, v27;
	v61 =	vimm.s32 $0x2E2D2C2B;
	[tilespmem:$0x1FB20] =	vst v0;
	v0 =	vunpack.c.0.s8.s32 v14  }
0x149: {  	[tilespmem:$0x1F9C0] =	vst v43;
	v3 =	vsel vm1, $0x108D, v3;
	v40 =	vimm.s32 $0x29282726;
	v14 =	vunpack.c.0.s8.s32 v61  }
0x14a: {  	v15 =	vsel vm1, $0x1F0D, v15;
	v27 =	vsel vm1, $0x1D0D, v27;
	[tilespmem:$0x1FB40] =	vst v0;
	v0 =	vunpack.c.0.s8.s32 v40  }
0x14b: {  	v43 =	vsel vm0, $0x98E, v49;
	v25 =	vsel vm4, $0x1A8A, v37;
	[tilespmem:$0x1FB60] =	vst v14;
	v40 =	vimm.s32 $0x2221202F  }
0x14c: {  	v37 =	vmovc v57;
	v57 =	vsel vm0, $0x1D8E, v27;
	v14 =	vimm.s32 $0x2A292827;
	[tilespmem:$0x1FB50] =	vst v0;
	v0 =	vunpack.c.0.s8.s32 v40  }
0x14d: {  	v49 =	vsel vm0, $0xB8E, v46;
	v61 =	vimm.s32 $0x26252423;
	v40 =	vunpack.c.0.s8.s32 v14  }
0x14e: {  	v46 =	vsel vm4, $0x120A, v21;
	v21 =	vsel vm4, $0x188A, v33;
	[tilespmem:$0x1FB70] =	vst v0;
	v0 =	vunpack.c.0.s8.s32 v61  }
0x14f: {  	v24 =	vsel vm4, $0x1A0A, v36;
	v25 =	vsel vm2, $0x1B0B, v25;
	[tilespmem:$0x1FB90] =	vst v40;
	v61 =	vimm.s32 $0x2F2E2D2C  }
0x150: {  	v8 =	vsel vm4, $0x118A, v20;
	v40 =	vimm.s32 $0x27262524;
	[tilespmem:$0x1FB80] =	vst v0;
	v0 =	vunpack.c.0.s8.s32 v61  }
0x151: {  	[tilespmem:$0x1FA50] =	vst v49;
	v49 =	vsel vm4, $0x128A, v22;
	v14 =	vimm.s32 $0x23222120;
	v61 =	vunpack.c.0.s8.s32 v40  }
0x152: {  	v20 =	vsel vm4, $0x180A, v32;
	v22 =	vsel vm4, $0x190A, v34;
	[tilespmem:$0x1FBA0] =	vst v0;
	v0 =	vunpack.c.0.s8.s32 v14  }
0x153: {  	v21 =	vsel vm2, $0x190B, v21;
	v24 =	vsel vm2, $0x1A8B, v24;
	[tilespmem:$0x1FBC0] =	vst v61;
	v14 =	vimm.s32 $0x2B2A2928  }
0x154: {  	v25 =	vsel vm3, $0x1B8C, v25;
	v61 =	vimm.s32 $0x303F3E3D;
	[tilespmem:$0x1FBB0] =	vst v0;
	v0 =	vunpack.c.0.s8.s32 v14  }
0x155: {  	v8 =	vsel vm2, $0x120B, v8;
	[tilespmem:$0x1FA80] =	vst v5;
	v40 =	vimm.s32 $0x3C3B3A39;
	v14 =	vunpack.c.0.s8.s32 v61  }
0x156: {  	v20 =	vsel vm2, $0x188B, v20;
	v22 =	vsel vm2, $0x198B, v22;
	[tilespmem:$0x1FBD0] =	vst v0;
	v0 =	vunpack.c.0.s8.s32 v40  }
0x157: {  	v21 =	vsel vm3, $0x198C, v21;
	v24 =	vsel vm3, $0x1B0C, v24;
	[tilespmem:$0x1FBF0] =	vst v14;
	v40 =	vimm.s32 $0x34333231  }
0x158: {  	v5 =	vsel vm4, $0x100A, v17;
	v14 =	vimm.s32 $0x3D3C3B3A;
	[tilespmem:$0x1FBE0] =	vst v0;
	v0 =	vunpack.c.0.s8.s32 v40  }
0x159: {  	v54 =	vsel vm4, $0x130A, v23;
	v61 =	vimm.s32 $0x38373635;
	v40 =	vunpack.c.0.s8.s32 v14  }
0x15a: {  	v17 =	vsel vm4, $0x1E8A, v29;
	v23 =	vsel vm4, $0x198A, v35;
	[tilespmem:$0x1FC00] =	vst v0;
	v0 =	vunpack.c.0.s8.s32 v61  }
0x15b: {  	v29 =	vsel vm4, $0x1C8A, v41;
	v4 =	vsel vm2, $0x100B, v4;
	[tilespmem:$0x1FC20] =	vst v40;
	v61 =	vimm.s32 $0x31303F3E  }
0x15c: {  	v11 =	vsel vm0, $0xE8E, v10;
	v40 =	vimm.s32 $0x39383736;
	[tilespmem:$0x1FC10] =	vst v0;
	v0 =	vunpack.c.0.s8.s32 v61  }
0x15d: {  	s4 =	rddreg [dreg:$0x0];
	v7 =	vsel vm2, $0x118B, v7;
	[tilespmem:$0x1FAB0] =	vst v11;
	v14 =	vimm.s32 $0x35343332;
	v61 =	vunpack.c.0.s8.s32 v40  }
0x15e: {  	s3 =	rddreg [dreg:$0x1];
	v8 =	vsel vm3, $0x128C, v8;
	v16 =	vsel vm2, $0x1E8B, v16;
	[tilespmem:$0x1FC30] =	vst v0;
	v0 =	vunpack.c.0.s8.s32 v14  }
0x15f: {  	s5 =	rddreg [dreg:$0x2];
	s1 =	simm.s32 $0x0;
	v27 =	vld [tilespmem:$0x1FB10];
	v19 =	vsel vm2, $0x180B, v19;
	v4 =	vsel vm3, $0x108C, v4;
	v5 =	vsel vm2, $0x108B, v5;
	[tilespmem:$0x1FC50] =	vst v61  }
0x160: {  	[smem:$0x7FF] =	sst s1;
	v36 =	vmovc v51;
	v51 =	vld [tilespmem:$0x1FB00];
	v7 =	vsel vm3, $0x120C, v7;
	v10 =	vsel vm2, $0x130B, v49;
	v16 =	vsel vm3, $0x1F0C, v16;
	[tilespmem:$0x1FC40] =	vst v0  }
0x161: {  	s0 =	rddreg [dreg:$0x3];
	v17 =	vsel vm2, $0x1F0B, v17;
	v19 =	vsel vm3, $0x188C, v19;
	v8 =	vsel vm1, $0x130D, v8;
	_ =	strace $0x80000047;
	[tilespmem:$0x1FCE0] =	vst v56  }
0x162: {  	v5 =	vsel vm3, $0x110C, v5;
	v10 =	vsel vm3, $0x138C, v10;
	v11 =	vsel vm2, $0x138B, v54;
	[tilespmem:$0x1FCF0] =	vst v59  }
0x163: {  	v13 =	vsel vm3, $0x150C, v13;
	v17 =	vsel vm3, $0x1F8C, v17;
	v4 =	vsel vm1, $0x110D, v4;
	[tilespmem:$0x1FD00] =	vst v52  }
0x164: {  	v7 =	vsel vm1, $0x128D, v7;
	v16 =	vsel vm1, $0x1F8D, v16;
	v11 =	vsel vm3, $0x140C, v11;
	[tilespmem:$0x1FD10] =	vst v55  }
0x165: {  	v5 =	vsel vm1, $0x118D, v5;
	v10 =	vsel vm1, $0x140D, v10;
	v26 =	vsel vm4, $0x1B0A, v38;
	[tilespmem:$0x1FD40] =	vst v58  }
0x166: {  	v11 =	vsel vm1, $0x148D, v11;
	v35 =	vsel vm0, $0x148E, v10;
	v12 =	vsel vm3, $0x148C, v12;
	[tilespmem:$0x1FD50] =	vst v44  }
0x167: {  	v38 =	vmovc v48;
	v48 =	vsel vm0, $0x110E, v3;
	v3 =	vsel vm0, $0x150E, v11;
	v12 =	vsel vm1, $0x150D, v12;
	[tilespmem:$0x1FDA0] =	vst v35  }
0x168: {  	v13 =	vsel vm1, $0x158D, v13;
	v63 =	vsel vm0, $0x118E, v4;
	v4 =	vsel vm0, $0x158E, v12;
	[tilespmem:$0x1FDB0] =	vst v3  }
0x169: {  	v41 =	vsel vm0, $0x138E, v8;
	v33 =	vsel vm0, $0x120E, v5;
	v5 =	vsel vm0, $0x160E, v13;
	[tilespmem:$0x1FDC0] =	vst v4  }
0x16a: {  	v17 =	vsel vm1, $0x180D, v17;
	v54 =	vsel vm0, $0x130E, v7;
	v9 =	vsel vm2, $0x128B, v46;
	[tilespmem:$0x1FDD0] =	vst v5  }
0x16b: {  	v7 =	vsel vm0, $0x1F8E, v15;
	v18 =	vsel vm2, $0x1F8B, v18;
	v9 =	vsel vm3, $0x130C, v9;
	[tilespmem:$0x1FDE0] =	vst v6  }
0x16c: {  	v8 =	vsel vm0, $0x180E, v16;
	v18 =	vsel vm3, $0x180C, v18;
	v9 =	vsel vm1, $0x138D, v9;
	[tilespmem:$0x1FDF0] =	vst v7  }
0x16d: {  	v18 =	vsel vm1, $0x188D, v18;
	v31 =	vsel vm0, $0x140E, v9;
	v9 =	vsel vm0, $0x188E, v17;
	[tilespmem:$0x1FE00] =	vst v8  }
0x16e: {  	v20 =	vsel vm3, $0x190C, v20;
	v19 =	vsel vm1, $0x190D, v19;
	v10 =	vsel vm0, $0x190E, v18;
	[tilespmem:$0x1FE10] =	vst v9  }
0x16f: {  	v22 =	vsel vm3, $0x1A0C, v22;
	v20 =	vsel vm1, $0x198D, v20;
	v11 =	vsel vm0, $0x198E, v19;
	[tilespmem:$0x1FE20] =	vst v10  }
0x170: {  	v21 =	vsel vm1, $0x1A0D, v21;
	v23 =	vsel vm2, $0x1A0B, v23;
	v12 =	vsel vm0, $0x1A0E, v20;
	[tilespmem:$0x1FE30] =	vst v11  }
0x171: {  	v22 =	vsel vm1, $0x1A8D, v22;
	v23 =	vsel vm3, $0x1A8C, v23;
	v18 =	vsel vm0, $0x1A8E, v21;
	[tilespmem:$0x1FE40] =	vst v12  }
0x172: {  	v34 =	vsel vm0, $0x1B0E, v22;
	v23 =	vsel vm1, $0x1B0D, v23;
	v26 =	vsel vm2, $0x1B8B, v26;
	[tilespmem:$0x1FE50] =	vst v18  }
0x173: {  	v24 =	vsel vm1, $0x1B8D, v24;
	v39 =	vsel vm0, $0x1B8E, v23;
	v26 =	vsel vm3, $0x1C0C, v26;
	[tilespmem:$0x1FE60] =	vst v34  }
0x174: {  	v28 =	vsel vm2, $0x1C8B, v28;
	v13 =	vsel vm0, $0x1C0E, v24;
	v26 =	vsel vm1, $0x1C8D, v26;
	[tilespmem:$0x1FE70] =	vst v39  }
0x175: {  	v28 =	vsel vm3, $0x1D0C, v28;
	v29 =	vsel vm2, $0x1D0B, v29;
	v20 =	vsel vm0, $0x1D0E, v26;
	[tilespmem:$0x1FE80] =	vst v13  }
0x176: {  	v25 =	vsel vm1, $0x1C0D, v25;
	v29 =	vsel vm3, $0x1D8C, v29;
	v28 =	vsel vm1, $0x1D8D, v28;
	[tilespmem:$0x1FE90] =	vst v20  }
0x177: {  	v49 =	vsel vm0, $0x1C8E, v25;
	v29 =	vsel vm1, $0x1E0D, v29;
	v25 =	vsel vm0, $0x1E0E, v28;
	[tilespmem:$0x1FEA0] =	vst v57  }
0x178: {  	v26 =	vsel vm0, $0x1E8E, v29;
	[tilespmem:$0x1FEB0] =	vst v25  }
0x179: {  	[tilespmem:$0x1FEC0] =	vst v26  }
0x17a: {  	v1 =	vsel vm2, $0x168B, v1;
	[tilespmem:$0x1FF10] =	vst v49  }
0x17b: {  	v2 =	vsel vm2, $0x170B, v2;
	v1 =	vsel vm3, $0x170C, v1;
	[tilespmem:$0x1FF20] =	vst v31  }
0x17c: {  	v2 =	vsel vm3, $0x178C, v2;
	v1 =	vsel vm1, $0x178D, v1;
	[tilespmem:$0x1FF30] =	vst v41  }
0x17d: {  	v2 =	vsel vm1, $0x100D, v2;
	v46 =	vsel vm0, $0x100E, v1;
	[tilespmem:$0x1FF40] =	vst v45  }
0x17e: {  	v32 =	vmov v47;
	v47 =	vsel vm0, $0x108E, v2;
	[tilespmem:$0x1FF60] =	vst v46  }
0x17f: {  	[tilespmem:$0x1FF70] =	vst v47  }
0x180: {  	[tilespmem:$0x1FF80] =	vst v54  }
0x181: {  	[tilespmem:$0x1FF90] =	vst v48  }
0x182: {  	[tilespmem:$0x1FFA0] =	vst v63  }
0x183: {  	[tilespmem:$0x1FFB0] =	vst v33  }
0x184: {  	v14 =	vimm.s32 $0x3E3D3C3B;
	[tilespmem:$0x1FFC0] =	vst v62  }
0x185: {  	v61 =	vimm.s32 $0x36353433;
	v0 =	vunpack.c.0.s8.s32 v14;
	[tilespmem:$0x1FFE0] =	vst v32  }
0x186: {  	v40 =	vimm.s32 $0x3231303F;
	v14 =	vunpack.c.0.s8.s32 v61;
	[tilespmem:$0x1FFF0] =	vst v50  }
0x187: {  	[tilespmem:$0x1FC60] =	vst v0;
	v0 =	vunpack.c.0.s8.s32 v40  }
0x188: {  	vm0 =	vcmask $0x1F10;
	[tilespmem:$0x1FC80] =	vst v14;
	v40 =	vimm.s32 $0x3A393837  }
0x189: {  	v59 =	vsel vm0, v59, v56;
	v14 =	vimm.s32 $0x33323130;
	[tilespmem:$0x1FC70] =	vst v0;
	v0 =	vunpack.c.0.s8.s32 v40  }
0x18a: {  	v15 =	vld [tilespmem:$0x1FD20];
	[tilespmem:$0x1FD60] =	vst v59;
	v40 =	vunpack.c.0.s8.s32 v14  }
0x18b: {  	v16 =	vld [tilespmem:$0x1FD30];
	v14 =	vlaneseq.u32;
	[tilespmem:$0x1FC90] =	vst v0  }
0x18c: {  	v17 =	vmul.u32 $0x80, v14;
	v21 =	vor.u32 $0x10, v14;
	[tilespmem:$0x1FCB0] =	vst v40  }
0x18d: {  	v61 =	vimm.s32 $0x3F3E3D3C;
	v19 =	vmul.u32 $0x81, v14;
	[tilespmem:$0x1FEE0] =	vst v21  }
0x18e: {  	v0 =	vunpack.c.0.s8.s32 v61;
	[tilespmem:$0x1FED0] =	vst v17  }
0x18f: {  	[tilespmem:$0x1FFD0] =	vst v19  }
0x190: {  	s6 =	srdreg.scid;
	s2 =	stileid.u32;
	s11 =	simm.s32 $0x7000;
	v15 =	vsel vm0, v16, v15;
	[tilespmem:$0x1FCA0] =	vst v0  }
0x191: {  	s12 =	simm.s32 $0x400;
	s13 =	simm.s32 $0xB000;
	s14 =	simm.s32 $0x800;
	v16 =	vsel vm0, v44, v58;
	[tilespmem:$0x1FD80] =	vst v15  }
0x192: {  	s10 =	simm.s32 $0x80;
	s15 =	simm.s32 $0xF000;
	s16 =	simm.s32 $0xC00;
	v61 =	vimm.s32 $0x37363534;
	v22 =	vor.u32 $0x800, v19;
	[tilespmem:$0x1FD90] =	vst v16  }
0x193: {  	s17 =	simm.s32 $0x13000;
	s18 =	simm.s32 $0x2;
	s19 =	simm.s32 $0x1;
	v0 =	vunpack.c.0.s8.s32 v61;
	v61 =	vsel vm0, v55, v52;
	[tilespmem:$0x1FF50] =	vst v22  }
0x194: {  	s20 =	simm.s32 $0x0;
	s6 =	sand.u32 $0x1, s6;
	s3 =	sadd.s32 $0xF42800, s3;
	v24 =	vcombine.low v16, v15;
	[tilespmem:$0x1FD70] =	vst v61  }
0x195: {  	s8 =	sshll.u32 s2, $0xA;
	s7 =	ssub.s32 $0x2, s6;
	s6 =	sshll.u32 s6, $0x9;
	v40 =	vimm.s32 $0x3B3A3938;
	v23 =	vcombine.low v61, v59;
	[tilespmem:$0x1FCC0] =	vst v0  }
0x196: {  	s9 =	sshrl.u32 s7, $0x1;
	s6 =	sor.u32 s6, s8;
	s8 =	simm.s32 $0x20000;
	v0 =	vunpack.c.0.s8.s32 v40;
	[tilespmem:$0x1FEF0] =	vst v24  }
0x197: {  	s7 =	ssub.s32 s7, s9;
	s4 =	sadd.s32 s4, s6;
	s5 =	sadd.s32 s5, s6;
	[tilespmem:$0x1FF00] =	vst v23  }
0x198: {  	s9 =	simm.s32 $0x3;
	s6 =	smax.u32 s7, $0x1;
	s7 =	simm.s32 $0x1000;
	v28 =	vmov v50;
	[tilespmem:$0x1FCD0] =	vst v0  }
.LBB2_1:
0x199: {  	[tilespmem:s1], [sflag:$0x3] =	stream.strided.gather [hbm4b:s4+s7], $0x7000, s8, s7, $0x38;
	[tilespmem:$0x1F000] =	vst v63  }
0x19a: {  	_ =	swait.ge [sflag:s9], $0x7000  }
0x19b: {  	[sflag:s9] =	ssyncset.done $0x0  }
0x19c: {  	[sflag:s9] =	ssyncadd.s32 $0xFFFF9000  }
0x19d: {  	[tilespmem:s11], [sflag:$0x1] =	stream.indirect.gather [hbm4b:s3+s10], $0x80, s1, s10, $0xb8;
	[tilespmem:$0x1F000] =	vst v63  }
0x19e: {  	_ = 	snop  }
0x19f: {  	[tilespmem:s13], [sflag:$0x1] =	stream.indirect.gather [hbm4b:s3+s10], $0x80, s12, s10, $0xb8;
	[tilespmem:$0x1F000] =	vst v63  }
0x1a0: {  	_ = 	snop  }
0x1a1: {  	[tilespmem:s15], [sflag:$0x1] =	stream.indirect.gather [hbm4b:s3+s10], $0x80, s14, s10, $0xb8;
	[tilespmem:$0x1F000] =	vst v63  }
0x1a2: {  	s21 =	simm.s32 $0x0  }
0x1a3: {  	[tilespmem:s17], [sflag:$0x1] =	stream.indirect.gather [hbm4b:s3+s10], $0x80, s16, s10, $0xb8;
	[tilespmem:$0x1F000] =	vst v63  }
.LBB2_2:
0x1a4: {  	v2 =	vld [tilespmem:$0x1F8C0]  }
0x1a5: {  	v6 =	vld [tilespmem:$0x1F8D0]  }
0x1a6: {  	v11 =	vld [tilespmem:$0x1F8E0]  }
0x1a7: {  	p0 =	sgt.u32 s21, $0xC3;
	v5 =	vld [tilespmem:$0x1F8F0]  }
0x1a8: {  	v14 =	vld [tilespmem:$0x1F900];
	s22 =	sadd.s32 @!p0 $0x4, s21  }
0x1a9: {  	v15 =	vld [tilespmem:$0x1F910];
	s23 =	smul.u32 @!p0 $0xCD, s22  }
0x1aa: {  	v10 =	vld [tilespmem:$0x1F920]  }
0x1ab: {  	v12 =	vld [tilespmem:$0x1F930];
	s23 =	sshrl.u32 @!p0 s23, $0xA  }
0x1ac: {  	v13 =	vld [tilespmem:$0x1F940];
	s23 =	sand.u32 @!p0 $0x3F, s23  }
0x1ad: {  	v25 =	vld [tilespmem:$0x1F950];
	s23 =	smul.u32 @!p0 $0x5, s23  }
0x1ae: {  	v26 =	vld [tilespmem:$0x1F960];
	s30 =	smul.u32 $0xCD, s21;
	s25 =	sshll.u32 @!p0 s21, $0xA;
	p1 =	slt.u32 @!p0 s21, $0x2  }
0x1af: {  	v3 =	vld [tilespmem:$0x1F970];
	s24 =	sshll.u32 @!p0 s22, $0x7;
	s25 =	sand.u32 @!p0 $0xC00, s25;
	s23 =	ssub.s32 @!p0 s22, s23  }
0x1b0: {  	v4 =	vld [tilespmem:$0x1F980];
	s24 =	sand.u32 @!p0 $0xF000, s24;
	s22 =	sshll.u32 @!p0 s22, $0x5;
	s23 =	sand.u32 @!p0 $0xFF, s23  }
0x1b1: {  	v20 =	vld [tilespmem:$0x1F9D0];
	s24 =	sor.u32 @!p0 s25, s24;
	s22 =	sand.u32 @!p0 $0x380, s22;
	s23 =	sshll.u32 @!p0 s23, $0xE  }
0x1b2: {  	v39 =	vld [tilespmem:$0x1FA20];
	s22 =	sor.u32 @!p0 s22, s24;
	s24 =	simm.s32 @!p0 $0x80;
	s23 =	sadd.s32 @!p0 $0x7000, s23  }
0x1b3: {  	v40 =	vld [tilespmem:$0x1FA30];
	[tilespmem:s23], [sflag:$0x1] =	stream.indirect.gather @!p0 [hbm4b:s3+s24], $0x80, s22, s24, $0xb8  }
0x1b4: {  	v58 =	vld [tilespmem:$0x1FA40];
	p0 =	por p0, !p1;
	s24 =	simm.s32 $0x0  }
0x1b5: {  	v44 =	vld [tilespmem:$0x1FA50];
	s22 =	sshrl.u32 s30, $0xA;
	_ =	swait.ge @p0 [sflag:s18], $0x2000;
	v0 =	vmov s24  }
0x1b6: {  	s22 =	sand.u32 $0x3F, s22;
	[sflag:s18] =	ssyncset.done @p0 $0x0;
	v0 =	vshll.u32 v0, $0x7  }
0x1b7: {  	v1 =	vlaneseq.u32;
	s22 =	smul.u32 $0x5, s22;
	[sflag:s18] =	ssyncadd.s32 @p0 $0xFFFFE000;
	v0 =	vor.u32 v17, v0  }
0x1b8: {  	v1 =	vor.u32 v1, v0;
	_ =	swait.ge [sflag:s19], $0x4000  }
0x1b9: {  	v49 =	vmov v45;
	s22 =	ssub.s32 s21, s22;
	v45 =	vld [tilespmem:$0x1F830]  }
0x1ba: {  	s22 =	sand.u32 $0xFF, s22  }
0x1bb: {  	[sflag:s19] =	ssyncset.done $0x0;
	s22 =	sshll.u32 s22, $0xE  }
0x1bc: {  	[sflag:s19] =	ssyncadd.s32 $0xFFFFC000;
	s23 =	sadd.s32 $0x7000, s22  }
0x1bd: {  	v17 =	vor.u32 s24, v19;
	v1 =	vld.idx.msk [tilespmem:v1+s23+$0x0], $0xffff  }
0x1be: {  	v57 =	vmov v46;
	v46 =	vld [tilespmem:$0x1F840];
	v18 =	vor.u32 v45, v0  }
0x1bf: {  	s31 =	sshll.u32 s21, $0xD;
	v54 =	vld [tilespmem:$0x1F850]  }
0x1c0: {  	s22 =	sand.u32 $0x2000, s31  }
0x1c1: {  	s22 =	sadd.s32 $0x1B000, s22  }
0x1c2: {  	[tilespmem:v17+s22+$0x0] =	vst.idx.msk $0xffff, v1  }
0x1c3: {  	v17 =	vor.u32 s24, v46;
	v1 =	vld.idx.msk [tilespmem:v18+s23+$0x0], $0xffff  }
0x1c4: {  	v55 =	vld [tilespmem:$0x1F860];
	v18 =	vor.u32 v54, v0;
	_ =	sdelay $0x3  }
0x1c5: {  	[tilespmem:v17+s22+$0x0] =	vst.idx.msk $0xffff, v1  }
0x1c6: {  	v17 =	vor.u32 s24, v55;
	v1 =	vld.idx.msk [tilespmem:v18+s23+$0x0], $0xffff  }
0x1c7: {  	v18 =	vor.u32 v51, v0;
	_ =	sdelay $0x3  }
0x1c8: {  	[tilespmem:v17+s22+$0x0] =	vst.idx.msk $0xffff, v1  }
0x1c9: {  	v17 =	vor.u32 s24, v32;
	v1 =	vld.idx.msk [tilespmem:v18+s23+$0x0], $0xffff  }
0x1ca: {  	v7 =	vld [tilespmem:$0x1F870];
	v18 =	vor.u32 v60, v0  }
0x1cb: {  	v9 =	vld [tilespmem:$0x1F880];
	_ =	sdelay $0x2  }
0x1cc: {  	[tilespmem:v17+s22+$0x0] =	vst.idx.msk $0xffff, v1  }
0x1cd: {  	v17 =	vor.u32 s24, v7;
	v1 =	vld.idx.msk [tilespmem:v18+s23+$0x0], $0xffff  }
0x1ce: {  	v8 =	vld [tilespmem:$0x1F890];
	v18 =	vor.u32 v9, v0;
	_ =	sdelay $0x3  }
0x1cf: {  	[tilespmem:v17+s22+$0x0] =	vst.idx.msk $0xffff, v1  }
0x1d0: {  	v17 =	vor.u32 s24, v8;
	v1 =	vld.idx.msk [tilespmem:v18+s23+$0x0], $0xffff  }
0x1d1: {  	v18 =	vor.u32 v36, v0;
	_ =	sdelay $0x3  }
0x1d2: {  	[tilespmem:v17+s22+$0x0] =	vst.idx.msk $0xffff, v1  }
0x1d3: {  	v17 =	vor.u32 s24, v38;
	v1 =	vld.idx.msk [tilespmem:v18+s23+$0x0], $0xffff  }
0x1d4: {  	v18 =	vor.u32 v53, v0  }
0x1d5: {  	v16 =	vld [tilespmem:$0x1F8A0];
	_ =	sdelay $0x2  }
0x1d6: {  	[tilespmem:v17+s22+$0x0] =	vst.idx.msk $0xffff, v1  }
0x1d7: {  	v17 =	vor.u32 s24, v37;
	v1 =	vld.idx.msk [tilespmem:v18+s23+$0x0], $0xffff  }
0x1d8: {  	v50 =	vld [tilespmem:$0x1F8B0];
	v18 =	vor.u32 v16, v0;
	_ =	sdelay $0x3  }
0x1d9: {  	[tilespmem:v17+s22+$0x0] =	vst.idx.msk $0xffff, v1  }
0x1da: {  	v17 =	vor.u32 s24, v50;
	v1 =	vld.idx.msk [tilespmem:v18+s23+$0x0], $0xffff  }
0x1db: {  	v18 =	vor.u32 v27, v0;
	_ =	sdelay $0x3  }
0x1dc: {  	[tilespmem:v17+s22+$0x0] =	vst.idx.msk $0xffff, v1  }
0x1dd: {  	v17 =	vor.u32 s24, v30;
	v1 =	vld.idx.msk [tilespmem:v18+s23+$0x0], $0xffff  }
0x1de: {  	v18 =	vor.u32 v28, v0;
	_ =	sdelay $0x3  }
0x1df: {  	[tilespmem:v17+s22+$0x0] =	vst.idx.msk $0xffff, v1  }
0x1e0: {  	v17 =	vor.u32 s24, v2;
	v1 =	vld.idx.msk [tilespmem:v18+s23+$0x0], $0xffff  }
0x1e1: {  	v18 =	vor.u32 v6, v0;
	_ =	sdelay $0x3  }
0x1e2: {  	[tilespmem:v17+s22+$0x0] =	vst.idx.msk $0xffff, v1  }
0x1e3: {  	v17 =	vor.u32 s24, v11;
	v1 =	vld.idx.msk [tilespmem:v18+s23+$0x0], $0xffff  }
0x1e4: {  	v18 =	vor.u32 v5, v0;
	_ =	sdelay $0x3  }
0x1e5: {  	[tilespmem:v17+s22+$0x0] =	vst.idx.msk $0xffff, v1  }
0x1e6: {  	v17 =	vor.u32 s24, v14;
	v1 =	vld.idx.msk [tilespmem:v18+s23+$0x0], $0xffff  }
0x1e7: {  	v18 =	vor.u32 v15, v0;
	_ =	sdelay $0x3  }
0x1e8: {  	[tilespmem:v17+s22+$0x0] =	vst.idx.msk $0xffff, v1  }
0x1e9: {  	v17 =	vor.u32 s24, v10;
	v1 =	vld.idx.msk [tilespmem:v18+s23+$0x0], $0xffff  }
0x1ea: {  	v18 =	vor.u32 v12, v0;
	_ =	sdelay $0x3  }
0x1eb: {  	[tilespmem:v17+s22+$0x0] =	vst.idx.msk $0xffff, v1  }
0x1ec: {  	v17 =	vor.u32 s24, v13;
	v1 =	vld.idx.msk [tilespmem:v18+s23+$0x0], $0xffff  }
0x1ed: {  	v18 =	vor.u32 v25, v0;
	_ =	sdelay $0x3  }
0x1ee: {  	[tilespmem:v17+s22+$0x0] =	vst.idx.msk $0xffff, v1  }
0x1ef: {  	v17 =	vor.u32 s24, v26;
	v1 =	vld.idx.msk [tilespmem:v18+s23+$0x0], $0xffff  }
0x1f0: {  	v18 =	vor.u32 v21, v0;
	_ =	sdelay $0x3  }
0x1f1: {  	[tilespmem:v17+s22+$0x0] =	vst.idx.msk $0xffff, v1  }
0x1f2: {  	v17 =	vor.u32 s24, v22;
	v1 =	vld.idx.msk [tilespmem:v18+s23+$0x0], $0xffff  }
0x1f3: {  	v18 =	vor.u32 v23, v0;
	_ =	sdelay $0x3  }
0x1f4: {  	[tilespmem:v17+s22+$0x0] =	vst.idx.msk $0xffff, v1  }
0x1f5: {  	v17 =	vor.u32 s24, v3;
	v1 =	vld.idx.msk [tilespmem:v18+s23+$0x0], $0xffff  }
0x1f6: {  	v34 =	vld [tilespmem:$0x1F9C0];
	v18 =	vor.u32 v24, v0  }
0x1f7: {  	v13 =	vld [tilespmem:$0x1F990]  }
0x1f8: {  	v23 =	vld [tilespmem:$0x1F9A0]  }
0x1f9: {  	v3 =	vld [tilespmem:$0x1FCF0]  }
0x1fa: {  	v24 =	vld [tilespmem:$0x1F9B0];
	[tilespmem:v17+s22+$0x0] =	vst.idx.msk $0xffff, v1  }
0x1fb: {  	v1 =	vld.idx.msk [tilespmem:v18+s23+$0x0], $0xffff  }
0x1fc: {  	v18 =	vor.u32 s24, v4;
	v4 =	vld [tilespmem:$0x1FD00]  }
0x1fd: {  	v35 =	vld [tilespmem:$0x1F9E0]  }
0x1fe: {  	v56 =	vld [tilespmem:$0x1FA10]  }
0x1ff: {  	v14 =	vmov v37;
	v37 =	vld [tilespmem:$0x1FA00]  }
0x200: {  	v12 =	vmov v36;
	v36 =	vld [tilespmem:$0x1F9F0]  }
0x201: {  	v25 =	vsel vm0, v23, v13;
	v26 =	vsel vm0, v34, v24;
	v29 =	vsel vm0, v4, v3;
	v3 =	vld [tilespmem:$0x1FCE0]  }
0x202: {  	v2 =	vcombine.low v26, v25;
	v4 =	vld [tilespmem:$0x1FD10];
	_ =	sdelay $0x1  }
0x203: {  	v6 =	vmov v19;
	v19 =	vor.u32 v2, v0;
	_ =	sdelay $0x1  }
0x204: {  	v59 =	vmov v63;
	v63 =	vmov v30  }
0x205: {  	v28 =	vsel vm0, v56, v37;
	v52 =	vsel vm0, v36, v35;
	[tilespmem:$0x1F600] =	vst v2;
	v30 =	vsel vm0, v3, v4;
	v3 =	vld [tilespmem:$0x1FD30]  }
0x206: {  	v2 =	vcombine.low v28, v52;
	[tilespmem:v18+s22+$0x0] =	vst.idx.msk $0xffff, v1;
	v4 =	vld [tilespmem:$0x1FD40]  }
0x207: {  	v11 =	vor.u32 s24, v20;
	v1 =	vld.idx.msk [tilespmem:v19+s23+$0x0], $0xffff  }
0x208: {  	v17 =	vor.u32 v2, v0;
	_ =	sdelay $0x2  }
0x209: {  	[tilespmem:$0x1F610] =	vst v2;
	v31 =	vsel vm0, v4, v3;
	v3 =	vld [tilespmem:$0x1FD20]  }
0x20a: {  	v2 =	vcombine.low v30, v29;
	[tilespmem:v11+s22+$0x0] =	vst.idx.msk $0xffff, v1;
	v4 =	vld [tilespmem:$0x1FD50]  }
0x20b: {  	v11 =	vor.u32 s24, v42;
	v1 =	vld.idx.msk [tilespmem:v17+s23+$0x0], $0xffff  }
0x20c: {  	v21 =	vor.u32 v2, v0;
	_ =	sdelay $0x2  }
0x20d: {  	v41 =	vmov v32;
	[tilespmem:$0x1F620] =	vst v2;
	v32 =	vsel vm0, v3, v4  }
0x20e: {  	[tilespmem:v11+s22+$0x0] =	vst.idx.msk $0xffff, v1;
	v2 =	vcombine.low v32, v31  }
0x20f: {  	v1 =	vld.idx.msk [tilespmem:v21+s23+$0x0], $0xffff;
	v21 =	vor.u32 s24, v43  }
0x210: {  	v22 =	vor.u32 v2, v0;
	_ =	sdelay $0x2  }
0x211: {  	v61 =	vmov v33;
	v33 =	vsel vm0, v24, v23;
	v34 =	vsel vm0, v13, v34;
	[tilespmem:$0x1F630] =	vst v2  }
0x212: {  	v2 =	vcombine.low v34, v33;
	[tilespmem:v21+s22+$0x0] =	vst.idx.msk $0xffff, v1  }
0x213: {  	v1 =	vld.idx.msk [tilespmem:v22+s23+$0x0], $0xffff;
	v22 =	vor.u32 s24, v39  }
0x214: {  	v23 =	vor.u32 v2, v0;
	_ =	sdelay $0x3  }
0x215: {  	[tilespmem:v22+s22+$0x0] =	vst.idx.msk $0xffff, v1  }
0x216: {  	v1 =	vld.idx.msk [tilespmem:v23+s23+$0x0], $0xffff;
	v23 =	vor.u32 s24, v40  }
0x217: {  	v35 =	vsel vm0, v35, v56;
	v24 =	vsel vm0, v37, v36  }
0x218: {  	[tilespmem:$0x1F640] =	vst v2;
	v2 =	vcombine.low v35, v24;
	_ =	sdelay $0x1  }
0x219: {  	[tilespmem:$0x1F650] =	vst v2;
	v24 =	vor.u32 v2, v0;
	v2 =	vld [tilespmem:$0x1FD70]  }
0x21a: {  	[tilespmem:v23+s22+$0x0] =	vst.idx.msk $0xffff, v1;
	v1 =	vld [tilespmem:$0x1FD60];
	_ =	sdelay $0x4  }
0x21b: {  	v2 =	vcombine.low v1, v2;
	v1 =	vld.idx.msk [tilespmem:v24+s23+$0x0], $0xffff;
	v24 =	vor.u32 s24, v58;
	_ =	sdelay $0x3  }
0x21c: {  	[tilespmem:$0x1F660] =	vst v2;
	v39 =	vor.u32 v2, v0;
	v2 =	vld [tilespmem:$0x1FD90]  }
0x21d: {  	[tilespmem:v24+s22+$0x0] =	vst.idx.msk $0xffff, v1;
	v1 =	vld [tilespmem:$0x1FD80];
	_ =	sdelay $0x4  }
0x21e: {  	v2 =	vcombine.low v1, v2  }
0x21f: {  	v44 =	vor.u32 s24, v44;
	v1 =	vld.idx.msk [tilespmem:v39+s23+$0x0], $0xffff  }
0x220: {  	v3 =	vld [tilespmem:$0x1FA60];
	v56 =	vor.u32 v2, v0;
	_ =	sdelay $0x2  }
0x221: {  	[tilespmem:$0x1F670] =	vst v2  }
0x222: {  	v2 =	vcombine.low v25, v26;
	[tilespmem:v44+s22+$0x0] =	vst.idx.msk $0xffff, v1  }
0x223: {  	v26 =	vor.u32 s24, v3;
	v1 =	vld.idx.msk [tilespmem:v56+s23+$0x0], $0xffff  }
0x224: {  	v10 =	vmov v53;
	v53 =	vmov v38;
	[tilespmem:$0x1F680] =	vst v2;
	v38 =	vor.u32 v2, v0;
	v2 =	vld [tilespmem:$0x1FA70];
	_ =	sdelay $0x3  }
0x225: {  	v3 =	vcombine.low v52, v28;
	[tilespmem:v26+s22+$0x0] =	vst.idx.msk $0xffff, v1  }
0x226: {  	v2 =	vor.u32 s24, v2;
	v1 =	vld.idx.msk [tilespmem:v38+s23+$0x0], $0xffff  }
0x227: {  	[tilespmem:$0x1F690] =	vst v3;
	v28 =	vor.u32 v3, v0;
	v3 =	vld [tilespmem:$0x1FA80];
	_ =	sdelay $0x3  }
0x228: {  	[tilespmem:v2+s22+$0x0] =	vst.idx.msk $0xffff, v1;
	v2 =	vcombine.low v29, v30  }
0x229: {  	v1 =	vld.idx.msk [tilespmem:v28+s23+$0x0], $0xffff;
	v28 =	vor.u32 s24, v3  }
0x22a: {  	v3 =	vld [tilespmem:$0x1FA90];
	v29 =	vor.u32 v2, v0;
	_ =	sdelay $0x2  }
0x22b: {  	[tilespmem:$0x1F6A0] =	vst v2  }
0x22c: {  	v2 =	vcombine.low v31, v32;
	[tilespmem:v28+s22+$0x0] =	vst.idx.msk $0xffff, v1  }
0x22d: {  	v1 =	vld.idx.msk [tilespmem:v29+s23+$0x0], $0xffff;
	v29 =	vor.u32 s24, v3  }
0x22e: {  	v30 =	vor.u32 v2, v0;
	v3 =	vld [tilespmem:$0x1FAA0];
	_ =	sdelay $0x2  }
0x22f: {  	[tilespmem:$0x1F6B0] =	vst v2  }
0x230: {  	v2 =	vcombine.low v33, v34;
	[tilespmem:v29+s22+$0x0] =	vst.idx.msk $0xffff, v1  }
0x231: {  	v1 =	vld.idx.msk [tilespmem:v30+s23+$0x0], $0xffff;
	v30 =	vor.u32 s24, v3  }
0x232: {  	[tilespmem:$0x1F6C0] =	vst v2;
	v31 =	vor.u32 v2, v0;
	v2 =	vld [tilespmem:$0x1FAB0]  }
0x233: {  	v27 =	vld [tilespmem:$0x1FAD0]  }
0x234: {  	v13 =	vld [tilespmem:$0x1FAF0]  }
0x235: {  	v11 =	vld [tilespmem:$0x1FAE0]  }
0x236: {  	v21 =	vlaneseq.u32;
	v3 =	vld [tilespmem:$0x1FAC0];
	[tilespmem:v30+s22+$0x0] =	vst.idx.msk $0xffff, v1  }
0x237: {  	v30 =	vor.u32 s24, v2;
	v2 =	vor.u32 $0x20, v21;
	v1 =	vld.idx.msk [tilespmem:v31+s23+$0x0], $0xffff  }
0x238: {  	v31 =	vor.u32 v2, v0  }
0x239: {  	v20 =	vld [tilespmem:$0x1FB40]  }
0x23a: {  	v18 =	vld [tilespmem:$0x1FB30]  }
0x23b: {  	v17 =	vld [tilespmem:$0x1FB20];
	v33 =	vsel vm0, v13, v11;
	v32 =	vsel vm0, v27, v3;
	[tilespmem:$0x1F6D0] =	vst v2  }
0x23c: {  	v25 =	vld [tilespmem:$0x1FB50];
	v2 =	vor.u32 $0x1000, v6;
	v4 =	vcombine.low v33, v32;
	[tilespmem:v30+s22+$0x0] =	vst.idx.msk $0xffff, v1  }
0x23d: {  	v30 =	vor.u32 s24, v2;
	v1 =	vld.idx.msk [tilespmem:v31+s23+$0x0], $0xffff  }
0x23e: {  	v31 =	vor.u32 v4, v0  }
0x23f: {  	v39 =	vld [tilespmem:$0x1FB80]  }
0x240: {  	v52 =	vld [tilespmem:$0x1FB90]  }
0x241: {  	v35 =	vsel vm0, v18, v17;
	v36 =	vsel vm0, v25, v20;
	v34 =	vld [tilespmem:$0x1FB70];
	[tilespmem:$0x1F6E0] =	vst v2  }
0x242: {  	v29 =	vld [tilespmem:$0x1FB60];
	v2 =	vcombine.low v36, v35;
	[tilespmem:v30+s22+$0x0] =	vst.idx.msk $0xffff, v1  }
0x243: {  	v30 =	vor.u32 s24, v49;
	v1 =	vld.idx.msk [tilespmem:v31+s23+$0x0], $0xffff  }
0x244: {  	v31 =	vor.u32 v2, v0;
	_ =	sdelay $0x1  }
0x245: {  	v24 =	vmov v51;
	v51 =	vld [tilespmem:$0x1FBA0]  }
0x246: {  	v56 =	vld [tilespmem:$0x1FBC0];
	v38 =	vsel vm0, v52, v39;
	v37 =	vsel vm0, v34, v29;
	[tilespmem:$0x1F700] =	vst v2  }
0x247: {  	v26 =	vld [tilespmem:$0x1FBB0];
	v2 =	vcombine.low v38, v37;
	[tilespmem:v30+s22+$0x0] =	vst.idx.msk $0xffff, v1  }
0x248: {  	v1 =	vld.idx.msk [tilespmem:v31+s23+$0x0], $0xffff  }
0x249: {  	[tilespmem:$0x1F710] =	vst v2;
	v31 =	vor.u32 v2, v0;
	v2 =	vld [tilespmem:$0x1FBD0]  }
0x24a: {  	v30 =	vor.u32 s24, v57;
	_ =	sdelay $0x3  }
0x24b: {  	v22 =	vmov v40;
	v40 =	vsel vm0, v26, v51;
	[tilespmem:$0x1F6F0] =	vst v4;
	v28 =	vsel vm0, v2, v56  }
0x24c: {  	[tilespmem:v30+s22+$0x0] =	vst.idx.msk $0xffff, v1;
	v4 =	vcombine.low v28, v40  }
0x24d: {  	v30 =	vor.u32 s24, v47;
	v1 =	vld.idx.msk [tilespmem:v31+s23+$0x0], $0xffff  }
0x24e: {  	v31 =	vor.u32 v4, v0;
	_ =	sdelay $0x2  }
0x24f: {  	v11 =	vsel vm0, v11, v27;
	v3 =	vsel vm0, v3, v13;
	[tilespmem:$0x1F720] =	vst v4  }
0x250: {  	v4 =	vcombine.low v3, v11;
	[tilespmem:v30+s22+$0x0] =	vst.idx.msk $0xffff, v1  }
0x251: {  	v30 =	vor.u32 s24, v48;
	v1 =	vld.idx.msk [tilespmem:v31+s23+$0x0], $0xffff  }
0x252: {  	v31 =	vor.u32 v4, v0;
	_ =	sdelay $0x2  }
0x253: {  	v18 =	vsel vm0, v20, v18;
	v13 =	vsel vm0, v17, v25;
	[tilespmem:$0x1F730] =	vst v4  }
0x254: {  	v4 =	vcombine.low v13, v18;
	[tilespmem:v30+s22+$0x0] =	vst.idx.msk $0xffff, v1  }
0x255: {  	v30 =	vor.u32 s24, v59;
	v1 =	vld.idx.msk [tilespmem:v31+s23+$0x0], $0xffff  }
0x256: {  	v31 =	vor.u32 v4, v0;
	_ =	sdelay $0x2  }
0x257: {  	v47 =	vsel vm0, v39, v34;
	v39 =	vsel vm0, v29, v52;
	[tilespmem:$0x1F740] =	vst v4  }
0x258: {  	v4 =	vcombine.low v39, v47;
	[tilespmem:v30+s22+$0x0] =	vst.idx.msk $0xffff, v1  }
0x259: {  	v30 =	vor.u32 s24, v61;
	v1 =	vld.idx.msk [tilespmem:v31+s23+$0x0], $0xffff  }
0x25a: {  	v19 =	vmov v54;
	v54 =	vmov v7;
	v7 =	vor.u32 v4, v0;
	_ =	sdelay $0x2  }
0x25b: {  	v5 =	vsel vm0, v56, v26;
	v51 =	vsel vm0, v51, v2  }
0x25c: {  	v2 =	vcombine.low v51, v5;
	[tilespmem:v30+s22+$0x0] =	vst.idx.msk $0xffff, v1  }
0x25d: {  	v30 =	vor.u32 s24, v62;
	v1 =	vld.idx.msk [tilespmem:v7+s23+$0x0], $0xffff  }
0x25e: {  	[tilespmem:$0x1F760] =	vst v2;
	v2 =	vor.u32 v2, v0;
	_ =	sdelay $0x3  }
0x25f: {  	[tilespmem:v30+s22+$0x0] =	vst.idx.msk $0xffff, v1  }
0x260: {  	v1 =	vld.idx.msk [tilespmem:v2+s23+$0x0], $0xffff  }
0x261: {  	v2 =	vld [tilespmem:$0x1FF80];
	_ =	sdelay $0x3  }
0x262: {  	[tilespmem:$0x1F750] =	vst v4;
	v4 =	vcombine.low v32, v33  }
0x263: {  	v30 =	vor.u32 s24, v2  }
0x264: {  	v2 =	vor.u32 v4, v0;
	_ =	sdelay $0x3  }
0x265: {  	[tilespmem:v30+s22+$0x0] =	vst.idx.msk $0xffff, v1  }
0x266: {  	v1 =	vld.idx.msk [tilespmem:v2+s23+$0x0], $0xffff  }
0x267: {  	v2 =	vld [tilespmem:$0x1FF30];
	_ =	sdelay $0x3  }
0x268: {  	[tilespmem:$0x1F770] =	vst v4;
	v4 =	vcombine.low v35, v36  }
0x269: {  	v30 =	vor.u32 s24, v2  }
0x26a: {  	v2 =	vor.u32 v4, v0;
	_ =	sdelay $0x3  }
0x26b: {  	[tilespmem:v30+s22+$0x0] =	vst.idx.msk $0xffff, v1  }
0x26c: {  	v1 =	vld.idx.msk [tilespmem:v2+s23+$0x0], $0xffff  }
0x26d: {  	v2 =	vld [tilespmem:$0x1FF20];
	_ =	sdelay $0x3  }
0x26e: {  	[tilespmem:$0x1F780] =	vst v4;
	v4 =	vcombine.low v37, v38  }
0x26f: {  	v30 =	vor.u32 s24, v2  }
0x270: {  	v2 =	vor.u32 v4, v0;
	_ =	sdelay $0x3  }
0x271: {  	[tilespmem:v30+s22+$0x0] =	vst.idx.msk $0xffff, v1  }
0x272: {  	v1 =	vld.idx.msk [tilespmem:v2+s23+$0x0], $0xffff  }
0x273: {  	v2 =	vld [tilespmem:$0x1FDA0];
	_ =	sdelay $0x3  }
0x274: {  	[tilespmem:$0x1F790] =	vst v4;
	v4 =	vcombine.low v40, v28  }
0x275: {  	v30 =	vor.u32 s24, v2  }
0x276: {  	v2 =	vor.u32 v4, v0;
	_ =	sdelay $0x3  }
0x277: {  	[tilespmem:v30+s22+$0x0] =	vst.idx.msk $0xffff, v1  }
0x278: {  	v1 =	vld.idx.msk [tilespmem:v2+s23+$0x0], $0xffff  }
0x279: {  	v2 =	vld [tilespmem:$0x1FDB0];
	_ =	sdelay $0x3  }
0x27a: {  	v3 =	vcombine.low v11, v3  }
0x27b: {  	v30 =	vor.u32 s24, v2  }
0x27c: {  	v2 =	vor.u32 v3, v0;
	_ =	sdelay $0x3  }
0x27d: {  	[tilespmem:v30+s22+$0x0] =	vst.idx.msk $0xffff, v1  }
0x27e: {  	v1 =	vld.idx.msk [tilespmem:v2+s23+$0x0], $0xffff  }
0x27f: {  	v2 =	vld [tilespmem:$0x1FDC0];
	_ =	sdelay $0x3  }
0x280: {  	[tilespmem:$0x1F7B0] =	vst v3;
	v3 =	vcombine.low v18, v13  }
0x281: {  	v30 =	vor.u32 s24, v2  }
0x282: {  	v2 =	vor.u32 v3, v0;
	_ =	sdelay $0x3  }
0x283: {  	[tilespmem:v30+s22+$0x0] =	vst.idx.msk $0xffff, v1  }
0x284: {  	v1 =	vld.idx.msk [tilespmem:v2+s23+$0x0], $0xffff  }
0x285: {  	v2 =	vld [tilespmem:$0x1FDD0];
	_ =	sdelay $0x3  }
0x286: {  	[tilespmem:$0x1F7C0] =	vst v3;
	v3 =	vcombine.low v47, v39  }
0x287: {  	v30 =	vor.u32 s24, v2  }
0x288: {  	v2 =	vor.u32 v3, v0;
	_ =	sdelay $0x3  }
0x289: {  	[tilespmem:v30+s22+$0x0] =	vst.idx.msk $0xffff, v1  }
0x28a: {  	v1 =	vld.idx.msk [tilespmem:v2+s23+$0x0], $0xffff  }
0x28b: {  	v2 =	vld [tilespmem:$0x1FDE0];
	_ =	sdelay $0x2  }
0x28c: {  	v49 =	vmov v10;
	v10 =	vld [tilespmem:$0x1FC00]  }
0x28d: {  	v52 =	vmov v8;
	v8 =	vld [tilespmem:$0x1FC10]  }
0x28e: {  	[tilespmem:$0x1F7D0] =	vst v3;
	v3 =	vld [tilespmem:$0x1FBF0];
	v30 =	vor.u32 s24, v2;
	v2 =	vor.u32 $0x30, v21  }
0x28f: {  	[tilespmem:$0x1F7E0] =	vst v2;
	v5 =	vor.u32 v2, v0;
	v2 =	vld [tilespmem:$0x1FBE0];
	_ =	sdelay $0x1  }
0x290: {  	v44 =	vmov v55;
	v55 =	vmov v9;
	v9 =	vld [tilespmem:$0x1FC50]  }
0x291: {  	v17 =	vld [tilespmem:$0x1FC30]  }
0x292: {  	v13 =	vld [tilespmem:$0x1FC20];
	[tilespmem:v30+s22+$0x0] =	vst.idx.msk $0xffff, v1  }
0x293: {  	v33 =	vmovc v14;
	v14 =	vsel vm0, v8, v10;
	v31 =	vmov v12;
	v12 =	vsel vm0, v3, v2;
	v1 =	vld.idx.msk [tilespmem:v5+s23+$0x0], $0xffff  }
0x294: {  	v20 =	vmovc v50;
	v50 =	vmov v6;
	[tilespmem:$0x1F7A0] =	vst v4;
	v4 =	vor.u32 $0x1800, v6;
	v5 =	vld [tilespmem:$0x1FC40];
	v6 =	vcombine.low v14, v12  }
0x295: {  	v30 =	vor.u32 s24, v4  }
0x296: {  	[tilespmem:$0x1F800] =	vst v6;
	v61 =	vor.u32 v6, v0;
	v6 =	vld [tilespmem:$0x1FDF0];
	_ =	sdelay $0x1  }
0x297: {  	v25 =	vld [tilespmem:$0x1FC60]  }
0x298: {  	v29 =	vld [tilespmem:$0x1FC70];
	v35 =	vmov v16;
	[tilespmem:$0x1F7F0] =	vst v4;
	v15 =	vsel vm0, v17, v13;
	v16 =	vsel vm0, v9, v5  }
0x299: {  	v34 =	vld [tilespmem:$0x1FC80];
	[tilespmem:v30+s22+$0x0] =	vst.idx.msk $0xffff, v1;
	v4 =	vcombine.low v16, v15  }
0x29a: {  	v1 =	vld.idx.msk [tilespmem:v61+s23+$0x0], $0xffff;
	v30 =	vor.u32 s24, v6  }
0x29b: {  	v47 =	vld [tilespmem:$0x1FC90];
	v62 =	vor.u32 v4, v0  }
0x29c: {  	v48 =	vld [tilespmem:$0x1FCB0]  }
0x29d: {  	v6 =	vld [tilespmem:$0x1FE00]  }
0x29e: {  	v7 =	vld [tilespmem:$0x1FCA0]  }
0x29f: {  	v61 =	vld [tilespmem:$0x1FCC0];
	[tilespmem:v30+s22+$0x0] =	vst.idx.msk $0xffff, v1  }
0x2a0: {  	v26 =	vsel vm0, v29, v25;
	v28 =	vsel vm0, v47, v34;
	v1 =	vld.idx.msk [tilespmem:v62+s23+$0x0], $0xffff  }
0x2a1: {  	[tilespmem:$0x1F810] =	vst v4;
	v4 =	vcombine.low v28, v26;
	v62 =	vld [tilespmem:$0x1FCD0]  }
0x2a2: {  	v30 =	vor.u32 s24, v6  }
0x2a3: {  	[tilespmem:$0x1F820] =	vst v4;
	v4 =	vor.u32 v4, v0;
	v6 =	vld [tilespmem:$0x1FE10];
	_ =	sdelay $0x2  }
0x2a4: {  	v40 =	vsel vm0, v48, v7;
	v57 =	vsel vm0, v62, v61  }
0x2a5: {  	[tilespmem:v30+s22+$0x0] =	vst.idx.msk $0xffff, v1;
	v11 =	vcombine.low v57, v40  }
0x2a6: {  	v30 =	vor.u32 s24, v6;
	v1 =	vld.idx.msk [tilespmem:v4+s23+$0x0], $0xffff  }
0x2a7: {  	v8 =	vsel vm0, v2, v8;
	v2 =	vld [tilespmem:$0x1FE20];
	v32 =	vmov v6;
	v6 =	vor.u32 v11, v0;
	_ =	sdelay $0x2  }
0x2a8: {  	v4 =	vsel vm0, v10, v3  }
0x2a9: {  	v3 =	vcombine.low v8, v4;
	[tilespmem:v30+s22+$0x0] =	vst.idx.msk $0xffff, v1  }
0x2aa: {  	v30 =	vor.u32 s24, v2;
	v1 =	vld.idx.msk [tilespmem:v6+s23+$0x0], $0xffff  }
0x2ab: {  	v51 =	vmov v2;
	v2 =	vor.u32 v3, v0;
	_ =	sdelay $0x3  }
0x2ac: {  	[tilespmem:v30+s22+$0x0] =	vst.idx.msk $0xffff, v1  }
0x2ad: {  	v1 =	vld.idx.msk [tilespmem:v2+s23+$0x0], $0xffff  }
0x2ae: {  	v2 =	vld [tilespmem:$0x1FE30];
	_ =	sdelay $0x4  }
0x2af: {  	v30 =	vor.u32 s24, v2;
	_ =	sdelay $0x1  }
0x2b0: {  	v5 =	vsel vm0, v5, v17;
	v9 =	vsel vm0, v13, v9  }
0x2b1: {  	v23 =	vmov v58;
	v58 =	vmov v3;
	v3 =	vcombine.low v9, v5;
	_ =	sdelay $0x1  }
0x2b2: {  	v21 =	vmov v11;
	v11 =	vmov v2;
	v2 =	vor.u32 v3, v0;
	[tilespmem:v30+s22+$0x0] =	vst.idx.msk $0xffff, v1;
	v1 =	vld [tilespmem:$0x1FE40];
	_ =	sdelay $0x2  }
0x2b3: {  	v10 =	vsel vm0, v25, v47;
	v6 =	vsel vm0, v34, v29  }
0x2b4: {  	v36 =	vmov v3;
	v3 =	vcombine.low v10, v6  }
0x2b5: {  	v39 =	vld.idx.msk [tilespmem:v2+s23+$0x0], $0xffff;
	v2 =	vsel vm0, v61, v48;
	v18 =	vmovc v1;
	v30 =	vor.u32 s24, v1;
	v1 =	vsel vm0, v7, v62  }
0x2b6: {  	v59 =	vmov v3;
	v3 =	vor.u32 v3, v0;
	v38 =	vcombine.low v1, v2;
	v2 =	vld [tilespmem:$0x1FE50];
	_ =	sdelay $0x3  }
0x2b7: {  	[tilespmem:v30+s22+$0x0] =	vst.idx.msk $0xffff, v39  }
0x2b8: {  	v1 =	vld.idx.msk [tilespmem:v3+s23+$0x0], $0xffff;
	v30 =	vor.u32 s24, v2  }
0x2b9: {  	v62 =	vor.u32 v38, v0;
	v34 =	vmov v2;
	v2 =	vld [tilespmem:$0x1FE60];
	_ =	sdelay $0x3  }
0x2ba: {  	v37 =	vcombine.low v12, v14;
	[tilespmem:v30+s22+$0x0] =	vst.idx.msk $0xffff, v1  }
0x2bb: {  	v30 =	vor.u32 s24, v2;
	v1 =	vld.idx.msk [tilespmem:v62+s23+$0x0], $0xffff  }
0x2bc: {  	v39 =	vor.u32 v37, v0;
	v29 =	vmov v2;
	v2 =	vld [tilespmem:$0x1FE70];
	_ =	sdelay $0x3  }
0x2bd: {  	v47 =	vcombine.low v15, v16;
	[tilespmem:v30+s22+$0x0] =	vst.idx.msk $0xffff, v1  }
0x2be: {  	v30 =	vor.u32 s24, v2;
	v1 =	vld.idx.msk [tilespmem:v39+s23+$0x0], $0xffff  }
0x2bf: {  	v56 =	vor.u32 v47, v0;
	v39 =	vmov v2;
	v2 =	vld [tilespmem:$0x1FE80];
	_ =	sdelay $0x3  }
0x2c0: {  	v48 =	vcombine.low v26, v28;
	[tilespmem:v30+s22+$0x0] =	vst.idx.msk $0xffff, v1  }
0x2c1: {  	v30 =	vor.u32 s24, v2;
	v1 =	vld.idx.msk [tilespmem:v56+s23+$0x0], $0xffff  }
0x2c2: {  	v62 =	vor.u32 v48, v0;
	v56 =	vmov v2;
	v2 =	vld [tilespmem:$0x1FF10];
	_ =	sdelay $0x3  }
0x2c3: {  	v61 =	vcombine.low v40, v57;
	[tilespmem:v30+s22+$0x0] =	vst.idx.msk $0xffff, v1  }
0x2c4: {  	v30 =	vor.u32 s24, v2;
	v1 =	vld.idx.msk [tilespmem:v62+s23+$0x0], $0xffff  }
0x2c5: {  	v13 =	vmov v2;
	v2 =	vor.u32 v61, v0;
	_ =	sdelay $0x3  }
0x2c6: {  	[tilespmem:v30+s22+$0x0] =	vst.idx.msk $0xffff, v1  }
0x2c7: {  	v1 =	vld.idx.msk [tilespmem:v2+s23+$0x0], $0xffff  }
0x2c8: {  	v2 =	vld [tilespmem:$0x1FE90];
	_ =	sdelay $0x4  }
0x2c9: {  	v30 =	vor.u32 s24, v2;
	_ =	sdelay $0x2  }
0x2ca: {  	v62 =	vcombine.low v4, v8;
	_ =	sdelay $0x1  }
0x2cb: {  	v4 =	vmov v2;
	v2 =	vor.u32 v62, v0;
	[tilespmem:v30+s22+$0x0] =	vst.idx.msk $0xffff, v1;
	v1 =	vld [tilespmem:$0x1FEA0];
	_ =	sdelay $0x3  }
0x2cc: {  	v40 =	vcombine.low v5, v9  }
0x2cd: {  	v2 =	vld.idx.msk [tilespmem:v2+s23+$0x0], $0xffff;
	v30 =	vor.u32 s24, v1  }
0x2ce: {  	v57 =	vmov v1;
	v1 =	vor.u32 v40, v0  }
0x2cf: {  	v27 =	vld [tilespmem:$0x1FB10]  }
0x2d0: {  	v12 =	vld [tilespmem:$0x1F8E0]  }
0x2d1: {  	v14 =	vld [tilespmem:$0x1F900]  }
0x2d2: {  	v17 =	vld [tilespmem:$0x1F960];
	[tilespmem:v30+s22+$0x0] =	vst.idx.msk $0xffff, v2  }
0x2d3: {  	v2 =	vld.idx.msk [tilespmem:v1+s23+$0x0], $0xffff  }
0x2d4: {  	v1 =	vld [tilespmem:$0x1FEB0]  }
0x2d5: {  	v15 =	vld [tilespmem:$0x1F910]  }
0x2d6: {  	v16 =	vld [tilespmem:$0x1F920]  }
0x2d7: {  	v28 =	vld [tilespmem:$0x1FFF0]  }
0x2d8: {  	v5 =	vld [tilespmem:$0x1F8C0]  }
0x2d9: {  	v9 =	vld [tilespmem:$0x1F940];
	v25 =	vmov v1;
	v1 =	vor.u32 s24, v1  }
0x2da: {  	v26 =	vld [tilespmem:$0x1FEC0]  }
0x2db: {  	v7 =	vld [tilespmem:$0x1F8F0]  }
0x2dc: {  	v8 =	vld [tilespmem:$0x1F930];
	v30 =	vcombine.low v6, v10  }
0x2dd: {  	s26 =	simm.s32 $0x10;
	v6 =	vld [tilespmem:$0x1F8D0]  }
0x2de: {  	s28 =	simm.s32 $0x20;
	s25 =	sshll.u32 s21, $0xF;
	v10 =	vld [tilespmem:$0x1F950];
	v0 =	vor.u32 v30, v0;
	[tilespmem:v1+s22+$0x0] =	vst.idx.msk $0xffff, v2;
	v1 =	vmov s26  }
.LBB2_3:
0x2df: {  	_ =	sdelay $0x3  }
0x2e0: {  	v2 =	vld.idx.msk [tilespmem:v0+s23+$0x0], $0xffff  }
0x2e1: {  	v0 =	vld [tilespmem:$0x1FED0];
	_ =	sdelay $0x3  }
0x2e2: {  	v1 =	vshll.u32 v1, $0x7  }
0x2e3: {  	v3 =	vlaneseq.u32;
	v0 =	vor.u32 v0, v1;
	v1 =	vor.u32 s24, v26  }
0x2e4: {  	v3 =	vor.u32 v3, v0;
	_ =	sdelay $0x3  }
0x2e5: {  	s24 =	smov.u32 s26;
	[tilespmem:v1+s22+$0x0] =	vst.idx.msk $0xffff, v2  }
0x2e6: {  	v2 =	vor.u32 s24, v50;
	v1 =	vld.idx.msk [tilespmem:v3+s23+$0x0], $0xffff  }
0x2e7: {  	v3 =	vor.u32 v45, v0;
	_ =	sdelay $0x3  }
0x2e8: {  	[tilespmem:v2+s22+$0x0] =	vst.idx.msk $0xffff, v1  }
0x2e9: {  	v2 =	vor.u32 s24, v46;
	v1 =	vld.idx.msk [tilespmem:v3+s23+$0x0], $0xffff  }
0x2ea: {  	v3 =	vor.u32 v19, v0;
	_ =	sdelay $0x3  }
0x2eb: {  	[tilespmem:v2+s22+$0x0] =	vst.idx.msk $0xffff, v1  }
0x2ec: {  	v2 =	vor.u32 s24, v44;
	v1 =	vld.idx.msk [tilespmem:v3+s23+$0x0], $0xffff  }
0x2ed: {  	v3 =	vor.u32 v24, v0;
	_ =	sdelay $0x3  }
0x2ee: {  	[tilespmem:v2+s22+$0x0] =	vst.idx.msk $0xffff, v1  }
0x2ef: {  	v2 =	vor.u32 s24, v41;
	v1 =	vld.idx.msk [tilespmem:v3+s23+$0x0], $0xffff  }
0x2f0: {  	v3 =	vor.u32 v60, v0;
	_ =	sdelay $0x3  }
0x2f1: {  	[tilespmem:v2+s22+$0x0] =	vst.idx.msk $0xffff, v1  }
0x2f2: {  	v2 =	vor.u32 s24, v54;
	v1 =	vld.idx.msk [tilespmem:v3+s23+$0x0], $0xffff  }
0x2f3: {  	v3 =	vor.u32 v55, v0;
	_ =	sdelay $0x3  }
0x2f4: {  	[tilespmem:v2+s22+$0x0] =	vst.idx.msk $0xffff, v1  }
0x2f5: {  	v2 =	vor.u32 s24, v52;
	v1 =	vld.idx.msk [tilespmem:v3+s23+$0x0], $0xffff  }
0x2f6: {  	v3 =	vor.u32 v31, v0;
	_ =	sdelay $0x3  }
0x2f7: {  	[tilespmem:v2+s22+$0x0] =	vst.idx.msk $0xffff, v1  }
0x2f8: {  	v2 =	vor.u32 s24, v53;
	v1 =	vld.idx.msk [tilespmem:v3+s23+$0x0], $0xffff  }
0x2f9: {  	v3 =	vor.u32 v49, v0;
	_ =	sdelay $0x3  }
0x2fa: {  	[tilespmem:v2+s22+$0x0] =	vst.idx.msk $0xffff, v1  }
0x2fb: {  	v2 =	vor.u32 s24, v33;
	v1 =	vld.idx.msk [tilespmem:v3+s23+$0x0], $0xffff  }
0x2fc: {  	v3 =	vor.u32 v35, v0;
	_ =	sdelay $0x3  }
0x2fd: {  	[tilespmem:v2+s22+$0x0] =	vst.idx.msk $0xffff, v1  }
0x2fe: {  	v2 =	vor.u32 s24, v20;
	v1 =	vld.idx.msk [tilespmem:v3+s23+$0x0], $0xffff  }
0x2ff: {  	v3 =	vor.u32 v27, v0;
	_ =	sdelay $0x3  }
0x300: {  	[tilespmem:v2+s22+$0x0] =	vst.idx.msk $0xffff, v1  }
0x301: {  	v2 =	vor.u32 s24, v63;
	v1 =	vld.idx.msk [tilespmem:v3+s23+$0x0], $0xffff  }
0x302: {  	v3 =	vor.u32 v28, v0;
	_ =	sdelay $0x3  }
0x303: {  	[tilespmem:v2+s22+$0x0] =	vst.idx.msk $0xffff, v1  }
0x304: {  	v2 =	vor.u32 s24, v5;
	v1 =	vld.idx.msk [tilespmem:v3+s23+$0x0], $0xffff  }
0x305: {  	v3 =	vor.u32 v6, v0;
	_ =	sdelay $0x3  }
0x306: {  	[tilespmem:v2+s22+$0x0] =	vst.idx.msk $0xffff, v1  }
0x307: {  	v2 =	vor.u32 s24, v12;
	v1 =	vld.idx.msk [tilespmem:v3+s23+$0x0], $0xffff  }
0x308: {  	v3 =	vor.u32 v7, v0;
	_ =	sdelay $0x3  }
0x309: {  	[tilespmem:v2+s22+$0x0] =	vst.idx.msk $0xffff, v1  }
0x30a: {  	v2 =	vor.u32 s24, v14;
	v1 =	vld.idx.msk [tilespmem:v3+s23+$0x0], $0xffff  }
0x30b: {  	v3 =	vor.u32 v15, v0;
	_ =	sdelay $0x3  }
0x30c: {  	[tilespmem:v2+s22+$0x0] =	vst.idx.msk $0xffff, v1  }
0x30d: {  	v2 =	vor.u32 s24, v16;
	v1 =	vld.idx.msk [tilespmem:v3+s23+$0x0], $0xffff  }
0x30e: {  	v3 =	vor.u32 v8, v0;
	_ =	sdelay $0x3  }
0x30f: {  	[tilespmem:v2+s22+$0x0] =	vst.idx.msk $0xffff, v1  }
0x310: {  	v2 =	vor.u32 s24, v9;
	v1 =	vld.idx.msk [tilespmem:v3+s23+$0x0], $0xffff  }
0x311: {  	v3 =	vor.u32 v10, v0;
	_ =	sdelay $0x3  }
0x312: {  	[tilespmem:v2+s22+$0x0] =	vst.idx.msk $0xffff, v1  }
0x313: {  	v1 =	vld.idx.msk [tilespmem:v3+s23+$0x0], $0xffff  }
0x314: {  	v3 =	vld [tilespmem:$0x1FEE0];
	_ =	sdelay $0x3  }
0x315: {  	v2 =	vor.u32 s24, v17  }
0x316: {  	v3 =	vor.u32 v3, v0;
	_ =	sdelay $0x3  }
0x317: {  	[tilespmem:v2+s22+$0x0] =	vst.idx.msk $0xffff, v1;
	v2 =	vld [tilespmem:$0x1FF50]  }
0x318: {  	v1 =	vld.idx.msk [tilespmem:v3+s23+$0x0], $0xffff  }
0x319: {  	v3 =	vld [tilespmem:$0x1FF00];
	_ =	sdelay $0x3  }
0x31a: {  	v2 =	vor.u32 s24, v2  }
0x31b: {  	v3 =	vor.u32 v3, v0;
	_ =	sdelay $0x3  }
0x31c: {  	[tilespmem:v2+s22+$0x0] =	vst.idx.msk $0xffff, v1;
	v2 =	vld [tilespmem:$0x1F970]  }
0x31d: {  	v1 =	vld.idx.msk [tilespmem:v3+s23+$0x0], $0xffff  }
0x31e: {  	v3 =	vld [tilespmem:$0x1FEF0];
	_ =	sdelay $0x3  }
0x31f: {  	v2 =	vor.u32 s24, v2  }
0x320: {  	v3 =	vor.u32 v3, v0;
	_ =	sdelay $0x3  }
0x321: {  	[tilespmem:v2+s22+$0x0] =	vst.idx.msk $0xffff, v1;
	v2 =	vld [tilespmem:$0x1F980]  }
0x322: {  	v1 =	vld.idx.msk [tilespmem:v3+s23+$0x0], $0xffff  }
0x323: {  	v3 =	vld [tilespmem:$0x1F600];
	_ =	sdelay $0x3  }
0x324: {  	v2 =	vor.u32 s24, v2  }
0x325: {  	v3 =	vor.u32 v3, v0;
	_ =	sdelay $0x3  }
0x326: {  	[tilespmem:v2+s22+$0x0] =	vst.idx.msk $0xffff, v1;
	v2 =	vld [tilespmem:$0x1F9D0]  }
0x327: {  	v1 =	vld.idx.msk [tilespmem:v3+s23+$0x0], $0xffff  }
0x328: {  	v3 =	vld [tilespmem:$0x1F610];
	_ =	sdelay $0x3  }
0x329: {  	v2 =	vor.u32 s24, v2  }
0x32a: {  	v3 =	vor.u32 v3, v0;
	_ =	sdelay $0x3  }
0x32b: {  	[tilespmem:v2+s22+$0x0] =	vst.idx.msk $0xffff, v1  }
0x32c: {  	v1 =	vld.idx.msk [tilespmem:v3+s23+$0x0], $0xffff  }
0x32d: {  	v3 =	vld [tilespmem:$0x1F620];
	_ =	sdelay $0x3  }
0x32e: {  	v2 =	vor.u32 s24, v42  }
0x32f: {  	v3 =	vor.u32 v3, v0;
	_ =	sdelay $0x3  }
0x330: {  	[tilespmem:v2+s22+$0x0] =	vst.idx.msk $0xffff, v1  }
0x331: {  	v1 =	vld.idx.msk [tilespmem:v3+s23+$0x0], $0xffff  }
0x332: {  	v3 =	vld [tilespmem:$0x1F630];
	_ =	sdelay $0x3  }
0x333: {  	v2 =	vor.u32 s24, v43  }
0x334: {  	v3 =	vor.u32 v3, v0;
	_ =	sdelay $0x3  }
0x335: {  	[tilespmem:v2+s22+$0x0] =	vst.idx.msk $0xffff, v1;
	v2 =	vld [tilespmem:$0x1FA20]  }
0x336: {  	v1 =	vld.idx.msk [tilespmem:v3+s23+$0x0], $0xffff  }
0x337: {  	v3 =	vld [tilespmem:$0x1F640];
	_ =	sdelay $0x3  }
0x338: {  	v2 =	vor.u32 s24, v2  }
0x339: {  	v3 =	vor.u32 v3, v0;
	_ =	sdelay $0x3  }
0x33a: {  	[tilespmem:v2+s22+$0x0] =	vst.idx.msk $0xffff, v1  }
0x33b: {  	v1 =	vld.idx.msk [tilespmem:v3+s23+$0x0], $0xffff  }
0x33c: {  	v3 =	vld [tilespmem:$0x1F650];
	_ =	sdelay $0x3  }
0x33d: {  	v2 =	vor.u32 s24, v22  }
0x33e: {  	v3 =	vor.u32 v3, v0;
	_ =	sdelay $0x3  }
0x33f: {  	[tilespmem:v2+s22+$0x0] =	vst.idx.msk $0xffff, v1  }
0x340: {  	v1 =	vld.idx.msk [tilespmem:v3+s23+$0x0], $0xffff  }
0x341: {  	v3 =	vld [tilespmem:$0x1F660];
	_ =	sdelay $0x3  }
0x342: {  	v2 =	vor.u32 s24, v23  }
0x343: {  	v3 =	vor.u32 v3, v0;
	_ =	sdelay $0x3  }
0x344: {  	[tilespmem:v2+s22+$0x0] =	vst.idx.msk $0xffff, v1;
	v2 =	vld [tilespmem:$0x1FA50]  }
0x345: {  	v1 =	vld.idx.msk [tilespmem:v3+s23+$0x0], $0xffff  }
0x346: {  	v3 =	vld [tilespmem:$0x1F670];
	_ =	sdelay $0x3  }
0x347: {  	v2 =	vor.u32 s24, v2  }
0x348: {  	v3 =	vor.u32 v3, v0;
	_ =	sdelay $0x3  }
0x349: {  	[tilespmem:v2+s22+$0x0] =	vst.idx.msk $0xffff, v1;
	v2 =	vld [tilespmem:$0x1FA60]  }
0x34a: {  	v1 =	vld.idx.msk [tilespmem:v3+s23+$0x0], $0xffff  }
0x34b: {  	v3 =	vld [tilespmem:$0x1F680];
	_ =	sdelay $0x3  }
0x34c: {  	v2 =	vor.u32 s24, v2  }
0x34d: {  	v3 =	vor.u32 v3, v0;
	_ =	sdelay $0x3  }
0x34e: {  	[tilespmem:v2+s22+$0x0] =	vst.idx.msk $0xffff, v1;
	v2 =	vld [tilespmem:$0x1FA70]  }
0x34f: {  	v1 =	vld.idx.msk [tilespmem:v3+s23+$0x0], $0xffff  }
0x350: {  	v3 =	vld [tilespmem:$0x1F690];
	_ =	sdelay $0x3  }
0x351: {  	v2 =	vor.u32 s24, v2  }
0x352: {  	v3 =	vor.u32 v3, v0;
	_ =	sdelay $0x3  }
0x353: {  	[tilespmem:v2+s22+$0x0] =	vst.idx.msk $0xffff, v1;
	v2 =	vld [tilespmem:$0x1FA80]  }
0x354: {  	v1 =	vld.idx.msk [tilespmem:v3+s23+$0x0], $0xffff  }
0x355: {  	v3 =	vld [tilespmem:$0x1F6A0];
	_ =	sdelay $0x3  }
0x356: {  	v2 =	vor.u32 s24, v2  }
0x357: {  	v3 =	vor.u32 v3, v0;
	_ =	sdelay $0x3  }
0x358: {  	[tilespmem:v2+s22+$0x0] =	vst.idx.msk $0xffff, v1;
	v2 =	vld [tilespmem:$0x1FA90]  }
0x359: {  	v1 =	vld.idx.msk [tilespmem:v3+s23+$0x0], $0xffff  }
0x35a: {  	v3 =	vld [tilespmem:$0x1F6B0];
	_ =	sdelay $0x3  }
0x35b: {  	v2 =	vor.u32 s24, v2  }
0x35c: {  	v3 =	vor.u32 v3, v0;
	_ =	sdelay $0x3  }
0x35d: {  	[tilespmem:v2+s22+$0x0] =	vst.idx.msk $0xffff, v1;
	v2 =	vld [tilespmem:$0x1FAA0]  }
0x35e: {  	v1 =	vld.idx.msk [tilespmem:v3+s23+$0x0], $0xffff  }
0x35f: {  	v3 =	vld [tilespmem:$0x1F6C0];
	_ =	sdelay $0x3  }
0x360: {  	v2 =	vor.u32 s24, v2  }
0x361: {  	v3 =	vor.u32 v3, v0;
	_ =	sdelay $0x3  }
0x362: {  	[tilespmem:v2+s22+$0x0] =	vst.idx.msk $0xffff, v1;
	v2 =	vld [tilespmem:$0x1FAB0]  }
0x363: {  	v1 =	vld.idx.msk [tilespmem:v3+s23+$0x0], $0xffff  }
0x364: {  	v3 =	vld [tilespmem:$0x1F6D0];
	_ =	sdelay $0x3  }
0x365: {  	v2 =	vor.u32 s24, v2  }
0x366: {  	v3 =	vor.u32 v3, v0;
	_ =	sdelay $0x3  }
0x367: {  	[tilespmem:v2+s22+$0x0] =	vst.idx.msk $0xffff, v1;
	v2 =	vld [tilespmem:$0x1F6E0]  }
0x368: {  	v1 =	vld.idx.msk [tilespmem:v3+s23+$0x0], $0xffff  }
0x369: {  	v3 =	vld [tilespmem:$0x1F6F0];
	_ =	sdelay $0x3  }
0x36a: {  	v2 =	vor.u32 s24, v2  }
0x36b: {  	v3 =	vor.u32 v3, v0;
	_ =	sdelay $0x3  }
0x36c: {  	[tilespmem:v2+s22+$0x0] =	vst.idx.msk $0xffff, v1;
	v2 =	vld [tilespmem:$0x1FF40]  }
0x36d: {  	v1 =	vld.idx.msk [tilespmem:v3+s23+$0x0], $0xffff  }
0x36e: {  	v3 =	vld [tilespmem:$0x1F700];
	_ =	sdelay $0x3  }
0x36f: {  	v2 =	vor.u32 s24, v2  }
0x370: {  	v3 =	vor.u32 v3, v0;
	_ =	sdelay $0x3  }
0x371: {  	[tilespmem:v2+s22+$0x0] =	vst.idx.msk $0xffff, v1;
	v2 =	vld [tilespmem:$0x1FF60]  }
0x372: {  	v1 =	vld.idx.msk [tilespmem:v3+s23+$0x0], $0xffff  }
0x373: {  	v3 =	vld [tilespmem:$0x1F710];
	_ =	sdelay $0x3  }
0x374: {  	v2 =	vor.u32 s24, v2  }
0x375: {  	v3 =	vor.u32 v3, v0;
	_ =	sdelay $0x3  }
0x376: {  	[tilespmem:v2+s22+$0x0] =	vst.idx.msk $0xffff, v1;
	v2 =	vld [tilespmem:$0x1FF70]  }
0x377: {  	v1 =	vld.idx.msk [tilespmem:v3+s23+$0x0], $0xffff  }
0x378: {  	v3 =	vld [tilespmem:$0x1F720];
	_ =	sdelay $0x3  }
0x379: {  	v2 =	vor.u32 s24, v2  }
0x37a: {  	v3 =	vor.u32 v3, v0;
	_ =	sdelay $0x3  }
0x37b: {  	[tilespmem:v2+s22+$0x0] =	vst.idx.msk $0xffff, v1;
	v2 =	vld [tilespmem:$0x1FF90]  }
0x37c: {  	v1 =	vld.idx.msk [tilespmem:v3+s23+$0x0], $0xffff  }
0x37d: {  	v3 =	vld [tilespmem:$0x1F730];
	_ =	sdelay $0x3  }
0x37e: {  	v2 =	vor.u32 s24, v2  }
0x37f: {  	v3 =	vor.u32 v3, v0;
	_ =	sdelay $0x3  }
0x380: {  	[tilespmem:v2+s22+$0x0] =	vst.idx.msk $0xffff, v1;
	v2 =	vld [tilespmem:$0x1FFA0]  }
0x381: {  	v1 =	vld.idx.msk [tilespmem:v3+s23+$0x0], $0xffff  }
0x382: {  	v3 =	vld [tilespmem:$0x1F740];
	_ =	sdelay $0x3  }
0x383: {  	v2 =	vor.u32 s24, v2  }
0x384: {  	v3 =	vor.u32 v3, v0;
	_ =	sdelay $0x3  }
0x385: {  	[tilespmem:v2+s22+$0x0] =	vst.idx.msk $0xffff, v1;
	v2 =	vld [tilespmem:$0x1FFB0]  }
0x386: {  	v1 =	vld.idx.msk [tilespmem:v3+s23+$0x0], $0xffff  }
0x387: {  	v3 =	vld [tilespmem:$0x1F750];
	_ =	sdelay $0x3  }
0x388: {  	v2 =	vor.u32 s24, v2  }
0x389: {  	v3 =	vor.u32 v3, v0;
	_ =	sdelay $0x3  }
0x38a: {  	[tilespmem:v2+s22+$0x0] =	vst.idx.msk $0xffff, v1;
	v2 =	vld [tilespmem:$0x1FFC0]  }
0x38b: {  	v1 =	vld.idx.msk [tilespmem:v3+s23+$0x0], $0xffff  }
0x38c: {  	v3 =	vld [tilespmem:$0x1F760];
	_ =	sdelay $0x3  }
0x38d: {  	v2 =	vor.u32 s24, v2  }
0x38e: {  	v3 =	vor.u32 v3, v0;
	_ =	sdelay $0x3  }
0x38f: {  	[tilespmem:v2+s22+$0x0] =	vst.idx.msk $0xffff, v1;
	v2 =	vld [tilespmem:$0x1FF80]  }
0x390: {  	v1 =	vld.idx.msk [tilespmem:v3+s23+$0x0], $0xffff  }
0x391: {  	v3 =	vld [tilespmem:$0x1F770];
	_ =	sdelay $0x3  }
0x392: {  	v2 =	vor.u32 s24, v2  }
0x393: {  	v3 =	vor.u32 v3, v0;
	_ =	sdelay $0x3  }
0x394: {  	[tilespmem:v2+s22+$0x0] =	vst.idx.msk $0xffff, v1;
	v2 =	vld [tilespmem:$0x1FF30]  }
0x395: {  	v1 =	vld.idx.msk [tilespmem:v3+s23+$0x0], $0xffff  }
0x396: {  	v3 =	vld [tilespmem:$0x1F780];
	_ =	sdelay $0x3  }
0x397: {  	v2 =	vor.u32 s24, v2  }
0x398: {  	v3 =	vor.u32 v3, v0;
	_ =	sdelay $0x3  }
0x399: {  	[tilespmem:v2+s22+$0x0] =	vst.idx.msk $0xffff, v1;
	v2 =	vld [tilespmem:$0x1FF20]  }
0x39a: {  	v1 =	vld.idx.msk [tilespmem:v3+s23+$0x0], $0xffff  }
0x39b: {  	v3 =	vld [tilespmem:$0x1F790];
	_ =	sdelay $0x3  }
0x39c: {  	v2 =	vor.u32 s24, v2  }
0x39d: {  	v3 =	vor.u32 v3, v0;
	_ =	sdelay $0x3  }
0x39e: {  	[tilespmem:v2+s22+$0x0] =	vst.idx.msk $0xffff, v1;
	v2 =	vld [tilespmem:$0x1FDA0]  }
0x39f: {  	v1 =	vld.idx.msk [tilespmem:v3+s23+$0x0], $0xffff  }
0x3a0: {  	v3 =	vld [tilespmem:$0x1F7A0];
	_ =	sdelay $0x3  }
0x3a1: {  	v2 =	vor.u32 s24, v2  }
0x3a2: {  	v3 =	vor.u32 v3, v0;
	_ =	sdelay $0x3  }
0x3a3: {  	[tilespmem:v2+s22+$0x0] =	vst.idx.msk $0xffff, v1;
	v2 =	vld [tilespmem:$0x1FDB0]  }
0x3a4: {  	v1 =	vld.idx.msk [tilespmem:v3+s23+$0x0], $0xffff  }
0x3a5: {  	v3 =	vld [tilespmem:$0x1F7B0];
	_ =	sdelay $0x3  }
0x3a6: {  	v2 =	vor.u32 s24, v2  }
0x3a7: {  	v3 =	vor.u32 v3, v0;
	_ =	sdelay $0x3  }
0x3a8: {  	[tilespmem:v2+s22+$0x0] =	vst.idx.msk $0xffff, v1;
	v2 =	vld [tilespmem:$0x1FDC0]  }
0x3a9: {  	v1 =	vld.idx.msk [tilespmem:v3+s23+$0x0], $0xffff  }
0x3aa: {  	v3 =	vld [tilespmem:$0x1F7C0];
	_ =	sdelay $0x3  }
0x3ab: {  	v2 =	vor.u32 s24, v2  }
0x3ac: {  	v3 =	vor.u32 v3, v0;
	_ =	sdelay $0x3  }
0x3ad: {  	[tilespmem:v2+s22+$0x0] =	vst.idx.msk $0xffff, v1;
	v2 =	vld [tilespmem:$0x1FDD0]  }
0x3ae: {  	v1 =	vld.idx.msk [tilespmem:v3+s23+$0x0], $0xffff  }
0x3af: {  	v3 =	vld [tilespmem:$0x1F7D0];
	_ =	sdelay $0x3  }
0x3b0: {  	v2 =	vor.u32 s24, v2  }
0x3b1: {  	v3 =	vor.u32 v3, v0;
	_ =	sdelay $0x3  }
0x3b2: {  	[tilespmem:v2+s22+$0x0] =	vst.idx.msk $0xffff, v1;
	v2 =	vld [tilespmem:$0x1FDE0]  }
0x3b3: {  	v1 =	vld.idx.msk [tilespmem:v3+s23+$0x0], $0xffff  }
0x3b4: {  	v3 =	vld [tilespmem:$0x1F7E0];
	_ =	sdelay $0x3  }
0x3b5: {  	v2 =	vor.u32 s24, v2  }
0x3b6: {  	v3 =	vor.u32 v3, v0;
	_ =	sdelay $0x3  }
0x3b7: {  	[tilespmem:v2+s22+$0x0] =	vst.idx.msk $0xffff, v1;
	v2 =	vld [tilespmem:$0x1F7F0]  }
0x3b8: {  	v1 =	vld.idx.msk [tilespmem:v3+s23+$0x0], $0xffff  }
0x3b9: {  	v3 =	vld [tilespmem:$0x1F800];
	_ =	sdelay $0x3  }
0x3ba: {  	v2 =	vor.u32 s24, v2  }
0x3bb: {  	v3 =	vor.u32 v3, v0;
	_ =	sdelay $0x3  }
0x3bc: {  	[tilespmem:v2+s22+$0x0] =	vst.idx.msk $0xffff, v1;
	v2 =	vld [tilespmem:$0x1FDF0]  }
0x3bd: {  	v1 =	vld.idx.msk [tilespmem:v3+s23+$0x0], $0xffff  }
0x3be: {  	v3 =	vld [tilespmem:$0x1F810];
	_ =	sdelay $0x3  }
0x3bf: {  	v2 =	vor.u32 s24, v2  }
0x3c0: {  	v3 =	vor.u32 v3, v0;
	_ =	sdelay $0x3  }
0x3c1: {  	[tilespmem:v2+s22+$0x0] =	vst.idx.msk $0xffff, v1;
	v2 =	vld [tilespmem:$0x1FE00]  }
0x3c2: {  	v1 =	vld.idx.msk [tilespmem:v3+s23+$0x0], $0xffff  }
0x3c3: {  	v3 =	vld [tilespmem:$0x1F820];
	_ =	sdelay $0x3  }
0x3c4: {  	v2 =	vor.u32 s24, v2  }
0x3c5: {  	v3 =	vor.u32 v3, v0;
	_ =	sdelay $0x3  }
0x3c6: {  	[tilespmem:v2+s22+$0x0] =	vst.idx.msk $0xffff, v1  }
0x3c7: {  	v2 =	vor.u32 s24, v32;
	v1 =	vld.idx.msk [tilespmem:v3+s23+$0x0], $0xffff  }
0x3c8: {  	v3 =	vor.u32 v21, v0;
	_ =	sdelay $0x3  }
0x3c9: {  	[tilespmem:v2+s22+$0x0] =	vst.idx.msk $0xffff, v1  }
0x3ca: {  	v2 =	vor.u32 s24, v51;
	v1 =	vld.idx.msk [tilespmem:v3+s23+$0x0], $0xffff  }
0x3cb: {  	v3 =	vor.u32 v58, v0;
	_ =	sdelay $0x3  }
0x3cc: {  	[tilespmem:v2+s22+$0x0] =	vst.idx.msk $0xffff, v1  }
0x3cd: {  	v2 =	vor.u32 s24, v11;
	v1 =	vld.idx.msk [tilespmem:v3+s23+$0x0], $0xffff  }
0x3ce: {  	v3 =	vor.u32 v36, v0;
	_ =	sdelay $0x3  }
0x3cf: {  	[tilespmem:v2+s22+$0x0] =	vst.idx.msk $0xffff, v1  }
0x3d0: {  	v2 =	vor.u32 s24, v18;
	v1 =	vld.idx.msk [tilespmem:v3+s23+$0x0], $0xffff  }
0x3d1: {  	v3 =	vor.u32 v59, v0;
	_ =	sdelay $0x3  }
0x3d2: {  	[tilespmem:v2+s22+$0x0] =	vst.idx.msk $0xffff, v1  }
0x3d3: {  	v2 =	vor.u32 s24, v34;
	v1 =	vld.idx.msk [tilespmem:v3+s23+$0x0], $0xffff  }
0x3d4: {  	v3 =	vor.u32 v38, v0;
	_ =	sdelay $0x3  }
0x3d5: {  	[tilespmem:v2+s22+$0x0] =	vst.idx.msk $0xffff, v1  }
0x3d6: {  	v2 =	vor.u32 s24, v29;
	v1 =	vld.idx.msk [tilespmem:v3+s23+$0x0], $0xffff  }
0x3d7: {  	v3 =	vor.u32 v37, v0;
	_ =	sdelay $0x3  }
0x3d8: {  	[tilespmem:v2+s22+$0x0] =	vst.idx.msk $0xffff, v1  }
0x3d9: {  	v2 =	vor.u32 s24, v39;
	v1 =	vld.idx.msk [tilespmem:v3+s23+$0x0], $0xffff  }
0x3da: {  	v3 =	vor.u32 v47, v0;
	_ =	sdelay $0x3  }
0x3db: {  	[tilespmem:v2+s22+$0x0] =	vst.idx.msk $0xffff, v1  }
0x3dc: {  	v2 =	vor.u32 s24, v56;
	v1 =	vld.idx.msk [tilespmem:v3+s23+$0x0], $0xffff  }
0x3dd: {  	v3 =	vor.u32 v48, v0;
	_ =	sdelay $0x3  }
0x3de: {  	[tilespmem:v2+s22+$0x0] =	vst.idx.msk $0xffff, v1  }
0x3df: {  	v2 =	vor.u32 s24, v13;
	v1 =	vld.idx.msk [tilespmem:v3+s23+$0x0], $0xffff  }
0x3e0: {  	v3 =	vor.u32 v61, v0;
	_ =	sdelay $0x3  }
0x3e1: {  	[tilespmem:v2+s22+$0x0] =	vst.idx.msk $0xffff, v1  }
0x3e2: {  	v2 =	vor.u32 s24, v4;
	v1 =	vld.idx.msk [tilespmem:v3+s23+$0x0], $0xffff  }
0x3e3: {  	v3 =	vor.u32 v62, v0;
	_ =	sdelay $0x3  }
0x3e4: {  	[tilespmem:v2+s22+$0x0] =	vst.idx.msk $0xffff, v1  }
0x3e5: {  	v2 =	vor.u32 s24, v57;
	v1 =	vld.idx.msk [tilespmem:v3+s23+$0x0], $0xffff  }
0x3e6: {  	v3 =	vor.u32 v40, v0;
	_ =	sdelay $0x3  }
0x3e7: {  	[tilespmem:v2+s22+$0x0] =	vst.idx.msk $0xffff, v1  }
0x3e8: {  	p0 =	sne.s32 s28, $0x70;
	v2 =	vld.idx.msk [tilespmem:v3+s23+$0x0], $0xffff;
	v3 =	vor.u32 s24, v25  }
.Ltmp0:
0x3e9: {  	_ = 	snop;
	(pc) =	sbr.rel @p0 .LBB2_3-.Ltmp0, $3  }
0x3ea: {  	_ =	sdelay $0x1  }
0x3eb: {  	s26 =	smov.u32 s28  }
0x3ec: {  	s28 =	sadd.s32 $0x10, s28;
	v0 =	vor.u32 v30, v0;
	v1 =	vmov s26;
	[tilespmem:v3+s22+$0x0] =	vst.idx.msk $0xffff, v2  }
0x3ed: {  	_ =	sdelay $0x3  }
0x3ee: {  	v2 =	vld.idx.msk [tilespmem:v0+s23+$0x0], $0xffff  }
0x3ef: {  	v0 =	vld [tilespmem:$0x1FED0];
	_ =	sdelay $0x3  }
0x3f0: {  	v1 =	vshll.u32 v1, $0x7  }
0x3f1: {  	v3 =	vlaneseq.u32;
	v0 =	vor.u32 v0, v1;
	v1 =	vor.u32 s24, v26  }
0x3f2: {  	v3 =	vor.u32 v3, v0;
	_ =	sdelay $0x3  }
0x3f3: {  	[tilespmem:v1+s22+$0x0] =	vst.idx.msk $0xffff, v2  }
0x3f4: {  	v50 =	vor.u32 s26, v50;
	v1 =	vld.idx.msk [tilespmem:v3+s23+$0x0], $0xffff  }
0x3f5: {  	v45 =	vor.u32 v45, v0;
	_ =	sdelay $0x3  }
0x3f6: {  	[tilespmem:v50+s22+$0x0] =	vst.idx.msk $0xffff, v1  }
0x3f7: {  	v46 =	vor.u32 s26, v46;
	v1 =	vld.idx.msk [tilespmem:v45+s23+$0x0], $0xffff  }
0x3f8: {  	v50 =	vor.u32 v19, v0;
	_ =	sdelay $0x3  }
0x3f9: {  	[tilespmem:v46+s22+$0x0] =	vst.idx.msk $0xffff, v1  }
0x3fa: {  	v45 =	vor.u32 s26, v44;
	v1 =	vld.idx.msk [tilespmem:v50+s23+$0x0], $0xffff  }
0x3fb: {  	v46 =	vor.u32 v24, v0;
	_ =	sdelay $0x3  }
0x3fc: {  	[tilespmem:v45+s22+$0x0] =	vst.idx.msk $0xffff, v1  }
0x3fd: {  	v50 =	vor.u32 s26, v41;
	v1 =	vld.idx.msk [tilespmem:v46+s23+$0x0], $0xffff  }
0x3fe: {  	v41 =	vor.u32 v60, v0;
	_ =	sdelay $0x3  }
0x3ff: {  	[tilespmem:v50+s22+$0x0] =	vst.idx.msk $0xffff, v1  }
0x400: {  	v44 =	vor.u32 s26, v54;
	v1 =	vld.idx.msk [tilespmem:v41+s23+$0x0], $0xffff  }
0x401: {  	v45 =	vor.u32 v55, v0;
	_ =	sdelay $0x3  }
0x402: {  	[tilespmem:v44+s22+$0x0] =	vst.idx.msk $0xffff, v1  }
0x403: {  	v46 =	vor.u32 s26, v52;
	v1 =	vld.idx.msk [tilespmem:v45+s23+$0x0], $0xffff  }
0x404: {  	v50 =	vor.u32 v31, v0;
	_ =	sdelay $0x3  }
0x405: {  	[tilespmem:v46+s22+$0x0] =	vst.idx.msk $0xffff, v1  }
0x406: {  	v52 =	vor.u32 s26, v53;
	v1 =	vld.idx.msk [tilespmem:v50+s23+$0x0], $0xffff  }
0x407: {  	v55 =	vor.u32 v49, v0;
	_ =	sdelay $0x3  }
0x408: {  	[tilespmem:v52+s22+$0x0] =	vst.idx.msk $0xffff, v1  }
0x409: {  	v45 =	vmov v33;
	v33 =	vor.u32 s26, v33;
	v1 =	vld.idx.msk [tilespmem:v55+s23+$0x0], $0xffff  }
0x40a: {  	v35 =	vor.u32 v35, v0;
	_ =	sdelay $0x3  }
0x40b: {  	[tilespmem:v33+s22+$0x0] =	vst.idx.msk $0xffff, v1  }
0x40c: {  	v41 =	vor.u32 s26, v20;
	v1 =	vld.idx.msk [tilespmem:v35+s23+$0x0], $0xffff  }
0x40d: {  	v44 =	vor.u32 v27, v0;
	_ =	sdelay $0x3  }
0x40e: {  	[tilespmem:v41+s22+$0x0] =	vst.idx.msk $0xffff, v1  }
0x40f: {  	v46 =	vor.u32 s26, v63;
	v1 =	vld.idx.msk [tilespmem:v44+s23+$0x0], $0xffff  }
0x410: {  	v50 =	vor.u32 v28, v0;
	_ =	sdelay $0x3  }
0x411: {  	[tilespmem:v46+s22+$0x0] =	vst.idx.msk $0xffff, v1  }
0x412: {  	v52 =	vor.u32 s26, v5;
	v1 =	vld.idx.msk [tilespmem:v50+s23+$0x0], $0xffff  }
0x413: {  	v55 =	vor.u32 v6, v0;
	_ =	sdelay $0x3  }
0x414: {  	[tilespmem:v52+s22+$0x0] =	vst.idx.msk $0xffff, v1  }
0x415: {  	v6 =	vor.u32 s26, v12;
	v1 =	vld.idx.msk [tilespmem:v55+s23+$0x0], $0xffff  }
0x416: {  	v7 =	vor.u32 v7, v0;
	_ =	sdelay $0x3  }
0x417: {  	[tilespmem:v6+s22+$0x0] =	vst.idx.msk $0xffff, v1  }
0x418: {  	v12 =	vor.u32 s26, v14;
	v1 =	vld.idx.msk [tilespmem:v7+s23+$0x0], $0xffff  }
0x419: {  	v14 =	vor.u32 v15, v0;
	_ =	sdelay $0x3  }
0x41a: {  	[tilespmem:v12+s22+$0x0] =	vst.idx.msk $0xffff, v1  }
0x41b: {  	v33 =	vor.u32 s26, v16;
	v1 =	vld.idx.msk [tilespmem:v14+s23+$0x0], $0xffff  }
0x41c: {  	v35 =	vor.u32 v8, v0;
	_ =	sdelay $0x3  }
0x41d: {  	[tilespmem:v33+s22+$0x0] =	vst.idx.msk $0xffff, v1  }
0x41e: {  	v41 =	vor.u32 s26, v9;
	v1 =	vld.idx.msk [tilespmem:v35+s23+$0x0], $0xffff  }
0x41f: {  	v44 =	vor.u32 v10, v0  }
0x420: {  	v50 =	vld [tilespmem:$0x1FEE0];
	_ =	sdelay $0x2  }
0x421: {  	[tilespmem:v41+s22+$0x0] =	vst.idx.msk $0xffff, v1  }
0x422: {  	v46 =	vor.u32 s26, v17;
	v1 =	vld.idx.msk [tilespmem:v44+s23+$0x0], $0xffff  }
0x423: {  	v3 =	vor.u32 v50, v0;
	v52 =	vld [tilespmem:$0x1FF50]  }
0x424: {  	v15 =	vld [tilespmem:$0x1FF00];
	_ =	sdelay $0x2  }
0x425: {  	[tilespmem:v46+s22+$0x0] =	vst.idx.msk $0xffff, v1  }
0x426: {  	v2 =	vor.u32 s26, v52;
	v1 =	vld.idx.msk [tilespmem:v3+s23+$0x0], $0xffff  }
0x427: {  	v55 =	vor.u32 v15, v0;
	v6 =	vld [tilespmem:$0x1F970]  }
0x428: {  	v16 =	vld [tilespmem:$0x1FEF0];
	_ =	sdelay $0x2  }
0x429: {  	[tilespmem:v2+s22+$0x0] =	vst.idx.msk $0xffff, v1  }
0x42a: {  	v2 =	vor.u32 s26, v6;
	v1 =	vld.idx.msk [tilespmem:v55+s23+$0x0], $0xffff  }
0x42b: {  	v8 =	vld [tilespmem:$0x1F980];
	v7 =	vor.u32 v16, v0  }
0x42c: {  	v9 =	vld [tilespmem:$0x1F600];
	_ =	sdelay $0x2  }
0x42d: {  	[tilespmem:v2+s22+$0x0] =	vst.idx.msk $0xffff, v1  }
0x42e: {  	v2 =	vor.u32 s26, v8;
	v1 =	vld.idx.msk [tilespmem:v7+s23+$0x0], $0xffff  }
0x42f: {  	v10 =	vld [tilespmem:$0x1F9D0];
	v3 =	vor.u32 v9, v0  }
0x430: {  	v12 =	vld [tilespmem:$0x1F610];
	_ =	sdelay $0x2  }
0x431: {  	[tilespmem:v2+s22+$0x0] =	vst.idx.msk $0xffff, v1  }
0x432: {  	v2 =	vor.u32 s26, v10;
	v1 =	vld.idx.msk [tilespmem:v3+s23+$0x0], $0xffff  }
0x433: {  	v3 =	vor.u32 v12, v0  }
0x434: {  	v33 =	vld [tilespmem:$0x1F620];
	_ =	sdelay $0x2  }
0x435: {  	[tilespmem:v2+s22+$0x0] =	vst.idx.msk $0xffff, v1  }
0x436: {  	v14 =	vor.u32 s26, v42;
	v1 =	vld.idx.msk [tilespmem:v3+s23+$0x0], $0xffff  }
0x437: {  	v3 =	vor.u32 v33, v0  }
0x438: {  	v41 =	vld [tilespmem:$0x1F630];
	_ =	sdelay $0x2  }
0x439: {  	[tilespmem:v14+s22+$0x0] =	vst.idx.msk $0xffff, v1  }
0x43a: {  	v35 =	vor.u32 s26, v43;
	v1 =	vld.idx.msk [tilespmem:v3+s23+$0x0], $0xffff  }
0x43b: {  	v44 =	vld [tilespmem:$0x1FA20];
	v3 =	vor.u32 v41, v0  }
0x43c: {  	v46 =	vld [tilespmem:$0x1F640];
	_ =	sdelay $0x2  }
0x43d: {  	[tilespmem:v35+s22+$0x0] =	vst.idx.msk $0xffff, v1  }
0x43e: {  	v2 =	vor.u32 s26, v44;
	v1 =	vld.idx.msk [tilespmem:v3+s23+$0x0], $0xffff  }
0x43f: {  	v3 =	vor.u32 v46, v0  }
0x440: {  	v52 =	vld [tilespmem:$0x1F650];
	_ =	sdelay $0x2  }
0x441: {  	[tilespmem:v2+s22+$0x0] =	vst.idx.msk $0xffff, v1  }
0x442: {  	v50 =	vor.u32 s26, v22;
	v1 =	vld.idx.msk [tilespmem:v3+s23+$0x0], $0xffff  }
0x443: {  	v3 =	vor.u32 v52, v0  }
0x444: {  	v6 =	vld [tilespmem:$0x1F660];
	_ =	sdelay $0x2  }
0x445: {  	[tilespmem:v50+s22+$0x0] =	vst.idx.msk $0xffff, v1  }
0x446: {  	v55 =	vor.u32 s26, v23;
	v1 =	vld.idx.msk [tilespmem:v3+s23+$0x0], $0xffff  }
0x447: {  	v7 =	vld [tilespmem:$0x1FA50];
	v3 =	vor.u32 v6, v0  }
0x448: {  	v8 =	vld [tilespmem:$0x1F670];
	_ =	sdelay $0x2  }
0x449: {  	[tilespmem:v55+s22+$0x0] =	vst.idx.msk $0xffff, v1  }
0x44a: {  	v2 =	vor.u32 s26, v7;
	v1 =	vld.idx.msk [tilespmem:v3+s23+$0x0], $0xffff  }
0x44b: {  	v9 =	vld [tilespmem:$0x1FA60];
	v3 =	vor.u32 v8, v0  }
0x44c: {  	v10 =	vld [tilespmem:$0x1F680];
	_ =	sdelay $0x2  }
0x44d: {  	[tilespmem:v2+s22+$0x0] =	vst.idx.msk $0xffff, v1  }
0x44e: {  	v2 =	vor.u32 s26, v9;
	v1 =	vld.idx.msk [tilespmem:v3+s23+$0x0], $0xffff  }
0x44f: {  	v12 =	vld [tilespmem:$0x1FA70];
	v3 =	vor.u32 v10, v0  }
0x450: {  	v14 =	vld [tilespmem:$0x1F690];
	_ =	sdelay $0x2  }
0x451: {  	[tilespmem:v2+s22+$0x0] =	vst.idx.msk $0xffff, v1  }
0x452: {  	v2 =	vor.u32 s26, v12;
	v1 =	vld.idx.msk [tilespmem:v3+s23+$0x0], $0xffff  }
0x453: {  	v33 =	vld [tilespmem:$0x1FA80];
	v3 =	vor.u32 v14, v0  }
0x454: {  	v35 =	vld [tilespmem:$0x1F6A0];
	_ =	sdelay $0x2  }
0x455: {  	[tilespmem:v2+s22+$0x0] =	vst.idx.msk $0xffff, v1  }
0x456: {  	v2 =	vor.u32 s26, v33;
	v1 =	vld.idx.msk [tilespmem:v3+s23+$0x0], $0xffff  }
0x457: {  	v41 =	vld [tilespmem:$0x1FA90];
	v3 =	vor.u32 v35, v0  }
0x458: {  	v44 =	vld [tilespmem:$0x1F6B0];
	_ =	sdelay $0x2  }
0x459: {  	[tilespmem:v2+s22+$0x0] =	vst.idx.msk $0xffff, v1  }
0x45a: {  	v2 =	vor.u32 s26, v41;
	v1 =	vld.idx.msk [tilespmem:v3+s23+$0x0], $0xffff  }
0x45b: {  	v46 =	vld [tilespmem:$0x1FAA0];
	v3 =	vor.u32 v44, v0  }
0x45c: {  	v50 =	vld [tilespmem:$0x1F6C0];
	_ =	sdelay $0x2  }
0x45d: {  	[tilespmem:v2+s22+$0x0] =	vst.idx.msk $0xffff, v1  }
0x45e: {  	v2 =	vor.u32 s26, v46;
	v1 =	vld.idx.msk [tilespmem:v3+s23+$0x0], $0xffff  }
0x45f: {  	v52 =	vld [tilespmem:$0x1FAB0];
	v3 =	vor.u32 v50, v0  }
0x460: {  	v55 =	vld [tilespmem:$0x1F6D0];
	_ =	sdelay $0x2  }
0x461: {  	[tilespmem:v2+s22+$0x0] =	vst.idx.msk $0xffff, v1  }
0x462: {  	v2 =	vor.u32 s26, v52;
	v1 =	vld.idx.msk [tilespmem:v3+s23+$0x0], $0xffff  }
0x463: {  	v6 =	vld [tilespmem:$0x1F6E0];
	v3 =	vor.u32 v55, v0  }
0x464: {  	v7 =	vld [tilespmem:$0x1F6F0];
	_ =	sdelay $0x2  }
0x465: {  	[tilespmem:v2+s22+$0x0] =	vst.idx.msk $0xffff, v1  }
0x466: {  	v2 =	vor.u32 s26, v6;
	v1 =	vld.idx.msk [tilespmem:v3+s23+$0x0], $0xffff  }
0x467: {  	v5 =	vld [tilespmem:$0x1FF40];
	v3 =	vor.u32 v7, v0  }
0x468: {  	v9 =	vld [tilespmem:$0x1F700];
	_ =	sdelay $0x2  }
0x469: {  	[tilespmem:v2+s22+$0x0] =	vst.idx.msk $0xffff, v1  }
0x46a: {  	v8 =	vor.u32 s26, v5;
	v1 =	vld.idx.msk [tilespmem:v3+s23+$0x0], $0xffff  }
0x46b: {  	v46 =	vld [tilespmem:$0x1FF60];
	v3 =	vor.u32 v9, v0  }
0x46c: {  	v12 =	vld [tilespmem:$0x1F710];
	_ =	sdelay $0x2  }
0x46d: {  	[tilespmem:v8+s22+$0x0] =	vst.idx.msk $0xffff, v1  }
0x46e: {  	v10 =	vor.u32 s26, v46;
	v1 =	vld.idx.msk [tilespmem:v3+s23+$0x0], $0xffff  }
0x46f: {  	v41 =	vld [tilespmem:$0x1FF70];
	v3 =	vor.u32 v12, v0  }
0x470: {  	v33 =	vld [tilespmem:$0x1F720];
	_ =	sdelay $0x2  }
0x471: {  	[tilespmem:v10+s22+$0x0] =	vst.idx.msk $0xffff, v1  }
0x472: {  	v14 =	vor.u32 s26, v41;
	v1 =	vld.idx.msk [tilespmem:v3+s23+$0x0], $0xffff  }
0x473: {  	v8 =	vld [tilespmem:$0x1FF90];
	v3 =	vor.u32 v33, v0  }
0x474: {  	v44 =	vld [tilespmem:$0x1F730];
	_ =	sdelay $0x2  }
0x475: {  	[tilespmem:v14+s22+$0x0] =	vst.idx.msk $0xffff, v1  }
0x476: {  	v35 =	vor.u32 s26, v8;
	v1 =	vld.idx.msk [tilespmem:v3+s23+$0x0], $0xffff  }
0x477: {  	v19 =	vld [tilespmem:$0x1FFA0];
	v3 =	vor.u32 v44, v0  }
0x478: {  	v52 =	vld [tilespmem:$0x1F740];
	_ =	sdelay $0x2  }
0x479: {  	[tilespmem:v35+s22+$0x0] =	vst.idx.msk $0xffff, v1  }
0x47a: {  	v50 =	vor.u32 s26, v19;
	v1 =	vld.idx.msk [tilespmem:v3+s23+$0x0], $0xffff  }
0x47b: {  	v33 =	vld [tilespmem:$0x1FFB0];
	v3 =	vor.u32 v52, v0  }
0x47c: {  	v6 =	vld [tilespmem:$0x1F750];
	_ =	sdelay $0x2  }
0x47d: {  	[tilespmem:v50+s22+$0x0] =	vst.idx.msk $0xffff, v1  }
0x47e: {  	v55 =	vor.u32 s26, v33;
	v1 =	vld.idx.msk [tilespmem:v3+s23+$0x0], $0xffff  }
0x47f: {  	v12 =	vld [tilespmem:$0x1FFC0];
	v3 =	vor.u32 v6, v0  }
0x480: {  	v9 =	vld [tilespmem:$0x1F760];
	_ =	sdelay $0x2  }
0x481: {  	[tilespmem:v55+s22+$0x0] =	vst.idx.msk $0xffff, v1  }
0x482: {  	v7 =	vor.u32 s26, v12;
	v1 =	vld.idx.msk [tilespmem:v3+s23+$0x0], $0xffff  }
0x483: {  	v10 =	vld [tilespmem:$0x1FF80];
	v3 =	vor.u32 v9, v0  }
0x484: {  	v35 =	vld [tilespmem:$0x1F770];
	_ =	sdelay $0x2  }
0x485: {  	[tilespmem:v7+s22+$0x0] =	vst.idx.msk $0xffff, v1  }
0x486: {  	v14 =	vor.u32 s26, v10;
	v1 =	vld.idx.msk [tilespmem:v3+s23+$0x0], $0xffff  }
0x487: {  	v17 =	vld [tilespmem:$0x1FF30];
	v3 =	vor.u32 v35, v0  }
0x488: {  	v50 =	vld [tilespmem:$0x1F780];
	_ =	sdelay $0x2  }
0x489: {  	[tilespmem:v14+s22+$0x0] =	vst.idx.msk $0xffff, v1  }
0x48a: {  	v44 =	vor.u32 s26, v17;
	v1 =	vld.idx.msk [tilespmem:v3+s23+$0x0], $0xffff  }
0x48b: {  	v54 =	vmov v31;
	v31 =	vld [tilespmem:$0x1FF20];
	v3 =	vor.u32 v50, v0  }
0x48c: {  	v55 =	vld [tilespmem:$0x1F790];
	_ =	sdelay $0x2  }
0x48d: {  	[tilespmem:v44+s22+$0x0] =	vst.idx.msk $0xffff, v1  }
0x48e: {  	v52 =	vor.u32 s26, v31;
	v1 =	vld.idx.msk [tilespmem:v3+s23+$0x0], $0xffff  }
0x48f: {  	v3 =	vor.u32 v55, v0;
	_ =	sdelay $0x3  }
0x490: {  	[tilespmem:v52+s22+$0x0] =	vst.idx.msk $0xffff, v1  }
0x491: {  	v1 =	vld.idx.msk [tilespmem:v3+s23+$0x0], $0xffff  }
0x492: {  	v3 =	vld [tilespmem:$0x1FDA0]  }
0x493: {  	v7 =	vld [tilespmem:$0x1F7A0];
	_ =	sdelay $0x3  }
0x494: {  	v6 =	vor.u32 s26, v3  }
0x495: {  	v22 =	vld [tilespmem:$0x1FDB0];
	v3 =	vor.u32 v7, v0  }
0x496: {  	v10 =	vld [tilespmem:$0x1F7B0];
	_ =	sdelay $0x2  }
0x497: {  	[tilespmem:v6+s22+$0x0] =	vst.idx.msk $0xffff, v1  }
0x498: {  	v9 =	vor.u32 s26, v22;
	v1 =	vld.idx.msk [tilespmem:v3+s23+$0x0], $0xffff  }
0x499: {  	v23 =	vld [tilespmem:$0x1FDC0];
	v3 =	vor.u32 v10, v0  }
0x49a: {  	v35 =	vld [tilespmem:$0x1F7C0];
	_ =	sdelay $0x2  }
0x49b: {  	[tilespmem:v9+s22+$0x0] =	vst.idx.msk $0xffff, v1  }
0x49c: {  	v14 =	vor.u32 s26, v23;
	v1 =	vld.idx.msk [tilespmem:v3+s23+$0x0], $0xffff  }
0x49d: {  	v24 =	vld [tilespmem:$0x1FDD0];
	v3 =	vor.u32 v35, v0  }
0x49e: {  	v50 =	vld [tilespmem:$0x1F7D0];
	_ =	sdelay $0x2  }
0x49f: {  	[tilespmem:v14+s22+$0x0] =	vst.idx.msk $0xffff, v1  }
0x4a0: {  	v44 =	vor.u32 s26, v24;
	v1 =	vld.idx.msk [tilespmem:v3+s23+$0x0], $0xffff  }
0x4a1: {  	v52 =	vld [tilespmem:$0x1FDE0];
	v3 =	vor.u32 v50, v0  }
0x4a2: {  	v6 =	vld [tilespmem:$0x1F7E0];
	_ =	sdelay $0x2  }
0x4a3: {  	[tilespmem:v44+s22+$0x0] =	vst.idx.msk $0xffff, v1  }
0x4a4: {  	v55 =	vor.u32 s26, v52;
	v1 =	vld.idx.msk [tilespmem:v3+s23+$0x0], $0xffff  }
0x4a5: {  	v7 =	vld [tilespmem:$0x1F7F0];
	v3 =	vor.u32 v6, v0  }
0x4a6: {  	v9 =	vld [tilespmem:$0x1F800];
	_ =	sdelay $0x2  }
0x4a7: {  	[tilespmem:v55+s22+$0x0] =	vst.idx.msk $0xffff, v1  }
0x4a8: {  	v2 =	vor.u32 s26, v7;
	v1 =	vld.idx.msk [tilespmem:v3+s23+$0x0], $0xffff  }
0x4a9: {  	v10 =	vld [tilespmem:$0x1FDF0];
	v3 =	vor.u32 v9, v0  }
0x4aa: {  	v35 =	vld [tilespmem:$0x1F810];
	_ =	sdelay $0x2  }
0x4ab: {  	[tilespmem:v2+s22+$0x0] =	vst.idx.msk $0xffff, v1  }
0x4ac: {  	v14 =	vor.u32 s26, v10;
	v1 =	vld.idx.msk [tilespmem:v3+s23+$0x0], $0xffff  }
0x4ad: {  	v44 =	vld [tilespmem:$0x1FE00];
	v3 =	vor.u32 v35, v0  }
0x4ae: {  	v52 =	vld [tilespmem:$0x1F820];
	_ =	sdelay $0x2  }
0x4af: {  	[tilespmem:v14+s22+$0x0] =	vst.idx.msk $0xffff, v1  }
0x4b0: {  	v50 =	vor.u32 s26, v44;
	v1 =	vld.idx.msk [tilespmem:v3+s23+$0x0], $0xffff  }
0x4b1: {  	v3 =	vor.u32 v52, v0;
	_ =	sdelay $0x3  }
0x4b2: {  	[tilespmem:v50+s22+$0x0] =	vst.idx.msk $0xffff, v1  }
0x4b3: {  	v55 =	vor.u32 s26, v32;
	v1 =	vld.idx.msk [tilespmem:v3+s23+$0x0], $0xffff  }
0x4b4: {  	v6 =	vor.u32 v21, v0;
	_ =	sdelay $0x3  }
0x4b5: {  	[tilespmem:v55+s22+$0x0] =	vst.idx.msk $0xffff, v1  }
0x4b6: {  	v7 =	vor.u32 s26, v51;
	v1 =	vld.idx.msk [tilespmem:v6+s23+$0x0], $0xffff  }
0x4b7: {  	v9 =	vor.u32 v58, v0;
	_ =	sdelay $0x3  }
0x4b8: {  	[tilespmem:v7+s22+$0x0] =	vst.idx.msk $0xffff, v1  }
0x4b9: {  	v10 =	vor.u32 s26, v11;
	v1 =	vld.idx.msk [tilespmem:v9+s23+$0x0], $0xffff  }
0x4ba: {  	v11 =	vor.u32 v36, v0;
	_ =	sdelay $0x3  }
0x4bb: {  	[tilespmem:v10+s22+$0x0] =	vst.idx.msk $0xffff, v1  }
0x4bc: {  	v14 =	vor.u32 s26, v18;
	v1 =	vld.idx.msk [tilespmem:v11+s23+$0x0], $0xffff  }
0x4bd: {  	v32 =	vor.u32 v59, v0;
	_ =	sdelay $0x3  }
0x4be: {  	[tilespmem:v14+s22+$0x0] =	vst.idx.msk $0xffff, v1  }
0x4bf: {  	v34 =	vor.u32 s26, v34;
	v1 =	vld.idx.msk [tilespmem:v32+s23+$0x0], $0xffff  }
0x4c0: {  	v35 =	vor.u32 v38, v0;
	_ =	sdelay $0x3  }
0x4c1: {  	[tilespmem:v34+s22+$0x0] =	vst.idx.msk $0xffff, v1  }
0x4c2: {  	v36 =	vor.u32 s26, v29;
	v1 =	vld.idx.msk [tilespmem:v35+s23+$0x0], $0xffff  }
0x4c3: {  	v38 =	vor.u32 v37, v0;
	_ =	sdelay $0x3  }
0x4c4: {  	[tilespmem:v36+s22+$0x0] =	vst.idx.msk $0xffff, v1  }
0x4c5: {  	v39 =	vor.u32 s26, v39;
	v1 =	vld.idx.msk [tilespmem:v38+s23+$0x0], $0xffff  }
0x4c6: {  	v44 =	vor.u32 v47, v0;
	_ =	sdelay $0x3  }
0x4c7: {  	[tilespmem:v39+s22+$0x0] =	vst.idx.msk $0xffff, v1  }
0x4c8: {  	v47 =	vor.u32 s26, v56;
	v1 =	vld.idx.msk [tilespmem:v44+s23+$0x0], $0xffff  }
0x4c9: {  	v50 =	vor.u32 v48, v0;
	_ =	sdelay $0x3  }
0x4ca: {  	[tilespmem:v47+s22+$0x0] =	vst.idx.msk $0xffff, v1  }
0x4cb: {  	v51 =	vor.u32 s26, v13;
	v1 =	vld.idx.msk [tilespmem:v50+s23+$0x0], $0xffff  }
0x4cc: {  	v52 =	vor.u32 v61, v0;
	_ =	sdelay $0x3  }
0x4cd: {  	[tilespmem:v51+s22+$0x0] =	vst.idx.msk $0xffff, v1  }
0x4ce: {  	v55 =	vor.u32 s26, v4;
	v1 =	vld.idx.msk [tilespmem:v52+s23+$0x0], $0xffff  }
0x4cf: {  	v56 =	vor.u32 v62, v0;
	_ =	sdelay $0x3  }
0x4d0: {  	[tilespmem:v55+s22+$0x0] =	vst.idx.msk $0xffff, v1  }
0x4d1: {  	v58 =	vor.u32 s26, v57;
	v1 =	vld.idx.msk [tilespmem:v56+s23+$0x0], $0xffff  }
0x4d2: {  	v59 =	vor.u32 v40, v0;
	_ =	sdelay $0x3  }
0x4d3: {  	[tilespmem:v58+s22+$0x0] =	vst.idx.msk $0xffff, v1  }
0x4d4: {  	v61 =	vor.u32 s26, v25;
	v1 =	vld.idx.msk [tilespmem:v59+s23+$0x0], $0xffff  }
0x4d5: {  	v0 =	vor.u32 v30, v0;
	_ =	sdelay $0x3  }
0x4d6: {  	[tilespmem:v61+s22+$0x0] =	vst.idx.msk $0xffff, v1  }
0x4d7: {  	s30 =	sshll.u32 s21, $0x7;
	s21 =	sadd.s32 $0x1, s21;
	v62 =	vor.u32 s26, v26;
	v0 =	vld.idx.msk [tilespmem:v0+s23+$0x0], $0xffff  }
0x4d8: {  	p0 =	sne.s32 s21, $0xC8;
	v17 =	vld [tilespmem:$0x1FED0]  }
.Ltmp1:
0x4d9: {  	v22 =	vld [tilespmem:$0x1FF50];
	(pc) =	sbr.rel @p0 .LBB2_2-.Ltmp1, $4  }
0x4da: {  	s31 =	sand.u32 $0x7E0000, s25;
	v21 =	vld [tilespmem:$0x1FEE0];
	s23 =	sand.u32 $0x180, s30  }
0x4db: {  	v30 =	vmov v63;
	v63 =	vmov v19;
	v19 =	vld [tilespmem:$0x1FFD0];
	s23 =	sor.u32 s31, s23  }
0x4dc: {  	v23 =	vmovc v15;
	v24 =	vmovc v16;
	v37 =	vmov v45;
	v45 =	vmov v5;
	v48 =	vmov v8;
	v32 =	vld [tilespmem:$0x1FFE0];
	s23 =	sadd.s32 s23, s5;
	[tilespmem:v62+s22+$0x0] =	vst.idx.msk $0xffff, v0  }
0x4dd: {  	v36 =	vmovc v54;
	v38 =	vmovc v53;
	v53 =	vmov v49;
	v47 =	vmov v41;
	v51 =	vld [tilespmem:$0x1FB00];
	v62 =	vmov v12;
	[hbm4b:s23+s12] =	stream.strided.scatter [tilespmem:s22], [sflag:$0x2], $0x2000, s8, s12, $0x38  }
0x4de: {  	s20 =	sadd.s32 $0x1, s20  }
0x4df: {  	_ =	swait.ge [sflag:s18], $0x2000;
	p0 =	sne.s32 s20, s6  }
.Ltmp2:
0x4e0: {  	[sflag:s18] =	ssyncset.done $0x0;
	(pc) =	sbr.rel @p0 .LBB2_1-.Ltmp2, $4  }
0x4e1: {  	[sflag:s18] =	ssyncadd.s32 $0xFFFFE000  }
0x4e2: {  	_ =	swait.ge [sflag:s18], $0x2000  }
0x4e3: {  	[sflag:s18] =	ssyncset.done $0x0  }
0x4e4: {  	[sflag:s18] =	ssyncadd.s32 $0xFFFFE000  }
0x4e5: {  	_ =	sfence.sel $0x180000  }
0x4e6: {  	[bflag:$0x0] =	sbarrier.arrive $0xFFFF  }
0x4e7: {  	p0 =	sne.s32 s2, $0x0;
	_ =	strace $0x90000047  }
0x4e8: {  	s0 =	sadd.s32 @!p0 $0x100000, s0;
	[bflag:$0x2] =	sbarrier.arrive $0xFFFF  }
0x4e9: {  	[sflag:s0] =	ssyncadd.tile.s32 @!p0 $0x1;
	_ =	shalt  }
.Lfunc_end2:
_tile_overlayer_lowered:
.L_overlay_start_2:
0x4ea: {  	(tag) =	ssettag $0x2  }
0x4eb: {  	s0 =	rddreg [dreg:$0x0];
	s2 =	stileid.u32  }
0x4ec: {  	s1 =	rddreg [dreg:$0x1];
	p0 =	sne.s32 s2, $0x0  }
0x4ed: {  	s3 =	rddreg [dreg:$0x2];
	[bflag:$0x3] =	sbarrier.arrive $0xFFFF;
	s2 =	simm.s32 @!p0 $0x1C03  }
0x4ee: {  	[timem:s3], [sflag:s2] =	dma.local @!p0 [hbm:s0], s1  }
0x4ef: {  	s0 =	simm.s32 @!p0 $0x3  }
0x4f0: {  	_ =	swait.ge @!p0 [sflag:s0], s1  }
0x4f1: {  	s1 =	ssub.s32 @!p0 $0x0, s1;
	[sflag:s0] =	ssyncset.done @!p0 $0x0  }
0x4f2: {  	[sflag:s0] =	ssyncadd.s32 @!p0 s1  }
0x4f3: {  	[bflag:$0x3] =	sbarrier.arrive $0xFFFF  }
0x4f4: {  	_ =	shalt  }

</sc_bundles>
